<compile_context>
chip_gen: v7x
topology: tpu7x:2x2x1
jax: 0.10.2.dev20260603
libtpu: 0.0.44.dev20260713+nightly
codegen_flags: <defaults>
</compile_context>

<pallas_src>
import dataclasses
import functools

import jax
import jax.numpy as jnp
from jax import lax
from jax.experimental import pallas as pl
from jax.experimental.pallas import tpu as pltpu
from jax.experimental.pallas import tpu_sc as plsc

N = 10000
D = 128
N_PAD = 10240
E = 320000
NC, NS = 2, 16
NW = NC * NS
CHUNK = 128
EDGES_PER_TILE = 10240
CHUNKS_PER_TILE = EDGES_PER_TILE // CHUNK
C0_CHUNKS = 152
C1_CHUNKS = 2 * CHUNKS_PER_TILE - C0_CHUNKS
NBUF = 2
E_PAD = NW * EDGES_PER_TILE
N_CHUNKS = E_PAD // CHUNK
ROWS_PER_SUBCORE = N_PAD // NS
DEG_W = 1

_mesh = plsc.VectorSubcoreMesh(core_axis_name="c", subcore_axis_name="s")

_sc_params = pltpu.CompilerParams()
if "needs_layout_passes" in pltpu.CompilerParams.__dataclass_fields__:
    _sc_params = dataclasses.replace(_sc_params, needs_layout_passes=False)


@functools.partial(
    pl.kernel,
    mesh=_mesh,
    compiler_params=_sc_params,
    out_type=jax.ShapeDtypeStruct((NC * N_PAD,), jnp.float32),
    scratch_types=[
        pltpu.VMEM((CHUNK,), jnp.int32),
        pltpu.VMEM((N_PAD,), jnp.float32),
        pltpu.VMEM((NS * ROWS_PER_SUBCORE,), jnp.float32),
        pltpu.VMEM((ROWS_PER_SUBCORE,), jnp.float32),
        pltpu.VMEM_SHARED((NS * N_PAD,), jnp.float32),
    ],
)
def _deg_kernel(dst_hbm, deg_hbm, dst_v, cnt_v, gath_v, res_v, stage_sh):
    c = lax.axis_index("c")
    s = lax.axis_index("s")
    base = (c * NS + s) * EDGES_PER_TILE
    r0 = s * ROWS_PER_SUBCORE

    @pl.loop(0, N_PAD, step=16)
    def _(k):
        cnt_v.at[pl.ds(k, 16)][...] = jnp.zeros((16,), jnp.float32)

    ones = jnp.ones((16,), jnp.float32)

    @pl.loop(0, CHUNKS_PER_TILE)
    def _(j):
        pltpu.sync_copy(dst_hbm.at[pl.ds(base + j * CHUNK, CHUNK)], dst_v)

        @pl.loop(0, CHUNK, step=16)
        def _(k):
            plsc.addupdate_scatter(cnt_v, [dst_v[pl.ds(k, 16)]], ones)

    pltpu.sync_copy(cnt_v, stage_sh.at[pl.ds(s * N_PAD, N_PAD)])
    plsc.subcore_barrier()
    for r in range(NS):
        pltpu.sync_copy(
            stage_sh.at[pl.ds(r * N_PAD + r0, ROWS_PER_SUBCORE)],
            gath_v.at[pl.ds(r * ROWS_PER_SUBCORE, ROWS_PER_SUBCORE)])

    @pl.loop(0, ROWS_PER_SUBCORE, step=16)
    def _(k):
        acc = jnp.zeros((16,), jnp.float32)
        for r in range(NS):
            acc = acc + gath_v[pl.ds(r * ROWS_PER_SUBCORE + k, 16)]
        res_v.at[pl.ds(k, 16)][...] = acc

    pltpu.sync_copy(res_v, deg_hbm.at[pl.ds(c * N_PAD + r0, ROWS_PER_SUBCORE)])


@functools.partial(
    pl.kernel,
    mesh=_mesh,
    out_type=jax.ShapeDtypeStruct((NC * N_PAD, D), jnp.float32),
    scratch_types=(
        [pltpu.VMEM((CHUNK,), jnp.int32) for _ in range(2 * NBUF)]
        + [pltpu.VMEM((CHUNK, D), jnp.float32) for _ in range(NBUF)]
        + [pltpu.VMEM_SHARED((N_PAD, D), jnp.float32)]
        + [pltpu.SemaphoreType.DMA for _ in range(2 * NBUF)]
    ),
)
def _scatter_kernel(hs_hbm, src_hbm, dst_hbm, zero_hbm, out_hbm, *scratch):
    src_v = scratch[0:NBUF]
    dst_v = scratch[NBUF:2 * NBUF]
    rows_v = scratch[2 * NBUF:3 * NBUF]
    acc_sh = scratch[3 * NBUF]
    semg = scratch[3 * NBUF + 1:3 * NBUF + 1 + NBUF]
    semi = scratch[3 * NBUF + 1 + NBUF:3 * NBUF + 1 + 2 * NBUF]

    c = lax.axis_index("c")
    s = lax.axis_index("s")
    nch = jnp.where(c == 0, C0_CHUNKS, C1_CHUNKS)
    base = jnp.where(
        c == 0, s * (C0_CHUNKS * CHUNK),
        NS * (C0_CHUNKS * CHUNK) + s * (C1_CHUNKS * CHUNK))

    r0 = s * ROWS_PER_SUBCORE
    pltpu.sync_copy(zero_hbm, acc_sh.at[pl.ds(r0, ROWS_PER_SUBCORE)])
    plsc.subcore_barrier()

    def run(hs_hbm):
        for k in range(NBUF - 1):
            pltpu.sync_copy(src_hbm.at[pl.ds(base + k * CHUNK, CHUNK)], src_v[k])
            pltpu.sync_copy(dst_hbm.at[pl.ds(base + k * CHUNK, CHUNK)], dst_v[k])
            pltpu.async_copy(hs_hbm.at[src_v[k]], rows_v[k], semg[k])
        kb = NBUF - 1
        pltpu.async_copy(
            src_hbm.at[pl.ds(base + kb * CHUNK, CHUNK)], src_v[kb], semi[kb])
        pltpu.async_copy(
            dst_hbm.at[pl.ds(base + kb * CHUNK, CHUNK)], dst_v[kb], semi[kb])

        @pl.loop(0, nch, step=NBUF)
        def _(g):
            for b in range(NBUF):
                j = g + b
                o = (b + NBUF - 1) % NBUF

                @pl.when(j + NBUF - 1 < nch)
                def _():
                    off = base + (j + NBUF - 1) * CHUNK
                    pltpu.make_async_copy(
                        src_hbm.at[pl.ds(off, CHUNK)], src_v[o], semi[o]).wait()
                    pltpu.make_async_copy(
                        dst_hbm.at[pl.ds(off, CHUNK)], dst_v[o], semi[o]).wait()
                    pltpu.async_copy(hs_hbm.at[src_v[o]], rows_v[o], semg[o])

                pltpu.make_async_copy(
                    hs_hbm.at[src_v[b]], rows_v[b], semg[b]).wait()
                pltpu.sync_copy(rows_v[b], acc_sh.at[dst_v[b]], add=True)

                @pl.when(j + NBUF < nch)
                def _():
                    off = base + (j + NBUF) * CHUNK
                    pltpu.async_copy(
                        src_hbm.at[pl.ds(off, CHUNK)], src_v[b], semi[b])
                    pltpu.async_copy(
                        dst_hbm.at[pl.ds(off, CHUNK)], dst_v[b], semi[b])

    run(hs_hbm)

    plsc.subcore_barrier()
    pltpu.sync_copy(acc_sh.at[pl.ds(r0, ROWS_PER_SUBCORE)],
                    out_hbm.at[pl.ds(c * N_PAD + r0, ROWS_PER_SUBCORE)])


_BLK = 1280
_GRID = N_PAD // _BLK


def _row_spec(w=D):
    return pl.BlockSpec((_BLK, w), lambda i: (i, 0))


def _fixed_spec(shape):
    return pl.BlockSpec(shape, lambda i: tuple(0 for _ in shape))


def _dinv(dga_ref, dgb_ref):
    deg = dga_ref[...] + dgb_ref[...] + 1.0
    return lax.rsqrt(deg)


def _mm_body(x_ref, w_ref, o_ref):
    o_ref[...] = lax.dot_general(
        x_ref[...], w_ref[...], (((1,), (0,)), ((), ())),
        precision=lax.Precision.HIGHEST, preferred_element_type=jnp.float32)


_mm = pl.pallas_call(
    _mm_body,
    grid=(_GRID,),
    in_specs=[_row_spec(), _fixed_spec((D, D))],
    out_specs=_row_spec(),
    out_shape=jax.ShapeDtypeStruct((N_PAD, D), jnp.float32),
)


def _scale_body(h_ref, dga_ref, dgb_ref, o_ref):
    o_ref[...] = _dinv(dga_ref, dgb_ref) * h_ref[...]


_scale = pl.pallas_call(
    _scale_body,
    grid=(_GRID,),
    in_specs=[_row_spec(), _row_spec(DEG_W), _row_spec(DEG_W)],
    out_specs=_row_spec(),
    out_shape=jax.ShapeDtypeStruct((N_PAD, D), jnp.float32),
)


def _mid_body(sa_ref, sb_ref, hs_ref, dga_ref, dgb_ref, b_ref, w_ref, o_ref):
    dinv = _dinv(dga_ref, dgb_ref)
    t = jnp.maximum(dinv * (sa_ref[...] + sb_ref[...] + hs_ref[...]) + b_ref[...], 0.0)
    o_ref[...] = dinv * lax.dot_general(
        t, w_ref[...], (((1,), (0,)), ((), ())),
        precision=lax.Precision.HIGHEST, preferred_element_type=jnp.float32)


_mid = pl.pallas_call(
    _mid_body,
    grid=(_GRID,),
    in_specs=[_row_spec(), _row_spec(), _row_spec(), _row_spec(DEG_W),
              _row_spec(DEG_W), _fixed_spec((1, D)), _fixed_spec((D, D))],
    out_specs=_row_spec(),
    out_shape=jax.ShapeDtypeStruct((N_PAD, D), jnp.float32),
)


def _out_body(sa_ref, sb_ref, hs_ref, dga_ref, dgb_ref, b_ref, o_ref):
    dinv = _dinv(dga_ref, dgb_ref)
    o_ref[...] = dinv * (sa_ref[...] + sb_ref[...] + hs_ref[...]) + b_ref[...]


_out = pl.pallas_call(
    _out_body,
    grid=(_GRID,),
    in_specs=[_row_spec(), _row_spec(), _row_spec(), _row_spec(DEG_W),
              _row_spec(DEG_W), _fixed_spec((1, D))],
    out_specs=_row_spec(),
    out_shape=jax.ShapeDtypeStruct((N_PAD, D), jnp.float32),
)


def kernel(x, edge_index, W1, b1, W2, b2):
    src = edge_index[0].astype(jnp.int32)
    dst = edge_index[1].astype(jnp.int32)
    pad = jnp.full((E_PAD - E,), N, jnp.int32)
    src_p = jnp.concatenate([src, pad])
    dst_p = jnp.concatenate([dst, pad])
    x_p = jnp.pad(x, ((0, N_PAD - N), (0, 0)))
    zeroD = jnp.zeros((ROWS_PER_SUBCORE, D), jnp.float32)

    deg2 = _deg_kernel(dst_p).reshape(NC, N_PAD, DEG_W)
    dga, dgb = deg2[0], deg2[1]

    h1 = _mm(x_p, W1)
    hs1 = _scale(h1, dga, dgb)
    s1 = _scatter_kernel(hs1, src_p, dst_p, zeroD).reshape(NC, N_PAD, D)
    hs2 = _mid(s1[0], s1[1], hs1, dga, dgb, b1.reshape(1, D), W2)
    s2 = _scatter_kernel(hs2, src_p, dst_p, zeroD).reshape(NC, N_PAD, D)
    out = _out(s2[0], s2[1], hs2, dga, dgb, b2.reshape(1, D))
    return out[:N]

# --- scband reference (transcript-rebuilt; emitter-appended) ---
"""Pipeline reference for scband-stacked-gcnencoder-89343909692103 (READ-ONLY COPY).

The authoritative reference and input builder live on the scoring server;
editing this copy changes nothing except your own understanding.
"""

import jax, jax.numpy as jnp
import numpy as np

N_NODES = 10000
N_EDGES = 320000
D_IN = 128
D_HID = 128
D_OUT = 128


def setup_inputs(seed: int = 0) -> dict:
    key = jax.random.key(seed)
    k1, k2, k3, k4, k5 = jax.random.split(key, 5)
    x = jax.random.normal(k1, (N_NODES, D_IN), dtype=jnp.float32)
    edge_index = jax.random.randint(k2, (2, N_EDGES), 0, N_NODES, dtype=jnp.int64)
    # Glorot-style init for GCN layer weights
    s1 = 1.0 / np.sqrt(D_IN)
    s2 = 1.0 / np.sqrt(D_HID)
    W1 = jax.random.uniform(k3, (D_IN, D_HID), dtype=jnp.float32, minval=-s1, maxval=s1)
    b1 = jnp.zeros((D_HID,), dtype=jnp.float32)
    W2 = jax.random.uniform(k4, (D_HID, D_OUT), dtype=jnp.float32, minval=-s2, maxval=s2)
    b2 = jnp.zeros((D_OUT,), dtype=jnp.float32)
    return {"x": x, "edge_index": edge_index, "W1": W1, "b1": b1, "W2": W2, "b2": b2}


def _gcn_conv(x, src, dst, W, b):
    # PyG GCNConv: out = D^-1/2 (A + I) D^-1/2 (x W) + b
    n = x.shape[0]
    deg = jnp.zeros((n,), dtype=x.dtype).at[dst].add(1.0)
    dinv = jnp.where(deg > 0, deg ** -0.5, 0.0)
    norm = dinv[src] * dinv[dst]
    h = x @ W
    msg = h[src] * norm[:, None]
    out = jnp.zeros((n, W.shape[1]), dtype=x.dtype).at[dst].add(msg)
    return out + b


def reference(x, edge_index, W1, b1, W2, b2):
    n = x.shape[0]
    loop = jnp.arange(n, dtype=edge_index.dtype)
    src = jnp.concatenate([edge_index[0], loop])
    dst = jnp.concatenate([edge_index[1], loop])
    h = _gcn_conv(x, src, dst, W1, b1)
    h = jax.nn.relu(h)
    # dropout p=0.0 -> identity
    h = _gcn_conv(h, src, dst, W2, b2)
    return h

if __name__ == "__main__":
    import jax
    _d = setup_inputs()
    print(jax.jit(kernel)(*tuple(_d.values())))

</pallas_src>

<mosaic_0001>
#map = affine_map<(d0, d1) -> (0)>
module attributes {stable_mosaic.version = 14 : i64} {
  func.func @_deg_kernel(%arg0: i32, %arg1: i32, %arg2: memref<327680xi32, #tpu.memory_space<hbm>>, %arg3: memref<20480xf32, #tpu.memory_space<hbm>>, %arg4: memref<128xi32, #tpu.memory_space<vmem>>, %arg5: memref<10240xf32, #tpu.memory_space<vmem>>, %arg6: memref<10240xf32, #tpu.memory_space<vmem>>, %arg7: memref<640xf32, #tpu.memory_space<vmem>>, %arg8: memref<163840xf32, #tpu.memory_space<vmem_shared>>) attributes {dimension_semantics = [#tpu.dimension_semantics<core_parallel>, #tpu.dimension_semantics<subcore_parallel>], iteration_bounds = array<i64: 2, 16>, scalar_prefetch = 0 : i64, scratch_operands = 5 : i64, tpu.core_type = #tpu.core_type<sc_vector_subcore>, window_params = [{transform_indices = #map}, {transform_indices = #map}]} {
    %mul3A = arith.constant 16 : i32
    %mul3A_0 = arith.muli %arg0, %mul3A : i32
    %add3A = arith.addi %mul3A_0, %arg1 : i32
    %mul3A_1 = arith.constant 10240 : i32
    %mul3A_2 = arith.muli %add3A, %mul3A_1 : i32
    %mul3A_3 = arith.constant 640 : i32
    %mul3A_4 = arith.muli %arg1, %mul3A_3 : i32
    %scan3A = arith.constant 0 : i32
    %scan3A_5 = arith.constant 640 : i32
    %scan3A_6 = arith.addi %scan3A, %scan3A_5 : i32
    %scan3A_7 = arith.constant 1 : i32
    scf.for %scan3A_57 = %scan3A to %scan3A_6 step %scan3A_7  : i32 {
      %mul3A_58 = arith.constant 16 : i32
      %mul3A_59 = arith.muli %scan3A_57, %mul3A_58 : i32
      %add3A_60 = arith.constant 0 : i32
      %add3A_61 = arith.addi %add3A_60, %mul3A_59 : i32
      %broadcast_in_dim3A_62 = arith.constant 0.000000e+00 : f32
      %broadcast_in_dim3A_63 = vector.broadcast %broadcast_in_dim3A_62 : f32 to vector<16xf32>
      %swap3A = arith.index_cast %add3A_61 : i32 to index
      %swap3A_64 = tpu.vector_load %arg5[%swap3A] {strides = array<i32>} : memref<10240xf32, #tpu.memory_space<vmem>>, vector<16xf32>,
      tpu.vector_store %arg5[%swap3A], %broadcast_in_dim3A_63 {strides = array<i32>} : memref<10240xf32, #tpu.memory_space<vmem>>, vector<16xf32>,
    }
    %scan3A_8 = arith.constant 640 : i32
    %broadcast_in_dim3A = arith.constant 1.000000e+00 : f32
    %broadcast_in_dim3A_9 = vector.broadcast %broadcast_in_dim3A : f32 to vector<16xf32>
    %scan3A_10 = arith.constant 0 : i32
    %scan3A_11 = arith.constant 80 : i32
    %scan3A_12 = arith.addi %scan3A_10, %scan3A_11 : i32
    %scan3A_13 = arith.constant 1 : i32
    scf.for %scan3A_57 = %scan3A_10 to %scan3A_12 step %scan3A_13  : i32 {
      %mul3A_58 = arith.constant 1 : i32
      %mul3A_59 = arith.muli %scan3A_57, %mul3A_58 : i32
      %add3A_60 = arith.constant 0 : i32
      %add3A_61 = arith.addi %add3A_60, %mul3A_59 : i32
      %mul3A_62 = arith.constant 128 : i32
      %mul3A_63 = arith.muli %add3A_61, %mul3A_62 : i32
      %add3A_64 = arith.addi %mul3A_2, %mul3A_63 : i32
      "tpu.region"() ({
        %run_scoped3A = tpu.sem_alloc : memref<!tpu.dma_semaphore, #tpu.memory_space<semaphore_mem>>
        %dma_start3A = tpu.memref_slice %arg2[%add3A_64] : memref<327680xi32, #tpu.memory_space<hbm>> -> memref<128xi32, #tpu.memory_space<hbm>>
        %dma_start3A_70 = tpu.memref_slice %arg2[%add3A_64] : memref<327680xi32, #tpu.memory_space<hbm>> -> memref<128xi32, #tpu.memory_space<hbm>>
        tpu.enqueue_dma source(%dma_start3A_70 : memref<128xi32, #tpu.memory_space<hbm>>) target(%arg4 : memref<128xi32, #tpu.memory_space<vmem>>) target_semaphore(%run_scoped3A : memref<!tpu.dma_semaphore, #tpu.memory_space<semaphore_mem>>)
        %dma_wait3A = tpu.memref_slice %arg2[%add3A_64] : memref<327680xi32, #tpu.memory_space<hbm>> -> memref<128xi32, #tpu.memory_space<hbm>>
        %dma_wait3A_71 = tpu.memref_slice %arg2[%add3A_64] : memref<327680xi32, #tpu.memory_space<hbm>> -> memref<128xi32, #tpu.memory_space<hbm>>
        tpu.wait_dma2 semaphore(%run_scoped3A : memref<!tpu.dma_semaphore, #tpu.memory_space<semaphore_mem>>) src(%dma_wait3A_71 : memref<128xi32, #tpu.memory_space<hbm>>) dst(%arg4 : memref<128xi32, #tpu.memory_space<vmem>>)
        tpu.yield
      }) : () -> ()
      %scan3A_65 = arith.constant 0 : i32
      %scan3A_66 = arith.constant 8 : i32
      %scan3A_67 = arith.addi %scan3A_65, %scan3A_66 : i32
      %scan3A_68 = arith.constant 1 : i32
      scf.for %scan3A_70 = %scan3A_65 to %scan3A_67 step %scan3A_68  : i32 {
        %mul3A_71 = arith.constant 16 : i32
        %mul3A_72 = arith.muli %scan3A_70, %mul3A_71 : i32
        %add3A_73 = arith.constant 0 : i32
        %add3A_74 = arith.addi %add3A_73, %mul3A_72 : i32
        %get3A = arith.index_cast %add3A_74 : i32 to index
        %get3A_75 = tpu.vector_load %arg4[%get3A] {strides = array<i32>} : memref<128xi32, #tpu.memory_space<vmem>>, vector<16xi32>,
        tpu.vector_store_idx %arg5[%get3A_75], %broadcast_in_dim3A_9 {add = true} : memref<10240xf32, #tpu.memory_space<vmem>>[vector<16xi32>], vector<16xf32>,
      }
      %scan3A_69 = arith.constant 8 : i32
    }
    %scan3A_14 = arith.constant 80 : i32
    %mul3A_15 = arith.constant 10240 : i32
    %mul3A_16 = arith.muli %arg1, %mul3A_15 : i32
    "tpu.region"() ({
      %run_scoped3A = tpu.sem_alloc : memref<!tpu.dma_semaphore, #tpu.memory_space<semaphore_mem>>
      %dma_start3A = tpu.memref_slice %arg8[%mul3A_16] : memref<163840xf32, #tpu.memory_space<vmem_shared>> -> memref<10240xf32, #tpu.memory_space<vmem_shared>>
      %dma_start3A_57 = tpu.memref_slice %arg8[%mul3A_16] : memref<163840xf32, #tpu.memory_space<vmem_shared>> -> memref<10240xf32, #tpu.memory_space<vmem_shared>>
      tpu.enqueue_dma source(%arg5 : memref<10240xf32, #tpu.memory_space<vmem>>) target(%dma_start3A_57 : memref<10240xf32, #tpu.memory_space<vmem_shared>>) target_semaphore(%run_scoped3A : memref<!tpu.dma_semaphore, #tpu.memory_space<semaphore_mem>>)
      %dma_wait3A = tpu.memref_slice %arg8[%mul3A_16] : memref<163840xf32, #tpu.memory_space<vmem_shared>> -> memref<10240xf32, #tpu.memory_space<vmem_shared>>
      %dma_wait3A_58 = tpu.memref_slice %arg8[%mul3A_16] : memref<163840xf32, #tpu.memory_space<vmem_shared>> -> memref<10240xf32, #tpu.memory_space<vmem_shared>>
      tpu.wait_dma2 semaphore(%run_scoped3A : memref<!tpu.dma_semaphore, #tpu.memory_space<semaphore_mem>>) src(%arg5 : memref<10240xf32, #tpu.memory_space<vmem>>) dst(%dma_wait3A_58 : memref<10240xf32, #tpu.memory_space<vmem_shared>>)
      tpu.yield
    }) : () -> ()
    %barrier3A = arith.constant 0 : index
    tpu.barrier barrier_id(%barrier3A)
    %add3A_17 = arith.constant 0 : i32
    %add3A_18 = arith.addi %add3A_17, %mul3A_4 : i32
    "tpu.region"() ({
      %run_scoped3A = tpu.sem_alloc : memref<!tpu.dma_semaphore, #tpu.memory_space<semaphore_mem>>
      %dma_start3A = arith.constant 0 : i32
      %dma_start3A_57 = tpu.memref_slice %arg6[%dma_start3A] : memref<10240xf32, #tpu.memory_space<vmem>> -> memref<640xf32, #tpu.memory_space<vmem>>
      %dma_start3A_58 = tpu.memref_slice %arg8[%add3A_18] : memref<163840xf32, #tpu.memory_space<vmem_shared>> -> memref<640xf32, #tpu.memory_space<vmem_shared>>
      %dma_start3A_59 = arith.constant 0 : i32
      %dma_start3A_60 = tpu.memref_slice %arg6[%dma_start3A_59] : memref<10240xf32, #tpu.memory_space<vmem>> -> memref<640xf32, #tpu.memory_space<vmem>>
      %dma_start3A_61 = tpu.memref_slice %arg8[%add3A_18] : memref<163840xf32, #tpu.memory_space<vmem_shared>> -> memref<640xf32, #tpu.memory_space<vmem_shared>>
      tpu.enqueue_dma source(%dma_start3A_61 : memref<640xf32, #tpu.memory_space<vmem_shared>>) target(%dma_start3A_60 : memref<640xf32, #tpu.memory_space<vmem>>) target_semaphore(%run_scoped3A : memref<!tpu.dma_semaphore, #tpu.memory_space<semaphore_mem>>)
      %dma_wait3A = arith.constant 0 : i32
      %dma_wait3A_62 = tpu.memref_slice %arg6[%dma_wait3A] : memref<10240xf32, #tpu.memory_space<vmem>> -> memref<640xf32, #tpu.memory_space<vmem>>
      %dma_wait3A_63 = tpu.memref_slice %arg8[%add3A_18] : memref<163840xf32, #tpu.memory_space<vmem_shared>> -> memref<640xf32, #tpu.memory_space<vmem_shared>>
      %dma_wait3A_64 = arith.constant 0 : i32
      %dma_wait3A_65 = tpu.memref_slice %arg6[%dma_wait3A_64] : memref<10240xf32, #tpu.memory_space<vmem>> -> memref<640xf32, #tpu.memory_space<vmem>>
      %dma_wait3A_66 = tpu.memref_slice %arg8[%add3A_18] : memref<163840xf32, #tpu.memory_space<vmem_shared>> -> memref<640xf32, #tpu.memory_space<vmem_shared>>
      tpu.wait_dma2 semaphore(%run_scoped3A : memref<!tpu.dma_semaphore, #tpu.memory_space<semaphore_mem>>) src(%dma_wait3A_66 : memref<640xf32, #tpu.memory_space<vmem_shared>>) dst(%dma_wait3A_65 : memref<640xf32, #tpu.memory_space<vmem>>)
      tpu.yield
    }) : () -> ()
    %add3A_19 = arith.constant 10240 : i32
    %add3A_20 = arith.addi %add3A_19, %mul3A_4 : i32
    "tpu.region"() ({
      %run_scoped3A = tpu.sem_alloc : memref<!tpu.dma_semaphore, #tpu.memory_space<semaphore_mem>>
      %dma_start3A = arith.constant 640 : i32
      %dma_start3A_57 = tpu.memref_slice %arg6[%dma_start3A] : memref<10240xf32, #tpu.memory_space<vmem>> -> memref<640xf32, #tpu.memory_space<vmem>>
      %dma_start3A_58 = tpu.memref_slice %arg8[%add3A_20] : memref<163840xf32, #tpu.memory_space<vmem_shared>> -> memref<640xf32, #tpu.memory_space<vmem_shared>>
      %dma_start3A_59 = arith.constant 640 : i32
      %dma_start3A_60 = tpu.memref_slice %arg6[%dma_start3A_59] : memref<10240xf32, #tpu.memory_space<vmem>> -> memref<640xf32, #tpu.memory_space<vmem>>
      %dma_start3A_61 = tpu.memref_slice %arg8[%add3A_20] : memref<163840xf32, #tpu.memory_space<vmem_shared>> -> memref<640xf32, #tpu.memory_space<vmem_shared>>
      tpu.enqueue_dma source(%dma_start3A_61 : memref<640xf32, #tpu.memory_space<vmem_shared>>) target(%dma_start3A_60 : memref<640xf32, #tpu.memory_space<vmem>>) target_semaphore(%run_scoped3A : memref<!tpu.dma_semaphore, #tpu.memory_space<semaphore_mem>>)
      %dma_wait3A = arith.constant 640 : i32
      %dma_wait3A_62 = tpu.memref_slice %arg6[%dma_wait3A] : memref<10240xf32, #tpu.memory_space<vmem>> -> memref<640xf32, #tpu.memory_space<vmem>>
      %dma_wait3A_63 = tpu.memref_slice %arg8[%add3A_20] : memref<163840xf32, #tpu.memory_space<vmem_shared>> -> memref<640xf32, #tpu.memory_space<vmem_shared>>
      %dma_wait3A_64 = arith.constant 640 : i32
      %dma_wait3A_65 = tpu.memref_slice %arg6[%dma_wait3A_64] : memref<10240xf32, #tpu.memory_space<vmem>> -> memref<640xf32, #tpu.memory_space<vmem>>
      %dma_wait3A_66 = tpu.memref_slice %arg8[%add3A_20] : memref<163840xf32, #tpu.memory_space<vmem_shared>> -> memref<640xf32, #tpu.memory_space<vmem_shared>>
      tpu.wait_dma2 semaphore(%run_scoped3A : memref<!tpu.dma_semaphore, #tpu.memory_space<semaphore_mem>>) src(%dma_wait3A_66 : memref<640xf32, #tpu.memory_space<vmem_shared>>) dst(%dma_wait3A_65 : memref<640xf32, #tpu.memory_space<vmem>>)
      tpu.yield
    }) : () -> ()
    %add3A_21 = arith.constant 20480 : i32
    %add3A_22 = arith.addi %add3A_21, %mul3A_4 : i32
    "tpu.region"() ({
      %run_scoped3A = tpu.sem_alloc : memref<!tpu.dma_semaphore, #tpu.memory_space<semaphore_mem>>
      %dma_start3A = arith.constant 1280 : i32
      %dma_start3A_57 = tpu.memref_slice %arg6[%dma_start3A] : memref<10240xf32, #tpu.memory_space<vmem>> -> memref<640xf32, #tpu.memory_space<vmem>>
      %dma_start3A_58 = tpu.memref_slice %arg8[%add3A_22] : memref<163840xf32, #tpu.memory_space<vmem_shared>> -> memref<640xf32, #tpu.memory_space<vmem_shared>>
      %dma_start3A_59 = arith.constant 1280 : i32
      %dma_start3A_60 = tpu.memref_slice %arg6[%dma_start3A_59] : memref<10240xf32, #tpu.memory_space<vmem>> -> memref<640xf32, #tpu.memory_space<vmem>>
      %dma_start3A_61 = tpu.memref_slice %arg8[%add3A_22] : memref<163840xf32, #tpu.memory_space<vmem_shared>> -> memref<640xf32, #tpu.memory_space<vmem_shared>>
      tpu.enqueue_dma source(%dma_start3A_61 : memref<640xf32, #tpu.memory_space<vmem_shared>>) target(%dma_start3A_60 : memref<640xf32, #tpu.memory_space<vmem>>) target_semaphore(%run_scoped3A : memref<!tpu.dma_semaphore, #tpu.memory_space<semaphore_mem>>)
      %dma_wait3A = arith.constant 1280 : i32
      %dma_wait3A_62 = tpu.memref_slice %arg6[%dma_wait3A] : memref<10240xf32, #tpu.memory_space<vmem>> -> memref<640xf32, #tpu.memory_space<vmem>>
      %dma_wait3A_63 = tpu.memref_slice %arg8[%add3A_22] : memref<163840xf32, #tpu.memory_space<vmem_shared>> -> memref<640xf32, #tpu.memory_space<vmem_shared>>
      %dma_wait3A_64 = arith.constant 1280 : i32
      %dma_wait3A_65 = tpu.memref_slice %arg6[%dma_wait3A_64] : memref<10240xf32, #tpu.memory_space<vmem>> -> memref<640xf32, #tpu.memory_space<vmem>>
      %dma_wait3A_66 = tpu.memref_slice %arg8[%add3A_22] : memref<163840xf32, #tpu.memory_space<vmem_shared>> -> memref<640xf32, #tpu.memory_space<vmem_shared>>
      tpu.wait_dma2 semaphore(%run_scoped3A : memref<!tpu.dma_semaphore, #tpu.memory_space<semaphore_mem>>) src(%dma_wait3A_66 : memref<640xf32, #tpu.memory_space<vmem_shared>>) dst(%dma_wait3A_65 : memref<640xf32, #tpu.memory_space<vmem>>)
      tpu.yield
    }) : () -> ()
    %add3A_23 = arith.constant 30720 : i32
    %add3A_24 = arith.addi %add3A_23, %mul3A_4 : i32
    "tpu.region"() ({
      %run_scoped3A = tpu.sem_alloc : memref<!tpu.dma_semaphore, #tpu.memory_space<semaphore_mem>>
      %dma_start3A = arith.constant 1920 : i32
      %dma_start3A_57 = tpu.memref_slice %arg6[%dma_start3A] : memref<10240xf32, #tpu.memory_space<vmem>> -> memref<640xf32, #tpu.memory_space<vmem>>
      %dma_start3A_58 = tpu.memref_slice %arg8[%add3A_24] : memref<163840xf32, #tpu.memory_space<vmem_shared>> -> memref<640xf32, #tpu.memory_space<vmem_shared>>
      %dma_start3A_59 = arith.constant 1920 : i32
      %dma_start3A_60 = tpu.memref_slice %arg6[%dma_start3A_59] : memref<10240xf32, #tpu.memory_space<vmem>> -> memref<640xf32, #tpu.memory_space<vmem>>
      %dma_start3A_61 = tpu.memref_slice %arg8[%add3A_24] : memref<163840xf32, #tpu.memory_space<vmem_shared>> -> memref<640xf32, #tpu.memory_space<vmem_shared>>
      tpu.enqueue_dma source(%dma_start3A_61 : memref<640xf32, #tpu.memory_space<vmem_shared>>) target(%dma_start3A_60 : memref<640xf32, #tpu.memory_space<vmem>>) target_semaphore(%run_scoped3A : memref<!tpu.dma_semaphore, #tpu.memory_space<semaphore_mem>>)
      %dma_wait3A = arith.constant 1920 : i32
      %dma_wait3A_62 = tpu.memref_slice %arg6[%dma_wait3A] : memref<10240xf32, #tpu.memory_space<vmem>> -> memref<640xf32, #tpu.memory_space<vmem>>
      %dma_wait3A_63 = tpu.memref_slice %arg8[%add3A_24] : memref<163840xf32, #tpu.memory_space<vmem_shared>> -> memref<640xf32, #tpu.memory_space<vmem_shared>>
      %dma_wait3A_64 = arith.constant 1920 : i32
      %dma_wait3A_65 = tpu.memref_slice %arg6[%dma_wait3A_64] : memref<10240xf32, #tpu.memory_space<vmem>> -> memref<640xf32, #tpu.memory_space<vmem>>
      %dma_wait3A_66 = tpu.memref_slice %arg8[%add3A_24] : memref<163840xf32, #tpu.memory_space<vmem_shared>> -> memref<640xf32, #tpu.memory_space<vmem_shared>>
      tpu.wait_dma2 semaphore(%run_scoped3A : memref<!tpu.dma_semaphore, #tpu.memory_space<semaphore_mem>>) src(%dma_wait3A_66 : memref<640xf32, #tpu.memory_space<vmem_shared>>) dst(%dma_wait3A_65 : memref<640xf32, #tpu.memory_space<vmem>>)
      tpu.yield
    }) : () -> ()
    %add3A_25 = arith.constant 40960 : i32
    %add3A_26 = arith.addi %add3A_25, %mul3A_4 : i32
    "tpu.region"() ({
      %run_scoped3A = tpu.sem_alloc : memref<!tpu.dma_semaphore, #tpu.memory_space<semaphore_mem>>
      %dma_start3A = arith.constant 2560 : i32
      %dma_start3A_57 = tpu.memref_slice %arg6[%dma_start3A] : memref<10240xf32, #tpu.memory_space<vmem>> -> memref<640xf32, #tpu.memory_space<vmem>>
      %dma_start3A_58 = tpu.memref_slice %arg8[%add3A_26] : memref<163840xf32, #tpu.memory_space<vmem_shared>> -> memref<640xf32, #tpu.memory_space<vmem_shared>>
      %dma_start3A_59 = arith.constant 2560 : i32
      %dma_start3A_60 = tpu.memref_slice %arg6[%dma_start3A_59] : memref<10240xf32, #tpu.memory_space<vmem>> -> memref<640xf32, #tpu.memory_space<vmem>>
      %dma_start3A_61 = tpu.memref_slice %arg8[%add3A_26] : memref<163840xf32, #tpu.memory_space<vmem_shared>> -> memref<640xf32, #tpu.memory_space<vmem_shared>>
      tpu.enqueue_dma source(%dma_start3A_61 : memref<640xf32, #tpu.memory_space<vmem_shared>>) target(%dma_start3A_60 : memref<640xf32, #tpu.memory_space<vmem>>) target_semaphore(%run_scoped3A : memref<!tpu.dma_semaphore, #tpu.memory_space<semaphore_mem>>)
      %dma_wait3A = arith.constant 2560 : i32
      %dma_wait3A_62 = tpu.memref_slice %arg6[%dma_wait3A] : memref<10240xf32, #tpu.memory_space<vmem>> -> memref<640xf32, #tpu.memory_space<vmem>>
      %dma_wait3A_63 = tpu.memref_slice %arg8[%add3A_26] : memref<163840xf32, #tpu.memory_space<vmem_shared>> -> memref<640xf32, #tpu.memory_space<vmem_shared>>
      %dma_wait3A_64 = arith.constant 2560 : i32
      %dma_wait3A_65 = tpu.memref_slice %arg6[%dma_wait3A_64] : memref<10240xf32, #tpu.memory_space<vmem>> -> memref<640xf32, #tpu.memory_space<vmem>>
      %dma_wait3A_66 = tpu.memref_slice %arg8[%add3A_26] : memref<163840xf32, #tpu.memory_space<vmem_shared>> -> memref<640xf32, #tpu.memory_space<vmem_shared>>
      tpu.wait_dma2 semaphore(%run_scoped3A : memref<!tpu.dma_semaphore, #tpu.memory_space<semaphore_mem>>) src(%dma_wait3A_66 : memref<640xf32, #tpu.memory_space<vmem_shared>>) dst(%dma_wait3A_65 : memref<640xf32, #tpu.memory_space<vmem>>)
      tpu.yield
    }) : () -> ()
    %add3A_27 = arith.constant 51200 : i32
    %add3A_28 = arith.addi %add3A_27, %mul3A_4 : i32
    "tpu.region"() ({
      %run_scoped3A = tpu.sem_alloc : memref<!tpu.dma_semaphore, #tpu.memory_space<semaphore_mem>>
      %dma_start3A = arith.constant 3200 : i32
      %dma_start3A_57 = tpu.memref_slice %arg6[%dma_start3A] : memref<10240xf32, #tpu.memory_space<vmem>> -> memref<640xf32, #tpu.memory_space<vmem>>
      %dma_start3A_58 = tpu.memref_slice %arg8[%add3A_28] : memref<163840xf32, #tpu.memory_space<vmem_shared>> -> memref<640xf32, #tpu.memory_space<vmem_shared>>
      %dma_start3A_59 = arith.constant 3200 : i32
      %dma_start3A_60 = tpu.memref_slice %arg6[%dma_start3A_59] : memref<10240xf32, #tpu.memory_space<vmem>> -> memref<640xf32, #tpu.memory_space<vmem>>
      %dma_start3A_61 = tpu.memref_slice %arg8[%add3A_28] : memref<163840xf32, #tpu.memory_space<vmem_shared>> -> memref<640xf32, #tpu.memory_space<vmem_shared>>
      tpu.enqueue_dma source(%dma_start3A_61 : memref<640xf32, #tpu.memory_space<vmem_shared>>) target(%dma_start3A_60 : memref<640xf32, #tpu.memory_space<vmem>>) target_semaphore(%run_scoped3A : memref<!tpu.dma_semaphore, #tpu.memory_space<semaphore_mem>>)
      %dma_wait3A = arith.constant 3200 : i32
      %dma_wait3A_62 = tpu.memref_slice %arg6[%dma_wait3A] : memref<10240xf32, #tpu.memory_space<vmem>> -> memref<640xf32, #tpu.memory_space<vmem>>
      %dma_wait3A_63 = tpu.memref_slice %arg8[%add3A_28] : memref<163840xf32, #tpu.memory_space<vmem_shared>> -> memref<640xf32, #tpu.memory_space<vmem_shared>>
      %dma_wait3A_64 = arith.constant 3200 : i32
      %dma_wait3A_65 = tpu.memref_slice %arg6[%dma_wait3A_64] : memref<10240xf32, #tpu.memory_space<vmem>> -> memref<640xf32, #tpu.memory_space<vmem>>
      %dma_wait3A_66 = tpu.memref_slice %arg8[%add3A_28] : memref<163840xf32, #tpu.memory_space<vmem_shared>> -> memref<640xf32, #tpu.memory_space<vmem_shared>>
      tpu.wait_dma2 semaphore(%run_scoped3A : memref<!tpu.dma_semaphore, #tpu.memory_space<semaphore_mem>>) src(%dma_wait3A_66 : memref<640xf32, #tpu.memory_space<vmem_shared>>) dst(%dma_wait3A_65 : memref<640xf32, #tpu.memory_space<vmem>>)
      tpu.yield
    }) : () -> ()
    %add3A_29 = arith.constant 61440 : i32
    %add3A_30 = arith.addi %add3A_29, %mul3A_4 : i32
    "tpu.region"() ({
      %run_scoped3A = tpu.sem_alloc : memref<!tpu.dma_semaphore, #tpu.memory_space<semaphore_mem>>
      %dma_start3A = arith.constant 3840 : i32
      %dma_start3A_57 = tpu.memref_slice %arg6[%dma_start3A] : memref<10240xf32, #tpu.memory_space<vmem>> -> memref<640xf32, #tpu.memory_space<vmem>>
      %dma_start3A_58 = tpu.memref_slice %arg8[%add3A_30] : memref<163840xf32, #tpu.memory_space<vmem_shared>> -> memref<640xf32, #tpu.memory_space<vmem_shared>>
      %dma_start3A_59 = arith.constant 3840 : i32
      %dma_start3A_60 = tpu.memref_slice %arg6[%dma_start3A_59] : memref<10240xf32, #tpu.memory_space<vmem>> -> memref<640xf32, #tpu.memory_space<vmem>>
      %dma_start3A_61 = tpu.memref_slice %arg8[%add3A_30] : memref<163840xf32, #tpu.memory_space<vmem_shared>> -> memref<640xf32, #tpu.memory_space<vmem_shared>>
      tpu.enqueue_dma source(%dma_start3A_61 : memref<640xf32, #tpu.memory_space<vmem_shared>>) target(%dma_start3A_60 : memref<640xf32, #tpu.memory_space<vmem>>) target_semaphore(%run_scoped3A : memref<!tpu.dma_semaphore, #tpu.memory_space<semaphore_mem>>)
      %dma_wait3A = arith.constant 3840 : i32
      %dma_wait3A_62 = tpu.memref_slice %arg6[%dma_wait3A] : memref<10240xf32, #tpu.memory_space<vmem>> -> memref<640xf32, #tpu.memory_space<vmem>>
      %dma_wait3A_63 = tpu.memref_slice %arg8[%add3A_30] : memref<163840xf32, #tpu.memory_space<vmem_shared>> -> memref<640xf32, #tpu.memory_space<vmem_shared>>
      %dma_wait3A_64 = arith.constant 3840 : i32
      %dma_wait3A_65 = tpu.memref_slice %arg6[%dma_wait3A_64] : memref<10240xf32, #tpu.memory_space<vmem>> -> memref<640xf32, #tpu.memory_space<vmem>>
      %dma_wait3A_66 = tpu.memref_slice %arg8[%add3A_30] : memref<163840xf32, #tpu.memory_space<vmem_shared>> -> memref<640xf32, #tpu.memory_space<vmem_shared>>
      tpu.wait_dma2 semaphore(%run_scoped3A : memref<!tpu.dma_semaphore, #tpu.memory_space<semaphore_mem>>) src(%dma_wait3A_66 : memref<640xf32, #tpu.memory_space<vmem_shared>>) dst(%dma_wait3A_65 : memref<640xf32, #tpu.memory_space<vmem>>)
      tpu.yield
    }) : () -> ()
    %add3A_31 = arith.constant 71680 : i32
    %add3A_32 = arith.addi %add3A_31, %mul3A_4 : i32
    "tpu.region"() ({
      %run_scoped3A = tpu.sem_alloc : memref<!tpu.dma_semaphore, #tpu.memory_space<semaphore_mem>>
      %dma_start3A = arith.constant 4480 : i32
      %dma_start3A_57 = tpu.memref_slice %arg6[%dma_start3A] : memref<10240xf32, #tpu.memory_space<vmem>> -> memref<640xf32, #tpu.memory_space<vmem>>
      %dma_start3A_58 = tpu.memref_slice %arg8[%add3A_32] : memref<163840xf32, #tpu.memory_space<vmem_shared>> -> memref<640xf32, #tpu.memory_space<vmem_shared>>
      %dma_start3A_59 = arith.constant 4480 : i32
      %dma_start3A_60 = tpu.memref_slice %arg6[%dma_start3A_59] : memref<10240xf32, #tpu.memory_space<vmem>> -> memref<640xf32, #tpu.memory_space<vmem>>
      %dma_start3A_61 = tpu.memref_slice %arg8[%add3A_32] : memref<163840xf32, #tpu.memory_space<vmem_shared>> -> memref<640xf32, #tpu.memory_space<vmem_shared>>
      tpu.enqueue_dma source(%dma_start3A_61 : memref<640xf32, #tpu.memory_space<vmem_shared>>) target(%dma_start3A_60 : memref<640xf32, #tpu.memory_space<vmem>>) target_semaphore(%run_scoped3A : memref<!tpu.dma_semaphore, #tpu.memory_space<semaphore_mem>>)
      %dma_wait3A = arith.constant 4480 : i32
      %dma_wait3A_62 = tpu.memref_slice %arg6[%dma_wait3A] : memref<10240xf32, #tpu.memory_space<vmem>> -> memref<640xf32, #tpu.memory_space<vmem>>
      %dma_wait3A_63 = tpu.memref_slice %arg8[%add3A_32] : memref<163840xf32, #tpu.memory_space<vmem_shared>> -> memref<640xf32, #tpu.memory_space<vmem_shared>>
      %dma_wait3A_64 = arith.constant 4480 : i32
      %dma_wait3A_65 = tpu.memref_slice %arg6[%dma_wait3A_64] : memref<10240xf32, #tpu.memory_space<vmem>> -> memref<640xf32, #tpu.memory_space<vmem>>
      %dma_wait3A_66 = tpu.memref_slice %arg8[%add3A_32] : memref<163840xf32, #tpu.memory_space<vmem_shared>> -> memref<640xf32, #tpu.memory_space<vmem_shared>>
      tpu.wait_dma2 semaphore(%run_scoped3A : memref<!tpu.dma_semaphore, #tpu.memory_space<semaphore_mem>>) src(%dma_wait3A_66 : memref<640xf32, #tpu.memory_space<vmem_shared>>) dst(%dma_wait3A_65 : memref<640xf32, #tpu.memory_space<vmem>>)
      tpu.yield
    }) : () -> ()
    %add3A_33 = arith.constant 81920 : i32
    %add3A_34 = arith.addi %add3A_33, %mul3A_4 : i32
    "tpu.region"() ({
      %run_scoped3A = tpu.sem_alloc : memref<!tpu.dma_semaphore, #tpu.memory_space<semaphore_mem>>
      %dma_start3A = arith.constant 5120 : i32
      %dma_start3A_57 = tpu.memref_slice %arg6[%dma_start3A] : memref<10240xf32, #tpu.memory_space<vmem>> -> memref<640xf32, #tpu.memory_space<vmem>>
      %dma_start3A_58 = tpu.memref_slice %arg8[%add3A_34] : memref<163840xf32, #tpu.memory_space<vmem_shared>> -> memref<640xf32, #tpu.memory_space<vmem_shared>>
      %dma_start3A_59 = arith.constant 5120 : i32
      %dma_start3A_60 = tpu.memref_slice %arg6[%dma_start3A_59] : memref<10240xf32, #tpu.memory_space<vmem>> -> memref<640xf32, #tpu.memory_space<vmem>>
      %dma_start3A_61 = tpu.memref_slice %arg8[%add3A_34] : memref<163840xf32, #tpu.memory_space<vmem_shared>> -> memref<640xf32, #tpu.memory_space<vmem_shared>>
      tpu.enqueue_dma source(%dma_start3A_61 : memref<640xf32, #tpu.memory_space<vmem_shared>>) target(%dma_start3A_60 : memref<640xf32, #tpu.memory_space<vmem>>) target_semaphore(%run_scoped3A : memref<!tpu.dma_semaphore, #tpu.memory_space<semaphore_mem>>)
      %dma_wait3A = arith.constant 5120 : i32
      %dma_wait3A_62 = tpu.memref_slice %arg6[%dma_wait3A] : memref<10240xf32, #tpu.memory_space<vmem>> -> memref<640xf32, #tpu.memory_space<vmem>>
      %dma_wait3A_63 = tpu.memref_slice %arg8[%add3A_34] : memref<163840xf32, #tpu.memory_space<vmem_shared>> -> memref<640xf32, #tpu.memory_space<vmem_shared>>
      %dma_wait3A_64 = arith.constant 5120 : i32
      %dma_wait3A_65 = tpu.memref_slice %arg6[%dma_wait3A_64] : memref<10240xf32, #tpu.memory_space<vmem>> -> memref<640xf32, #tpu.memory_space<vmem>>
      %dma_wait3A_66 = tpu.memref_slice %arg8[%add3A_34] : memref<163840xf32, #tpu.memory_space<vmem_shared>> -> memref<640xf32, #tpu.memory_space<vmem_shared>>
      tpu.wait_dma2 semaphore(%run_scoped3A : memref<!tpu.dma_semaphore, #tpu.memory_space<semaphore_mem>>) src(%dma_wait3A_66 : memref<640xf32, #tpu.memory_space<vmem_shared>>) dst(%dma_wait3A_65 : memref<640xf32, #tpu.memory_space<vmem>>)
      tpu.yield
    }) : () -> ()
    %add3A_35 = arith.constant 92160 : i32
    %add3A_36 = arith.addi %add3A_35, %mul3A_4 : i32
    "tpu.region"() ({
      %run_scoped3A = tpu.sem_alloc : memref<!tpu.dma_semaphore, #tpu.memory_space<semaphore_mem>>
      %dma_start3A = arith.constant 5760 : i32
      %dma_start3A_57 = tpu.memref_slice %arg6[%dma_start3A] : memref<10240xf32, #tpu.memory_space<vmem>> -> memref<640xf32, #tpu.memory_space<vmem>>
      %dma_start3A_58 = tpu.memref_slice %arg8[%add3A_36] : memref<163840xf32, #tpu.memory_space<vmem_shared>> -> memref<640xf32, #tpu.memory_space<vmem_shared>>
      %dma_start3A_59 = arith.constant 5760 : i32
      %dma_start3A_60 = tpu.memref_slice %arg6[%dma_start3A_59] : memref<10240xf32, #tpu.memory_space<vmem>> -> memref<640xf32, #tpu.memory_space<vmem>>
      %dma_start3A_61 = tpu.memref_slice %arg8[%add3A_36] : memref<163840xf32, #tpu.memory_space<vmem_shared>> -> memref<640xf32, #tpu.memory_space<vmem_shared>>
      tpu.enqueue_dma source(%dma_start3A_61 : memref<640xf32, #tpu.memory_space<vmem_shared>>) target(%dma_start3A_60 : memref<640xf32, #tpu.memory_space<vmem>>) target_semaphore(%run_scoped3A : memref<!tpu.dma_semaphore, #tpu.memory_space<semaphore_mem>>)
      %dma_wait3A = arith.constant 5760 : i32
      %dma_wait3A_62 = tpu.memref_slice %arg6[%dma_wait3A] : memref<10240xf32, #tpu.memory_space<vmem>> -> memref<640xf32, #tpu.memory_space<vmem>>
      %dma_wait3A_63 = tpu.memref_slice %arg8[%add3A_36] : memref<163840xf32, #tpu.memory_space<vmem_shared>> -> memref<640xf32, #tpu.memory_space<vmem_shared>>
      %dma_wait3A_64 = arith.constant 5760 : i32
      %dma_wait3A_65 = tpu.memref_slice %arg6[%dma_wait3A_64] : memref<10240xf32, #tpu.memory_space<vmem>> -> memref<640xf32, #tpu.memory_space<vmem>>
      %dma_wait3A_66 = tpu.memref_slice %arg8[%add3A_36] : memref<163840xf32, #tpu.memory_space<vmem_shared>> -> memref<640xf32, #tpu.memory_space<vmem_shared>>
      tpu.wait_dma2 semaphore(%run_scoped3A : memref<!tpu.dma_semaphore, #tpu.memory_space<semaphore_mem>>) src(%dma_wait3A_66 : memref<640xf32, #tpu.memory_space<vmem_shared>>) dst(%dma_wait3A_65 : memref<640xf32, #tpu.memory_space<vmem>>)
      tpu.yield
    }) : () -> ()
    %add3A_37 = arith.constant 102400 : i32
    %add3A_38 = arith.addi %add3A_37, %mul3A_4 : i32
    "tpu.region"() ({
      %run_scoped3A = tpu.sem_alloc : memref<!tpu.dma_semaphore, #tpu.memory_space<semaphore_mem>>
      %dma_start3A = arith.constant 6400 : i32
      %dma_start3A_57 = tpu.memref_slice %arg6[%dma_start3A] : memref<10240xf32, #tpu.memory_space<vmem>> -> memref<640xf32, #tpu.memory_space<vmem>>
      %dma_start3A_58 = tpu.memref_slice %arg8[%add3A_38] : memref<163840xf32, #tpu.memory_space<vmem_shared>> -> memref<640xf32, #tpu.memory_space<vmem_shared>>
      %dma_start3A_59 = arith.constant 6400 : i32
      %dma_start3A_60 = tpu.memref_slice %arg6[%dma_start3A_59] : memref<10240xf32, #tpu.memory_space<vmem>> -> memref<640xf32, #tpu.memory_space<vmem>>
      %dma_start3A_61 = tpu.memref_slice %arg8[%add3A_38] : memref<163840xf32, #tpu.memory_space<vmem_shared>> -> memref<640xf32, #tpu.memory_space<vmem_shared>>
      tpu.enqueue_dma source(%dma_start3A_61 : memref<640xf32, #tpu.memory_space<vmem_shared>>) target(%dma_start3A_60 : memref<640xf32, #tpu.memory_space<vmem>>) target_semaphore(%run_scoped3A : memref<!tpu.dma_semaphore, #tpu.memory_space<semaphore_mem>>)
      %dma_wait3A = arith.constant 6400 : i32
      %dma_wait3A_62 = tpu.memref_slice %arg6[%dma_wait3A] : memref<10240xf32, #tpu.memory_space<vmem>> -> memref<640xf32, #tpu.memory_space<vmem>>
      %dma_wait3A_63 = tpu.memref_slice %arg8[%add3A_38] : memref<163840xf32, #tpu.memory_space<vmem_shared>> -> memref<640xf32, #tpu.memory_space<vmem_shared>>
      %dma_wait3A_64 = arith.constant 6400 : i32
      %dma_wait3A_65 = tpu.memref_slice %arg6[%dma_wait3A_64] : memref<10240xf32, #tpu.memory_space<vmem>> -> memref<640xf32, #tpu.memory_space<vmem>>
      %dma_wait3A_66 = tpu.memref_slice %arg8[%add3A_38] : memref<163840xf32, #tpu.memory_space<vmem_shared>> -> memref<640xf32, #tpu.memory_space<vmem_shared>>
      tpu.wait_dma2 semaphore(%run_scoped3A : memref<!tpu.dma_semaphore, #tpu.memory_space<semaphore_mem>>) src(%dma_wait3A_66 : memref<640xf32, #tpu.memory_space<vmem_shared>>) dst(%dma_wait3A_65 : memref<640xf32, #tpu.memory_space<vmem>>)
      tpu.yield
    }) : () -> ()
    %add3A_39 = arith.constant 112640 : i32
    %add3A_40 = arith.addi %add3A_39, %mul3A_4 : i32
    "tpu.region"() ({
      %run_scoped3A = tpu.sem_alloc : memref<!tpu.dma_semaphore, #tpu.memory_space<semaphore_mem>>
      %dma_start3A = arith.constant 7040 : i32
      %dma_start3A_57 = tpu.memref_slice %arg6[%dma_start3A] : memref<10240xf32, #tpu.memory_space<vmem>> -> memref<640xf32, #tpu.memory_space<vmem>>
      %dma_start3A_58 = tpu.memref_slice %arg8[%add3A_40] : memref<163840xf32, #tpu.memory_space<vmem_shared>> -> memref<640xf32, #tpu.memory_space<vmem_shared>>
      %dma_start3A_59 = arith.constant 7040 : i32
      %dma_start3A_60 = tpu.memref_slice %arg6[%dma_start3A_59] : memref<10240xf32, #tpu.memory_space<vmem>> -> memref<640xf32, #tpu.memory_space<vmem>>
      %dma_start3A_61 = tpu.memref_slice %arg8[%add3A_40] : memref<163840xf32, #tpu.memory_space<vmem_shared>> -> memref<640xf32, #tpu.memory_space<vmem_shared>>
      tpu.enqueue_dma source(%dma_start3A_61 : memref<640xf32, #tpu.memory_space<vmem_shared>>) target(%dma_start3A_60 : memref<640xf32, #tpu.memory_space<vmem>>) target_semaphore(%run_scoped3A : memref<!tpu.dma_semaphore, #tpu.memory_space<semaphore_mem>>)
      %dma_wait3A = arith.constant 7040 : i32
      %dma_wait3A_62 = tpu.memref_slice %arg6[%dma_wait3A] : memref<10240xf32, #tpu.memory_space<vmem>> -> memref<640xf32, #tpu.memory_space<vmem>>
      %dma_wait3A_63 = tpu.memref_slice %arg8[%add3A_40] : memref<163840xf32, #tpu.memory_space<vmem_shared>> -> memref<640xf32, #tpu.memory_space<vmem_shared>>
      %dma_wait3A_64 = arith.constant 7040 : i32
      %dma_wait3A_65 = tpu.memref_slice %arg6[%dma_wait3A_64] : memref<10240xf32, #tpu.memory_space<vmem>> -> memref<640xf32, #tpu.memory_space<vmem>>
      %dma_wait3A_66 = tpu.memref_slice %arg8[%add3A_40] : memref<163840xf32, #tpu.memory_space<vmem_shared>> -> memref<640xf32, #tpu.memory_space<vmem_shared>>
      tpu.wait_dma2 semaphore(%run_scoped3A : memref<!tpu.dma_semaphore, #tpu.memory_space<semaphore_mem>>) src(%dma_wait3A_66 : memref<640xf32, #tpu.memory_space<vmem_shared>>) dst(%dma_wait3A_65 : memref<640xf32, #tpu.memory_space<vmem>>)
      tpu.yield
    }) : () -> ()
    %add3A_41 = arith.constant 122880 : i32
    %add3A_42 = arith.addi %add3A_41, %mul3A_4 : i32
    "tpu.region"() ({
      %run_scoped3A = tpu.sem_alloc : memref<!tpu.dma_semaphore, #tpu.memory_space<semaphore_mem>>
      %dma_start3A = arith.constant 7680 : i32
      %dma_start3A_57 = tpu.memref_slice %arg6[%dma_start3A] : memref<10240xf32, #tpu.memory_space<vmem>> -> memref<640xf32, #tpu.memory_space<vmem>>
      %dma_start3A_58 = tpu.memref_slice %arg8[%add3A_42] : memref<163840xf32, #tpu.memory_space<vmem_shared>> -> memref<640xf32, #tpu.memory_space<vmem_shared>>
      %dma_start3A_59 = arith.constant 7680 : i32
      %dma_start3A_60 = tpu.memref_slice %arg6[%dma_start3A_59] : memref<10240xf32, #tpu.memory_space<vmem>> -> memref<640xf32, #tpu.memory_space<vmem>>
      %dma_start3A_61 = tpu.memref_slice %arg8[%add3A_42] : memref<163840xf32, #tpu.memory_space<vmem_shared>> -> memref<640xf32, #tpu.memory_space<vmem_shared>>
      tpu.enqueue_dma source(%dma_start3A_61 : memref<640xf32, #tpu.memory_space<vmem_shared>>) target(%dma_start3A_60 : memref<640xf32, #tpu.memory_space<vmem>>) target_semaphore(%run_scoped3A : memref<!tpu.dma_semaphore, #tpu.memory_space<semaphore_mem>>)
      %dma_wait3A = arith.constant 7680 : i32
      %dma_wait3A_62 = tpu.memref_slice %arg6[%dma_wait3A] : memref<10240xf32, #tpu.memory_space<vmem>> -> memref<640xf32, #tpu.memory_space<vmem>>
      %dma_wait3A_63 = tpu.memref_slice %arg8[%add3A_42] : memref<163840xf32, #tpu.memory_space<vmem_shared>> -> memref<640xf32, #tpu.memory_space<vmem_shared>>
      %dma_wait3A_64 = arith.constant 7680 : i32
      %dma_wait3A_65 = tpu.memref_slice %arg6[%dma_wait3A_64] : memref<10240xf32, #tpu.memory_space<vmem>> -> memref<640xf32, #tpu.memory_space<vmem>>
      %dma_wait3A_66 = tpu.memref_slice %arg8[%add3A_42] : memref<163840xf32, #tpu.memory_space<vmem_shared>> -> memref<640xf32, #tpu.memory_space<vmem_shared>>
      tpu.wait_dma2 semaphore(%run_scoped3A : memref<!tpu.dma_semaphore, #tpu.memory_space<semaphore_mem>>) src(%dma_wait3A_66 : memref<640xf32, #tpu.memory_space<vmem_shared>>) dst(%dma_wait3A_65 : memref<640xf32, #tpu.memory_space<vmem>>)
      tpu.yield
    }) : () -> ()
    %add3A_43 = arith.constant 133120 : i32
    %add3A_44 = arith.addi %add3A_43, %mul3A_4 : i32
    "tpu.region"() ({
      %run_scoped3A = tpu.sem_alloc : memref<!tpu.dma_semaphore, #tpu.memory_space<semaphore_mem>>
      %dma_start3A = arith.constant 8320 : i32
      %dma_start3A_57 = tpu.memref_slice %arg6[%dma_start3A] : memref<10240xf32, #tpu.memory_space<vmem>> -> memref<640xf32, #tpu.memory_space<vmem>>
      %dma_start3A_58 = tpu.memref_slice %arg8[%add3A_44] : memref<163840xf32, #tpu.memory_space<vmem_shared>> -> memref<640xf32, #tpu.memory_space<vmem_shared>>
      %dma_start3A_59 = arith.constant 8320 : i32
      %dma_start3A_60 = tpu.memref_slice %arg6[%dma_start3A_59] : memref<10240xf32, #tpu.memory_space<vmem>> -> memref<640xf32, #tpu.memory_space<vmem>>
      %dma_start3A_61 = tpu.memref_slice %arg8[%add3A_44] : memref<163840xf32, #tpu.memory_space<vmem_shared>> -> memref<640xf32, #tpu.memory_space<vmem_shared>>
      tpu.enqueue_dma source(%dma_start3A_61 : memref<640xf32, #tpu.memory_space<vmem_shared>>) target(%dma_start3A_60 : memref<640xf32, #tpu.memory_space<vmem>>) target_semaphore(%run_scoped3A : memref<!tpu.dma_semaphore, #tpu.memory_space<semaphore_mem>>)
      %dma_wait3A = arith.constant 8320 : i32
      %dma_wait3A_62 = tpu.memref_slice %arg6[%dma_wait3A] : memref<10240xf32, #tpu.memory_space<vmem>> -> memref<640xf32, #tpu.memory_space<vmem>>
      %dma_wait3A_63 = tpu.memref_slice %arg8[%add3A_44] : memref<163840xf32, #tpu.memory_space<vmem_shared>> -> memref<640xf32, #tpu.memory_space<vmem_shared>>
      %dma_wait3A_64 = arith.constant 8320 : i32
      %dma_wait3A_65 = tpu.memref_slice %arg6[%dma_wait3A_64] : memref<10240xf32, #tpu.memory_space<vmem>> -> memref<640xf32, #tpu.memory_space<vmem>>
      %dma_wait3A_66 = tpu.memref_slice %arg8[%add3A_44] : memref<163840xf32, #tpu.memory_space<vmem_shared>> -> memref<640xf32, #tpu.memory_space<vmem_shared>>
      tpu.wait_dma2 semaphore(%run_scoped3A : memref<!tpu.dma_semaphore, #tpu.memory_space<semaphore_mem>>) src(%dma_wait3A_66 : memref<640xf32, #tpu.memory_space<vmem_shared>>) dst(%dma_wait3A_65 : memref<640xf32, #tpu.memory_space<vmem>>)
      tpu.yield
    }) : () -> ()
    %add3A_45 = arith.constant 143360 : i32
    %add3A_46 = arith.addi %add3A_45, %mul3A_4 : i32
    "tpu.region"() ({
      %run_scoped3A = tpu.sem_alloc : memref<!tpu.dma_semaphore, #tpu.memory_space<semaphore_mem>>
      %dma_start3A = arith.constant 8960 : i32
      %dma_start3A_57 = tpu.memref_slice %arg6[%dma_start3A] : memref<10240xf32, #tpu.memory_space<vmem>> -> memref<640xf32, #tpu.memory_space<vmem>>
      %dma_start3A_58 = tpu.memref_slice %arg8[%add3A_46] : memref<163840xf32, #tpu.memory_space<vmem_shared>> -> memref<640xf32, #tpu.memory_space<vmem_shared>>
      %dma_start3A_59 = arith.constant 8960 : i32
      %dma_start3A_60 = tpu.memref_slice %arg6[%dma_start3A_59] : memref<10240xf32, #tpu.memory_space<vmem>> -> memref<640xf32, #tpu.memory_space<vmem>>
      %dma_start3A_61 = tpu.memref_slice %arg8[%add3A_46] : memref<163840xf32, #tpu.memory_space<vmem_shared>> -> memref<640xf32, #tpu.memory_space<vmem_shared>>
      tpu.enqueue_dma source(%dma_start3A_61 : memref<640xf32, #tpu.memory_space<vmem_shared>>) target(%dma_start3A_60 : memref<640xf32, #tpu.memory_space<vmem>>) target_semaphore(%run_scoped3A : memref<!tpu.dma_semaphore, #tpu.memory_space<semaphore_mem>>)
      %dma_wait3A = arith.constant 8960 : i32
      %dma_wait3A_62 = tpu.memref_slice %arg6[%dma_wait3A] : memref<10240xf32, #tpu.memory_space<vmem>> -> memref<640xf32, #tpu.memory_space<vmem>>
      %dma_wait3A_63 = tpu.memref_slice %arg8[%add3A_46] : memref<163840xf32, #tpu.memory_space<vmem_shared>> -> memref<640xf32, #tpu.memory_space<vmem_shared>>
      %dma_wait3A_64 = arith.constant 8960 : i32
      %dma_wait3A_65 = tpu.memref_slice %arg6[%dma_wait3A_64] : memref<10240xf32, #tpu.memory_space<vmem>> -> memref<640xf32, #tpu.memory_space<vmem>>
      %dma_wait3A_66 = tpu.memref_slice %arg8[%add3A_46] : memref<163840xf32, #tpu.memory_space<vmem_shared>> -> memref<640xf32, #tpu.memory_space<vmem_shared>>
      tpu.wait_dma2 semaphore(%run_scoped3A : memref<!tpu.dma_semaphore, #tpu.memory_space<semaphore_mem>>) src(%dma_wait3A_66 : memref<640xf32, #tpu.memory_space<vmem_shared>>) dst(%dma_wait3A_65 : memref<640xf32, #tpu.memory_space<vmem>>)
      tpu.yield
    }) : () -> ()
    %add3A_47 = arith.constant 153600 : i32
    %add3A_48 = arith.addi %add3A_47, %mul3A_4 : i32
    "tpu.region"() ({
      %run_scoped3A = tpu.sem_alloc : memref<!tpu.dma_semaphore, #tpu.memory_space<semaphore_mem>>
      %dma_start3A = arith.constant 9600 : i32
      %dma_start3A_57 = tpu.memref_slice %arg6[%dma_start3A] : memref<10240xf32, #tpu.memory_space<vmem>> -> memref<640xf32, #tpu.memory_space<vmem>>
      %dma_start3A_58 = tpu.memref_slice %arg8[%add3A_48] : memref<163840xf32, #tpu.memory_space<vmem_shared>> -> memref<640xf32, #tpu.memory_space<vmem_shared>>
      %dma_start3A_59 = arith.constant 9600 : i32
      %dma_start3A_60 = tpu.memref_slice %arg6[%dma_start3A_59] : memref<10240xf32, #tpu.memory_space<vmem>> -> memref<640xf32, #tpu.memory_space<vmem>>
      %dma_start3A_61 = tpu.memref_slice %arg8[%add3A_48] : memref<163840xf32, #tpu.memory_space<vmem_shared>> -> memref<640xf32, #tpu.memory_space<vmem_shared>>
      tpu.enqueue_dma source(%dma_start3A_61 : memref<640xf32, #tpu.memory_space<vmem_shared>>) target(%dma_start3A_60 : memref<640xf32, #tpu.memory_space<vmem>>) target_semaphore(%run_scoped3A : memref<!tpu.dma_semaphore, #tpu.memory_space<semaphore_mem>>)
      %dma_wait3A = arith.constant 9600 : i32
      %dma_wait3A_62 = tpu.memref_slice %arg6[%dma_wait3A] : memref<10240xf32, #tpu.memory_space<vmem>> -> memref<640xf32, #tpu.memory_space<vmem>>
      %dma_wait3A_63 = tpu.memref_slice %arg8[%add3A_48] : memref<163840xf32, #tpu.memory_space<vmem_shared>> -> memref<640xf32, #tpu.memory_space<vmem_shared>>
      %dma_wait3A_64 = arith.constant 9600 : i32
      %dma_wait3A_65 = tpu.memref_slice %arg6[%dma_wait3A_64] : memref<10240xf32, #tpu.memory_space<vmem>> -> memref<640xf32, #tpu.memory_space<vmem>>
      %dma_wait3A_66 = tpu.memref_slice %arg8[%add3A_48] : memref<163840xf32, #tpu.memory_space<vmem_shared>> -> memref<640xf32, #tpu.memory_space<vmem_shared>>
      tpu.wait_dma2 semaphore(%run_scoped3A : memref<!tpu.dma_semaphore, #tpu.memory_space<semaphore_mem>>) src(%dma_wait3A_66 : memref<640xf32, #tpu.memory_space<vmem_shared>>) dst(%dma_wait3A_65 : memref<640xf32, #tpu.memory_space<vmem>>)
      tpu.yield
    }) : () -> ()
    %scan3A_49 = arith.constant 0 : i32
    %scan3A_50 = arith.constant 40 : i32
    %scan3A_51 = arith.addi %scan3A_49, %scan3A_50 : i32
    %scan3A_52 = arith.constant 1 : i32
    scf.for %scan3A_57 = %scan3A_49 to %scan3A_51 step %scan3A_52  : i32 {
      %mul3A_58 = arith.constant 16 : i32
      %mul3A_59 = arith.muli %scan3A_57, %mul3A_58 : i32
      %add3A_60 = arith.constant 0 : i32
      %add3A_61 = arith.addi %add3A_60, %mul3A_59 : i32
      %broadcast_in_dim3A_62 = arith.constant 0.000000e+00 : f32
      %broadcast_in_dim3A_63 = vector.broadcast %broadcast_in_dim3A_62 : f32 to vector<16xf32>
      %add3A_64 = arith.constant 0 : i32
      %add3A_65 = arith.addi %add3A_64, %add3A_61 : i32
      %get3A = arith.index_cast %add3A_65 : i32 to index
      %get3A_66 = tpu.vector_load %arg6[%get3A] {strides = array<i32>} : memref<10240xf32, #tpu.memory_space<vmem>>, vector<16xf32>,
      %add3A_67 = arith.addf %broadcast_in_dim3A_63, %get3A_66 : vector<16xf32>
      %add3A_68 = arith.constant 640 : i32
      %add3A_69 = arith.addi %add3A_68, %add3A_61 : i32
      %get3A_70 = arith.index_cast %add3A_69 : i32 to index
      %get3A_71 = tpu.vector_load %arg6[%get3A_70] {strides = array<i32>} : memref<10240xf32, #tpu.memory_space<vmem>>, vector<16xf32>,
      %add3A_72 = arith.addf %add3A_67, %get3A_71 : vector<16xf32>
      %add3A_73 = arith.constant 1280 : i32
      %add3A_74 = arith.addi %add3A_73, %add3A_61 : i32
      %get3A_75 = arith.index_cast %add3A_74 : i32 to index
      %get3A_76 = tpu.vector_load %arg6[%get3A_75] {strides = array<i32>} : memref<10240xf32, #tpu.memory_space<vmem>>, vector<16xf32>,
      %add3A_77 = arith.addf %add3A_72, %get3A_76 : vector<16xf32>
      %add3A_78 = arith.constant 1920 : i32
      %add3A_79 = arith.addi %add3A_78, %add3A_61 : i32
      %get3A_80 = arith.index_cast %add3A_79 : i32 to index
      %get3A_81 = tpu.vector_load %arg6[%get3A_80] {strides = array<i32>} : memref<10240xf32, #tpu.memory_space<vmem>>, vector<16xf32>,
      %add3A_82 = arith.addf %add3A_77, %get3A_81 : vector<16xf32>
      %add3A_83 = arith.constant 2560 : i32
      %add3A_84 = arith.addi %add3A_83, %add3A_61 : i32
      %get3A_85 = arith.index_cast %add3A_84 : i32 to index
      %get3A_86 = tpu.vector_load %arg6[%get3A_85] {strides = array<i32>} : memref<10240xf32, #tpu.memory_space<vmem>>, vector<16xf32>,
      %add3A_87 = arith.addf %add3A_82, %get3A_86 : vector<16xf32>
      %add3A_88 = arith.constant 3200 : i32
      %add3A_89 = arith.addi %add3A_88, %add3A_61 : i32
      %get3A_90 = arith.index_cast %add3A_89 : i32 to index
      %get3A_91 = tpu.vector_load %arg6[%get3A_90] {strides = array<i32>} : memref<10240xf32, #tpu.memory_space<vmem>>, vector<16xf32>,
      %add3A_92 = arith.addf %add3A_87, %get3A_91 : vector<16xf32>
      %add3A_93 = arith.constant 3840 : i32
      %add3A_94 = arith.addi %add3A_93, %add3A_61 : i32
      %get3A_95 = arith.index_cast %add3A_94 : i32 to index
      %get3A_96 = tpu.vector_load %arg6[%get3A_95] {strides = array<i32>} : memref<10240xf32, #tpu.memory_space<vmem>>, vector<16xf32>,
      %add3A_97 = arith.addf %add3A_92, %get3A_96 : vector<16xf32>
      %add3A_98 = arith.constant 4480 : i32
      %add3A_99 = arith.addi %add3A_98, %add3A_61 : i32
      %get3A_100 = arith.index_cast %add3A_99 : i32 to index
      %get3A_101 = tpu.vector_load %arg6[%get3A_100] {strides = array<i32>} : memref<10240xf32, #tpu.memory_space<vmem>>, vector<16xf32>,
      %add3A_102 = arith.addf %add3A_97, %get3A_101 : vector<16xf32>
      %add3A_103 = arith.constant 5120 : i32
      %add3A_104 = arith.addi %add3A_103, %add3A_61 : i32
      %get3A_105 = arith.index_cast %add3A_104 : i32 to index
      %get3A_106 = tpu.vector_load %arg6[%get3A_105] {strides = array<i32>} : memref<10240xf32, #tpu.memory_space<vmem>>, vector<16xf32>,
      %add3A_107 = arith.addf %add3A_102, %get3A_106 : vector<16xf32>
      %add3A_108 = arith.constant 5760 : i32
      %add3A_109 = arith.addi %add3A_108, %add3A_61 : i32
      %get3A_110 = arith.index_cast %add3A_109 : i32 to index
      %get3A_111 = tpu.vector_load %arg6[%get3A_110] {strides = array<i32>} : memref<10240xf32, #tpu.memory_space<vmem>>, vector<16xf32>,
      %add3A_112 = arith.addf %add3A_107, %get3A_111 : vector<16xf32>
      %add3A_113 = arith.constant 6400 : i32
      %add3A_114 = arith.addi %add3A_113, %add3A_61 : i32
      %get3A_115 = arith.index_cast %add3A_114 : i32 to index
      %get3A_116 = tpu.vector_load %arg6[%get3A_115] {strides = array<i32>} : memref<10240xf32, #tpu.memory_space<vmem>>, vector<16xf32>,
      %add3A_117 = arith.addf %add3A_112, %get3A_116 : vector<16xf32>
      %add3A_118 = arith.constant 7040 : i32
      %add3A_119 = arith.addi %add3A_118, %add3A_61 : i32
      %get3A_120 = arith.index_cast %add3A_119 : i32 to index
      %get3A_121 = tpu.vector_load %arg6[%get3A_120] {strides = array<i32>} : memref<10240xf32, #tpu.memory_space<vmem>>, vector<16xf32>,
      %add3A_122 = arith.addf %add3A_117, %get3A_121 : vector<16xf32>
      %add3A_123 = arith.constant 7680 : i32
      %add3A_124 = arith.addi %add3A_123, %add3A_61 : i32
      %get3A_125 = arith.index_cast %add3A_124 : i32 to index
      %get3A_126 = tpu.vector_load %arg6[%get3A_125] {strides = array<i32>} : memref<10240xf32, #tpu.memory_space<vmem>>, vector<16xf32>,
      %add3A_127 = arith.addf %add3A_122, %get3A_126 : vector<16xf32>
      %add3A_128 = arith.constant 8320 : i32
      %add3A_129 = arith.addi %add3A_128, %add3A_61 : i32
      %get3A_130 = arith.index_cast %add3A_129 : i32 to index
      %get3A_131 = tpu.vector_load %arg6[%get3A_130] {strides = array<i32>} : memref<10240xf32, #tpu.memory_space<vmem>>, vector<16xf32>,
      %add3A_132 = arith.addf %add3A_127, %get3A_131 : vector<16xf32>
      %add3A_133 = arith.constant 8960 : i32
      %add3A_134 = arith.addi %add3A_133, %add3A_61 : i32
      %get3A_135 = arith.index_cast %add3A_134 : i32 to index
      %get3A_136 = tpu.vector_load %arg6[%get3A_135] {strides = array<i32>} : memref<10240xf32, #tpu.memory_space<vmem>>, vector<16xf32>,
      %add3A_137 = arith.addf %add3A_132, %get3A_136 : vector<16xf32>
      %add3A_138 = arith.constant 9600 : i32
      %add3A_139 = arith.addi %add3A_138, %add3A_61 : i32
      %get3A_140 = arith.index_cast %add3A_139 : i32 to index
      %get3A_141 = tpu.vector_load %arg6[%get3A_140] {strides = array<i32>} : memref<10240xf32, #tpu.memory_space<vmem>>, vector<16xf32>,
      %add3A_142 = arith.addf %add3A_137, %get3A_141 : vector<16xf32>
      %swap3A = arith.index_cast %add3A_61 : i32 to index
      %swap3A_143 = tpu.vector_load %arg7[%swap3A] {strides = array<i32>} : memref<640xf32, #tpu.memory_space<vmem>>, vector<16xf32>,
      tpu.vector_store %arg7[%swap3A], %add3A_142 {strides = array<i32>} : memref<640xf32, #tpu.memory_space<vmem>>, vector<16xf32>,
    }
    %scan3A_53 = arith.constant 40 : i32
    %mul3A_54 = arith.constant 10240 : i32
    %mul3A_55 = arith.muli %arg0, %mul3A_54 : i32
    %add3A_56 = arith.addi %mul3A_55, %mul3A_4 : i32
    "tpu.region"() ({
      %run_scoped3A = tpu.sem_alloc : memref<!tpu.dma_semaphore, #tpu.memory_space<semaphore_mem>>
      %dma_start3A = tpu.memref_slice %arg3[%add3A_56] : memref<20480xf32, #tpu.memory_space<hbm>> -> memref<640xf32, #tpu.memory_space<hbm>>
      %dma_start3A_57 = tpu.memref_slice %arg3[%add3A_56] : memref<20480xf32, #tpu.memory_space<hbm>> -> memref<640xf32, #tpu.memory_space<hbm>>
      tpu.enqueue_dma source(%arg7 : memref<640xf32, #tpu.memory_space<vmem>>) target(%dma_start3A_57 : memref<640xf32, #tpu.memory_space<hbm>>) target_semaphore(%run_scoped3A : memref<!tpu.dma_semaphore, #tpu.memory_space<semaphore_mem>>)
      %dma_wait3A = tpu.memref_slice %arg3[%add3A_56] : memref<20480xf32, #tpu.memory_space<hbm>> -> memref<640xf32, #tpu.memory_space<hbm>>
      %dma_wait3A_58 = tpu.memref_slice %arg3[%add3A_56] : memref<20480xf32, #tpu.memory_space<hbm>> -> memref<640xf32, #tpu.memory_space<hbm>>
      tpu.wait_dma2 semaphore(%run_scoped3A : memref<!tpu.dma_semaphore, #tpu.memory_space<semaphore_mem>>) src(%arg7 : memref<640xf32, #tpu.memory_space<vmem>>) dst(%dma_wait3A_58 : memref<640xf32, #tpu.memory_space<hbm>>)
      tpu.yield
    }) : () -> ()
    return
  }
}

#map = affine_map<(d0, d1) -> (0, 0)>
#map1 = affine_map<(d0, d1) -> (0)>
module attributes {stable_mosaic.version = 14 : i64} {
  func.func @_scatter_kernel(%arg0: i32, %arg1: i32, %arg2: memref<10240x128xf32, #tpu.memory_space<hbm>>, %arg3: memref<327680xi32, #tpu.memory_space<hbm>>, %arg4: memref<327680xi32, #tpu.memory_space<hbm>>, %arg5: memref<640x128xf32, #tpu.memory_space<hbm>>, %arg6: memref<20480x128xf32, #tpu.memory_space<hbm>>, %arg7: memref<128xi32, #tpu.memory_space<vmem>>, %arg8: memref<128xi32, #tpu.memory_space<vmem>>, %arg9: memref<128xi32, #tpu.memory_space<vmem>>, %arg10: memref<128xi32, #tpu.memory_space<vmem>>, %arg11: memref<128x128xf32, #tpu.memory_space<vmem>>, %arg12: memref<128x128xf32, #tpu.memory_space<vmem>>, %arg13: memref<10240x128xf32, #tpu.memory_space<vmem_shared>>, %arg14: memref<!tpu.dma_semaphore, #tpu.memory_space<semaphore_mem>>, %arg15: memref<!tpu.dma_semaphore, #tpu.memory_space<semaphore_mem>>, %arg16: memref<!tpu.dma_semaphore, #tpu.memory_space<semaphore_mem>>, %arg17: memref<!tpu.dma_semaphore, #tpu.memory_space<semaphore_mem>>) attributes {dimension_semantics = [#tpu.dimension_semantics<core_parallel>, #tpu.dimension_semantics<subcore_parallel>], iteration_bounds = array<i64: 2, 16>, scalar_prefetch = 0 : i64, scratch_operands = 11 : i64, tpu.core_type = #tpu.core_type<sc_vector_subcore>, window_params = [{transform_indices = #map}, {transform_indices = #map1}, {transform_indices = #map1}, {transform_indices = #map}, {transform_indices = #map}]} {
    %eq3A = arith.constant 0 : i32
    %eq3A_0 = arith.cmpi eq, %arg0, %eq3A : i32
    %jit3A = arith.constant 152 : i32
    %jit3A_1 = arith.constant 8 : i32
    %select_n3A = arith.select %eq3A_0, %jit3A, %jit3A_1 : i32
    %eq3A_2 = arith.constant 0 : i32
    %eq3A_3 = arith.cmpi eq, %arg0, %eq3A_2 : i32
    %mul3A = arith.constant 19456 : i32
    %mul3A_4 = arith.muli %arg1, %mul3A : i32
    %mul3A_5 = arith.constant 1024 : i32
    %mul3A_6 = arith.muli %arg1, %mul3A_5 : i32
    %add3A = arith.constant 311296 : i32
    %add3A_7 = arith.addi %add3A, %mul3A_6 : i32
    %select_n3A_8 = arith.select %eq3A_3, %mul3A_4, %add3A_7 : i32
    %mul3A_9 = arith.constant 640 : i32
    %mul3A_10 = arith.muli %arg1, %mul3A_9 : i32
    "tpu.region"() ({
      %run_scoped3A = tpu.sem_alloc : memref<!tpu.dma_semaphore, #tpu.memory_space<semaphore_mem>>
      %dma_start3A_45 = arith.constant 0 : i32
      %dma_start3A_46 = tpu.memref_slice %arg13[%mul3A_10, %dma_start3A_45] : memref<10240x128xf32, #tpu.memory_space<vmem_shared>> -> memref<640x128xf32, #tpu.memory_space<vmem_shared>>
      tpu.enqueue_dma source(%arg5 : memref<640x128xf32, #tpu.memory_space<hbm>>) target(%dma_start3A_46 : memref<640x128xf32, #tpu.memory_space<vmem_shared>>) target_semaphore(%run_scoped3A : memref<!tpu.dma_semaphore, #tpu.memory_space<semaphore_mem>>)
      %dma_wait3A = arith.constant 0 : i32
      %dma_wait3A_47 = tpu.memref_slice %arg13[%mul3A_10, %dma_wait3A] : memref<10240x128xf32, #tpu.memory_space<vmem_shared>> -> memref<640x128xf32, #tpu.memory_space<vmem_shared>>
      tpu.wait_dma2 semaphore(%run_scoped3A : memref<!tpu.dma_semaphore, #tpu.memory_space<semaphore_mem>>) src(%arg5 : memref<640x128xf32, #tpu.memory_space<hbm>>) dst(%dma_wait3A_47 : memref<640x128xf32, #tpu.memory_space<vmem_shared>>)
      tpu.yield
    }) : () -> ()
    %barrier3A = arith.constant 0 : index
    tpu.barrier barrier_id(%barrier3A)
    %add3A_11 = arith.constant 0 : i32
    %add3A_12 = arith.addi %select_n3A_8, %add3A_11 : i32
    "tpu.region"() ({
      %run_scoped3A = tpu.sem_alloc : memref<!tpu.dma_semaphore, #tpu.memory_space<semaphore_mem>>
      %dma_start3A_45 = tpu.memref_slice %arg3[%add3A_12] : memref<327680xi32, #tpu.memory_space<hbm>> -> memref<128xi32, #tpu.memory_space<hbm>>
      %dma_start3A_46 = tpu.memref_slice %arg3[%add3A_12] : memref<327680xi32, #tpu.memory_space<hbm>> -> memref<128xi32, #tpu.memory_space<hbm>>
      tpu.enqueue_dma source(%dma_start3A_46 : memref<128xi32, #tpu.memory_space<hbm>>) target(%arg7 : memref<128xi32, #tpu.memory_space<vmem>>) target_semaphore(%run_scoped3A : memref<!tpu.dma_semaphore, #tpu.memory_space<semaphore_mem>>)
      %dma_wait3A = tpu.memref_slice %arg3[%add3A_12] : memref<327680xi32, #tpu.memory_space<hbm>> -> memref<128xi32, #tpu.memory_space<hbm>>
      %dma_wait3A_47 = tpu.memref_slice %arg3[%add3A_12] : memref<327680xi32, #tpu.memory_space<hbm>> -> memref<128xi32, #tpu.memory_space<hbm>>
      tpu.wait_dma2 semaphore(%run_scoped3A : memref<!tpu.dma_semaphore, #tpu.memory_space<semaphore_mem>>) src(%dma_wait3A_47 : memref<128xi32, #tpu.memory_space<hbm>>) dst(%arg7 : memref<128xi32, #tpu.memory_space<vmem>>)
      tpu.yield
    }) : () -> ()
    %add3A_13 = arith.constant 0 : i32
    %add3A_14 = arith.addi %select_n3A_8, %add3A_13 : i32
    "tpu.region"() ({
      %run_scoped3A = tpu.sem_alloc : memref<!tpu.dma_semaphore, #tpu.memory_space<semaphore_mem>>
      %dma_start3A_45 = tpu.memref_slice %arg4[%add3A_14] : memref<327680xi32, #tpu.memory_space<hbm>> -> memref<128xi32, #tpu.memory_space<hbm>>
      %dma_start3A_46 = tpu.memref_slice %arg4[%add3A_14] : memref<327680xi32, #tpu.memory_space<hbm>> -> memref<128xi32, #tpu.memory_space<hbm>>
      tpu.enqueue_dma source(%dma_start3A_46 : memref<128xi32, #tpu.memory_space<hbm>>) target(%arg9 : memref<128xi32, #tpu.memory_space<vmem>>) target_semaphore(%run_scoped3A : memref<!tpu.dma_semaphore, #tpu.memory_space<semaphore_mem>>)
      %dma_wait3A = tpu.memref_slice %arg4[%add3A_14] : memref<327680xi32, #tpu.memory_space<hbm>> -> memref<128xi32, #tpu.memory_space<hbm>>
      %dma_wait3A_47 = tpu.memref_slice %arg4[%add3A_14] : memref<327680xi32, #tpu.memory_space<hbm>> -> memref<128xi32, #tpu.memory_space<hbm>>
      tpu.wait_dma2 semaphore(%run_scoped3A : memref<!tpu.dma_semaphore, #tpu.memory_space<semaphore_mem>>) src(%dma_wait3A_47 : memref<128xi32, #tpu.memory_space<hbm>>) dst(%arg9 : memref<128xi32, #tpu.memory_space<vmem>>)
      tpu.yield
    }) : () -> ()
    %dma_start3A = arith.constant 0 : i32
    %dma_start3A_15 = arith.constant 0 : i32
    %dma_start3A_16 = tpu.memref_slice %arg2[%dma_start3A, %dma_start3A_15] : memref<10240x128xf32, #tpu.memory_space<hbm>> -> memref<10240x128xf32, #tpu.memory_space<hbm>>
    tpu.enqueue_indirect_dma source(%dma_start3A_16 : memref<10240x128xf32, #tpu.memory_space<hbm>>) target(%arg11 : memref<128x128xf32, #tpu.memory_space<vmem>>) offsets(%arg7 : memref<128xi32, #tpu.memory_space<vmem>>) semaphore(%arg14 : memref<!tpu.dma_semaphore, #tpu.memory_space<semaphore_mem>>)
    %add3A_17 = arith.constant 128 : i32
    %add3A_18 = arith.addi %select_n3A_8, %add3A_17 : i32
    %dma_start3A_19 = tpu.memref_slice %arg3[%add3A_18] : memref<327680xi32, #tpu.memory_space<hbm>> -> memref<128xi32, #tpu.memory_space<hbm>>
    %dma_start3A_20 = tpu.memref_slice %arg3[%add3A_18] : memref<327680xi32, #tpu.memory_space<hbm>> -> memref<128xi32, #tpu.memory_space<hbm>>
    tpu.enqueue_dma source(%dma_start3A_20 : memref<128xi32, #tpu.memory_space<hbm>>) target(%arg8 : memref<128xi32, #tpu.memory_space<vmem>>) target_semaphore(%arg17 : memref<!tpu.dma_semaphore, #tpu.memory_space<semaphore_mem>>)
    %add3A_21 = arith.constant 128 : i32
    %add3A_22 = arith.addi %select_n3A_8, %add3A_21 : i32
    %dma_start3A_23 = tpu.memref_slice %arg4[%add3A_22] : memref<327680xi32, #tpu.memory_space<hbm>> -> memref<128xi32, #tpu.memory_space<hbm>>
    %dma_start3A_24 = tpu.memref_slice %arg4[%add3A_22] : memref<327680xi32, #tpu.memory_space<hbm>> -> memref<128xi32, #tpu.memory_space<hbm>>
    tpu.enqueue_dma source(%dma_start3A_24 : memref<128xi32, #tpu.memory_space<hbm>>) target(%arg10 : memref<128xi32, #tpu.memory_space<vmem>>) target_semaphore(%arg17 : memref<!tpu.dma_semaphore, #tpu.memory_space<semaphore_mem>>)
    %sub3A = arith.constant 0 : i32
    %sub3A_25 = arith.subi %select_n3A, %sub3A : i32
    %sub3A_26 = arith.constant 2 : i32
    %sub3A_27 = arith.constant 1 : i32
    %sub3A_28 = arith.subi %sub3A_26, %sub3A_27 : i32
    %add3A_29 = arith.addi %sub3A_25, %sub3A_28 : i32
    %div3A = arith.constant 2 : i32
    %div3A_30 = arith.divsi %add3A_29, %div3A : i32
    %while3A = arith.constant 2 : i32
    %while3A_31 = arith.constant 0 : i32
    %while3A_32 = arith.constant 0 : i32
    %while3A_33 = arith.subi %div3A_30, %while3A_32 : i32
    %while3A_34 = arith.addi %while3A_32, %while3A_33 : i32
    %while3A_35 = arith.constant 1 : i32
    %while3A_36 = arith.divsi %while3A_33, %while3A_35 : i32
    %while3A_37 = arith.muli %while3A_36, %while3A_35 : i32
    %while3A_38 = arith.addi %while3A_32, %while3A_37 : i32
    %while3A_39 = arith.constant 1 : i32
    scf.for %while3A_45 = %while3A_32 to %while3A_38 step %while3A_39  : i32 {
      %mul3A_46 = arith.muli %while3A_45, %while3A : i32
      %add3A_47 = arith.addi %while3A_31, %mul3A_46 : i32
      %add3A_48 = arith.constant 0 : i32
      %add3A_49 = arith.addi %add3A_47, %add3A_48 : i32
      %add3A_50 = arith.constant 2 : i32
      %add3A_51 = arith.addi %add3A_49, %add3A_50 : i32
      %sub3A_52 = arith.constant 1 : i32
      %sub3A_53 = arith.subi %add3A_51, %sub3A_52 : i32
      %lt3A = arith.cmpi slt, %sub3A_53, %select_n3A : i32
      %convert_element_type3A = arith.extui %lt3A : i1 to i32
      %cond3A = arith.constant 0 : i32
      %cond3A_54 = arith.cmpi ne, %convert_element_type3A, %cond3A : i32
      scf.if %cond3A_54 {
        %add3A_82 = arith.constant 2 : i32
        %add3A_83 = arith.addi %add3A_49, %add3A_82 : i32
        %sub3A_84 = arith.constant 1 : i32
        %sub3A_85 = arith.subi %add3A_83, %sub3A_84 : i32
        %mul3A_86 = arith.constant 128 : i32
        %mul3A_87 = arith.muli %sub3A_85, %mul3A_86 : i32
        %add3A_88 = arith.addi %select_n3A_8, %mul3A_87 : i32
        %dma_wait3A_89 = tpu.memref_slice %arg3[%add3A_88] : memref<327680xi32, #tpu.memory_space<hbm>> -> memref<128xi32, #tpu.memory_space<hbm>>
        %dma_wait3A_90 = tpu.memref_slice %arg3[%add3A_88] : memref<327680xi32, #tpu.memory_space<hbm>> -> memref<128xi32, #tpu.memory_space<hbm>>
        tpu.wait_dma2 semaphore(%arg17 : memref<!tpu.dma_semaphore, #tpu.memory_space<semaphore_mem>>) src(%dma_wait3A_90 : memref<128xi32, #tpu.memory_space<hbm>>) dst(%arg8 : memref<128xi32, #tpu.memory_space<vmem>>)
        %dma_wait3A_91 = tpu.memref_slice %arg4[%add3A_88] : memref<327680xi32, #tpu.memory_space<hbm>> -> memref<128xi32, #tpu.memory_space<hbm>>
        %dma_wait3A_92 = tpu.memref_slice %arg4[%add3A_88] : memref<327680xi32, #tpu.memory_space<hbm>> -> memref<128xi32, #tpu.memory_space<hbm>>
        tpu.wait_dma2 semaphore(%arg17 : memref<!tpu.dma_semaphore, #tpu.memory_space<semaphore_mem>>) src(%dma_wait3A_92 : memref<128xi32, #tpu.memory_space<hbm>>) dst(%arg10 : memref<128xi32, #tpu.memory_space<vmem>>)
        %dma_start3A_93 = arith.constant 0 : i32
        %dma_start3A_94 = arith.constant 0 : i32
        %dma_start3A_95 = tpu.memref_slice %arg2[%dma_start3A_93, %dma_start3A_94] : memref<10240x128xf32, #tpu.memory_space<hbm>> -> memref<10240x128xf32, #tpu.memory_space<hbm>>
        tpu.enqueue_indirect_dma source(%dma_start3A_95 : memref<10240x128xf32, #tpu.memory_space<hbm>>) target(%arg12 : memref<128x128xf32, #tpu.memory_space<vmem>>) offsets(%arg8 : memref<128xi32, #tpu.memory_space<vmem>>) semaphore(%arg15 : memref<!tpu.dma_semaphore, #tpu.memory_space<semaphore_mem>>)
      } else {
      }
      %dma_wait3A = arith.constant 0 : i32
      %dma_wait3A_55 = arith.constant 0 : i32
      %dma_wait3A_56 = tpu.memref_slice %arg2[%dma_wait3A, %dma_wait3A_55] : memref<10240x128xf32, #tpu.memory_space<hbm>> -> memref<10240x128xf32, #tpu.memory_space<hbm>>
      tpu.wait_indirect_dma semaphore(%arg14 : memref<!tpu.dma_semaphore, #tpu.memory_space<semaphore_mem>>) src(%dma_wait3A_56 : memref<10240x128xf32, #tpu.memory_space<hbm>>) dst(%arg11 : memref<128x128xf32, #tpu.memory_space<vmem>>)
      "tpu.region"() ({
        %run_scoped3A = tpu.sem_alloc : memref<!tpu.dma_semaphore, #tpu.memory_space<semaphore_mem>>
        %dma_start3A_82 = arith.constant 0 : i32
        %dma_start3A_83 = arith.constant 0 : i32
        %dma_start3A_84 = tpu.memref_slice %arg13[%dma_start3A_82, %dma_start3A_83] : memref<10240x128xf32, #tpu.memory_space<vmem_shared>> -> memref<10240x128xf32, #tpu.memory_space<vmem_shared>>
        tpu.enqueue_indirect_dma source(%arg11 : memref<128x128xf32, #tpu.memory_space<vmem>>) target(%dma_start3A_84 : memref<10240x128xf32, #tpu.memory_space<vmem_shared>>) offsets(%arg9 : memref<128xi32, #tpu.memory_space<vmem>>) semaphore(%run_scoped3A : memref<!tpu.dma_semaphore, #tpu.memory_space<semaphore_mem>>) {add = true}
        %dma_wait3A_85 = arith.constant 0 : i32
        %dma_wait3A_86 = arith.constant 0 : i32
        %dma_wait3A_87 = tpu.memref_slice %arg13[%dma_wait3A_85, %dma_wait3A_86] : memref<10240x128xf32, #tpu.memory_space<vmem_shared>> -> memref<10240x128xf32, #tpu.memory_space<vmem_shared>>
        tpu.wait_indirect_dma semaphore(%run_scoped3A : memref<!tpu.dma_semaphore, #tpu.memory_space<semaphore_mem>>) src(%arg11 : memref<128x128xf32, #tpu.memory_space<vmem>>) dst(%dma_wait3A_87 : memref<10240x128xf32, #tpu.memory_space<vmem_shared>>)
        tpu.yield
      }) : () -> ()
      %add3A_57 = arith.constant 2 : i32
      %add3A_58 = arith.addi %add3A_49, %add3A_57 : i32
      %lt3A_59 = arith.cmpi slt, %add3A_58, %select_n3A : i32
      %convert_element_type3A_60 = arith.extui %lt3A_59 : i1 to i32
      %cond3A_61 = arith.constant 0 : i32
      %cond3A_62 = arith.cmpi ne, %convert_element_type3A_60, %cond3A_61 : i32
      scf.if %cond3A_62 {
        %add3A_82 = arith.constant 2 : i32
        %add3A_83 = arith.addi %add3A_49, %add3A_82 : i32
        %mul3A_84 = arith.constant 128 : i32
        %mul3A_85 = arith.muli %add3A_83, %mul3A_84 : i32
        %add3A_86 = arith.addi %select_n3A_8, %mul3A_85 : i32
        %dma_start3A_87 = tpu.memref_slice %arg3[%add3A_86] : memref<327680xi32, #tpu.memory_space<hbm>> -> memref<128xi32, #tpu.memory_space<hbm>>
        %dma_start3A_88 = tpu.memref_slice %arg3[%add3A_86] : memref<327680xi32, #tpu.memory_space<hbm>> -> memref<128xi32, #tpu.memory_space<hbm>>
        tpu.enqueue_dma source(%dma_start3A_88 : memref<128xi32, #tpu.memory_space<hbm>>) target(%arg7 : memref<128xi32, #tpu.memory_space<vmem>>) target_semaphore(%arg16 : memref<!tpu.dma_semaphore, #tpu.memory_space<semaphore_mem>>)
        %dma_start3A_89 = tpu.memref_slice %arg4[%add3A_86] : memref<327680xi32, #tpu.memory_space<hbm>> -> memref<128xi32, #tpu.memory_space<hbm>>
        %dma_start3A_90 = tpu.memref_slice %arg4[%add3A_86] : memref<327680xi32, #tpu.memory_space<hbm>> -> memref<128xi32, #tpu.memory_space<hbm>>
        tpu.enqueue_dma source(%dma_start3A_90 : memref<128xi32, #tpu.memory_space<hbm>>) target(%arg9 : memref<128xi32, #tpu.memory_space<vmem>>) target_semaphore(%arg16 : memref<!tpu.dma_semaphore, #tpu.memory_space<semaphore_mem>>)
      } else {
      }
      %add3A_63 = arith.constant 1 : i32
      %add3A_64 = arith.addi %add3A_47, %add3A_63 : i32
      %add3A_65 = arith.constant 2 : i32
      %add3A_66 = arith.addi %add3A_64, %add3A_65 : i32
      %sub3A_67 = arith.constant 1 : i32
      %sub3A_68 = arith.subi %add3A_66, %sub3A_67 : i32
      %lt3A_69 = arith.cmpi slt, %sub3A_68, %select_n3A : i32
      %convert_element_type3A_70 = arith.extui %lt3A_69 : i1 to i32
      %cond3A_71 = arith.constant 0 : i32
      %cond3A_72 = arith.cmpi ne, %convert_element_type3A_70, %cond3A_71 : i32
      scf.if %cond3A_72 {
        %add3A_82 = arith.constant 2 : i32
        %add3A_83 = arith.addi %add3A_64, %add3A_82 : i32
        %sub3A_84 = arith.constant 1 : i32
        %sub3A_85 = arith.subi %add3A_83, %sub3A_84 : i32
        %mul3A_86 = arith.constant 128 : i32
        %mul3A_87 = arith.muli %sub3A_85, %mul3A_86 : i32
        %add3A_88 = arith.addi %select_n3A_8, %mul3A_87 : i32
        %dma_wait3A_89 = tpu.memref_slice %arg3[%add3A_88] : memref<327680xi32, #tpu.memory_space<hbm>> -> memref<128xi32, #tpu.memory_space<hbm>>
        %dma_wait3A_90 = tpu.memref_slice %arg3[%add3A_88] : memref<327680xi32, #tpu.memory_space<hbm>> -> memref<128xi32, #tpu.memory_space<hbm>>
        tpu.wait_dma2 semaphore(%arg16 : memref<!tpu.dma_semaphore, #tpu.memory_space<semaphore_mem>>) src(%dma_wait3A_90 : memref<128xi32, #tpu.memory_space<hbm>>) dst(%arg7 : memref<128xi32, #tpu.memory_space<vmem>>)
        %dma_wait3A_91 = tpu.memref_slice %arg4[%add3A_88] : memref<327680xi32, #tpu.memory_space<hbm>> -> memref<128xi32, #tpu.memory_space<hbm>>
        %dma_wait3A_92 = tpu.memref_slice %arg4[%add3A_88] : memref<327680xi32, #tpu.memory_space<hbm>> -> memref<128xi32, #tpu.memory_space<hbm>>
        tpu.wait_dma2 semaphore(%arg16 : memref<!tpu.dma_semaphore, #tpu.memory_space<semaphore_mem>>) src(%dma_wait3A_92 : memref<128xi32, #tpu.memory_space<hbm>>) dst(%arg9 : memref<128xi32, #tpu.memory_space<vmem>>)
        %dma_start3A_93 = arith.constant 0 : i32
        %dma_start3A_94 = arith.constant 0 : i32
        %dma_start3A_95 = tpu.memref_slice %arg2[%dma_start3A_93, %dma_start3A_94] : memref<10240x128xf32, #tpu.memory_space<hbm>> -> memref<10240x128xf32, #tpu.memory_space<hbm>>
        tpu.enqueue_indirect_dma source(%dma_start3A_95 : memref<10240x128xf32, #tpu.memory_space<hbm>>) target(%arg11 : memref<128x128xf32, #tpu.memory_space<vmem>>) offsets(%arg7 : memref<128xi32, #tpu.memory_space<vmem>>) semaphore(%arg14 : memref<!tpu.dma_semaphore, #tpu.memory_space<semaphore_mem>>)
      } else {
      }
      %dma_wait3A_73 = arith.constant 0 : i32
      %dma_wait3A_74 = arith.constant 0 : i32
      %dma_wait3A_75 = tpu.memref_slice %arg2[%dma_wait3A_73, %dma_wait3A_74] : memref<10240x128xf32, #tpu.memory_space<hbm>> -> memref<10240x128xf32, #tpu.memory_space<hbm>>
      tpu.wait_indirect_dma semaphore(%arg15 : memref<!tpu.dma_semaphore, #tpu.memory_space<semaphore_mem>>) src(%dma_wait3A_75 : memref<10240x128xf32, #tpu.memory_space<hbm>>) dst(%arg12 : memref<128x128xf32, #tpu.memory_space<vmem>>)
      "tpu.region"() ({
        %run_scoped3A = tpu.sem_alloc : memref<!tpu.dma_semaphore, #tpu.memory_space<semaphore_mem>>
        %dma_start3A_82 = arith.constant 0 : i32
        %dma_start3A_83 = arith.constant 0 : i32
        %dma_start3A_84 = tpu.memref_slice %arg13[%dma_start3A_82, %dma_start3A_83] : memref<10240x128xf32, #tpu.memory_space<vmem_shared>> -> memref<10240x128xf32, #tpu.memory_space<vmem_shared>>
        tpu.enqueue_indirect_dma source(%arg12 : memref<128x128xf32, #tpu.memory_space<vmem>>) target(%dma_start3A_84 : memref<10240x128xf32, #tpu.memory_space<vmem_shared>>) offsets(%arg10 : memref<128xi32, #tpu.memory_space<vmem>>) semaphore(%run_scoped3A : memref<!tpu.dma_semaphore, #tpu.memory_space<semaphore_mem>>) {add = true}
        %dma_wait3A_85 = arith.constant 0 : i32
        %dma_wait3A_86 = arith.constant 0 : i32
        %dma_wait3A_87 = tpu.memref_slice %arg13[%dma_wait3A_85, %dma_wait3A_86] : memref<10240x128xf32, #tpu.memory_space<vmem_shared>> -> memref<10240x128xf32, #tpu.memory_space<vmem_shared>>
        tpu.wait_indirect_dma semaphore(%run_scoped3A : memref<!tpu.dma_semaphore, #tpu.memory_space<semaphore_mem>>) src(%arg12 : memref<128x128xf32, #tpu.memory_space<vmem>>) dst(%dma_wait3A_87 : memref<10240x128xf32, #tpu.memory_space<vmem_shared>>)
        tpu.yield
      }) : () -> ()
      %add3A_76 = arith.constant 2 : i32
      %add3A_77 = arith.addi %add3A_64, %add3A_76 : i32
      %lt3A_78 = arith.cmpi slt, %add3A_77, %select_n3A : i32
      %convert_element_type3A_79 = arith.extui %lt3A_78 : i1 to i32
      %cond3A_80 = arith.constant 0 : i32
      %cond3A_81 = arith.cmpi ne, %convert_element_type3A_79, %cond3A_80 : i32
      scf.if %cond3A_81 {
        %add3A_82 = arith.constant 2 : i32
        %add3A_83 = arith.addi %add3A_64, %add3A_82 : i32
        %mul3A_84 = arith.constant 128 : i32
        %mul3A_85 = arith.muli %add3A_83, %mul3A_84 : i32
        %add3A_86 = arith.addi %select_n3A_8, %mul3A_85 : i32
        %dma_start3A_87 = tpu.memref_slice %arg3[%add3A_86] : memref<327680xi32, #tpu.memory_space<hbm>> -> memref<128xi32, #tpu.memory_space<hbm>>
        %dma_start3A_88 = tpu.memref_slice %arg3[%add3A_86] : memref<327680xi32, #tpu.memory_space<hbm>> -> memref<128xi32, #tpu.memory_space<hbm>>
        tpu.enqueue_dma source(%dma_start3A_88 : memref<128xi32, #tpu.memory_space<hbm>>) target(%arg8 : memref<128xi32, #tpu.memory_space<vmem>>) target_semaphore(%arg17 : memref<!tpu.dma_semaphore, #tpu.memory_space<semaphore_mem>>)
        %dma_start3A_89 = tpu.memref_slice %arg4[%add3A_86] : memref<327680xi32, #tpu.memory_space<hbm>> -> memref<128xi32, #tpu.memory_space<hbm>>
        %dma_start3A_90 = tpu.memref_slice %arg4[%add3A_86] : memref<327680xi32, #tpu.memory_space<hbm>> -> memref<128xi32, #tpu.memory_space<hbm>>
        tpu.enqueue_dma source(%dma_start3A_90 : memref<128xi32, #tpu.memory_space<hbm>>) target(%arg10 : memref<128xi32, #tpu.memory_space<vmem>>) target_semaphore(%arg17 : memref<!tpu.dma_semaphore, #tpu.memory_space<semaphore_mem>>)
      } else {
      }
    }
    %while3A_40 = arith.constant 1 : i32
    scf.for %while3A_45 = %while3A_38 to %while3A_34 step %while3A_40  : i32 {
      %mul3A_46 = arith.muli %while3A_45, %while3A : i32
      %add3A_47 = arith.addi %while3A_31, %mul3A_46 : i32
      %add3A_48 = arith.constant 0 : i32
      %add3A_49 = arith.addi %add3A_47, %add3A_48 : i32
      %add3A_50 = arith.constant 2 : i32
      %add3A_51 = arith.addi %add3A_49, %add3A_50 : i32
      %sub3A_52 = arith.constant 1 : i32
      %sub3A_53 = arith.subi %add3A_51, %sub3A_52 : i32
      %lt3A = arith.cmpi slt, %sub3A_53, %select_n3A : i32
      %convert_element_type3A = arith.extui %lt3A : i1 to i32
      %cond3A = arith.constant 0 : i32
      %cond3A_54 = arith.cmpi ne, %convert_element_type3A, %cond3A : i32
      scf.if %cond3A_54 {
        %add3A_82 = arith.constant 2 : i32
        %add3A_83 = arith.addi %add3A_49, %add3A_82 : i32
        %sub3A_84 = arith.constant 1 : i32
        %sub3A_85 = arith.subi %add3A_83, %sub3A_84 : i32
        %mul3A_86 = arith.constant 128 : i32
        %mul3A_87 = arith.muli %sub3A_85, %mul3A_86 : i32
        %add3A_88 = arith.addi %select_n3A_8, %mul3A_87 : i32
        %dma_wait3A_89 = tpu.memref_slice %arg3[%add3A_88] : memref<327680xi32, #tpu.memory_space<hbm>> -> memref<128xi32, #tpu.memory_space<hbm>>
        %dma_wait3A_90 = tpu.memref_slice %arg3[%add3A_88] : memref<327680xi32, #tpu.memory_space<hbm>> -> memref<128xi32, #tpu.memory_space<hbm>>
        tpu.wait_dma2 semaphore(%arg17 : memref<!tpu.dma_semaphore, #tpu.memory_space<semaphore_mem>>) src(%dma_wait3A_90 : memref<128xi32, #tpu.memory_space<hbm>>) dst(%arg8 : memref<128xi32, #tpu.memory_space<vmem>>)
        %dma_wait3A_91 = tpu.memref_slice %arg4[%add3A_88] : memref<327680xi32, #tpu.memory_space<hbm>> -> memref<128xi32, #tpu.memory_space<hbm>>
        %dma_wait3A_92 = tpu.memref_slice %arg4[%add3A_88] : memref<327680xi32, #tpu.memory_space<hbm>> -> memref<128xi32, #tpu.memory_space<hbm>>
        tpu.wait_dma2 semaphore(%arg17 : memref<!tpu.dma_semaphore, #tpu.memory_space<semaphore_mem>>) src(%dma_wait3A_92 : memref<128xi32, #tpu.memory_space<hbm>>) dst(%arg10 : memref<128xi32, #tpu.memory_space<vmem>>)
        %dma_start3A_93 = arith.constant 0 : i32
        %dma_start3A_94 = arith.constant 0 : i32
        %dma_start3A_95 = tpu.memref_slice %arg2[%dma_start3A_93, %dma_start3A_94] : memref<10240x128xf32, #tpu.memory_space<hbm>> -> memref<10240x128xf32, #tpu.memory_space<hbm>>
        tpu.enqueue_indirect_dma source(%dma_start3A_95 : memref<10240x128xf32, #tpu.memory_space<hbm>>) target(%arg12 : memref<128x128xf32, #tpu.memory_space<vmem>>) offsets(%arg8 : memref<128xi32, #tpu.memory_space<vmem>>) semaphore(%arg15 : memref<!tpu.dma_semaphore, #tpu.memory_space<semaphore_mem>>)
      } else {
      }
      %dma_wait3A = arith.constant 0 : i32
      %dma_wait3A_55 = arith.constant 0 : i32
      %dma_wait3A_56 = tpu.memref_slice %arg2[%dma_wait3A, %dma_wait3A_55] : memref<10240x128xf32, #tpu.memory_space<hbm>> -> memref<10240x128xf32, #tpu.memory_space<hbm>>
      tpu.wait_indirect_dma semaphore(%arg14 : memref<!tpu.dma_semaphore, #tpu.memory_space<semaphore_mem>>) src(%dma_wait3A_56 : memref<10240x128xf32, #tpu.memory_space<hbm>>) dst(%arg11 : memref<128x128xf32, #tpu.memory_space<vmem>>)
      "tpu.region"() ({
        %run_scoped3A = tpu.sem_alloc : memref<!tpu.dma_semaphore, #tpu.memory_space<semaphore_mem>>
        %dma_start3A_82 = arith.constant 0 : i32
        %dma_start3A_83 = arith.constant 0 : i32
        %dma_start3A_84 = tpu.memref_slice %arg13[%dma_start3A_82, %dma_start3A_83] : memref<10240x128xf32, #tpu.memory_space<vmem_shared>> -> memref<10240x128xf32, #tpu.memory_space<vmem_shared>>
        tpu.enqueue_indirect_dma source(%arg11 : memref<128x128xf32, #tpu.memory_space<vmem>>) target(%dma_start3A_84 : memref<10240x128xf32, #tpu.memory_space<vmem_shared>>) offsets(%arg9 : memref<128xi32, #tpu.memory_space<vmem>>) semaphore(%run_scoped3A : memref<!tpu.dma_semaphore, #tpu.memory_space<semaphore_mem>>) {add = true}
        %dma_wait3A_85 = arith.constant 0 : i32
        %dma_wait3A_86 = arith.constant 0 : i32
        %dma_wait3A_87 = tpu.memref_slice %arg13[%dma_wait3A_85, %dma_wait3A_86] : memref<10240x128xf32, #tpu.memory_space<vmem_shared>> -> memref<10240x128xf32, #tpu.memory_space<vmem_shared>>
        tpu.wait_indirect_dma semaphore(%run_scoped3A : memref<!tpu.dma_semaphore, #tpu.memory_space<semaphore_mem>>) src(%arg11 : memref<128x128xf32, #tpu.memory_space<vmem>>) dst(%dma_wait3A_87 : memref<10240x128xf32, #tpu.memory_space<vmem_shared>>)
        tpu.yield
      }) : () -> ()
      %add3A_57 = arith.constant 2 : i32
      %add3A_58 = arith.addi %add3A_49, %add3A_57 : i32
      %lt3A_59 = arith.cmpi slt, %add3A_58, %select_n3A : i32
      %convert_element_type3A_60 = arith.extui %lt3A_59 : i1 to i32
      %cond3A_61 = arith.constant 0 : i32
      %cond3A_62 = arith.cmpi ne, %convert_element_type3A_60, %cond3A_61 : i32
      scf.if %cond3A_62 {
        %add3A_82 = arith.constant 2 : i32
        %add3A_83 = arith.addi %add3A_49, %add3A_82 : i32
        %mul3A_84 = arith.constant 128 : i32
        %mul3A_85 = arith.muli %add3A_83, %mul3A_84 : i32
        %add3A_86 = arith.addi %select_n3A_8, %mul3A_85 : i32
        %dma_start3A_87 = tpu.memref_slice %arg3[%add3A_86] : memref<327680xi32, #tpu.memory_space<hbm>> -> memref<128xi32, #tpu.memory_space<hbm>>
        %dma_start3A_88 = tpu.memref_slice %arg3[%add3A_86] : memref<327680xi32, #tpu.memory_space<hbm>> -> memref<128xi32, #tpu.memory_space<hbm>>
        tpu.enqueue_dma source(%dma_start3A_88 : memref<128xi32, #tpu.memory_space<hbm>>) target(%arg7 : memref<128xi32, #tpu.memory_space<vmem>>) target_semaphore(%arg16 : memref<!tpu.dma_semaphore, #tpu.memory_space<semaphore_mem>>)
        %dma_start3A_89 = tpu.memref_slice %arg4[%add3A_86] : memref<327680xi32, #tpu.memory_space<hbm>> -> memref<128xi32, #tpu.memory_space<hbm>>
        %dma_start3A_90 = tpu.memref_slice %arg4[%add3A_86] : memref<327680xi32, #tpu.memory_space<hbm>> -> memref<128xi32, #tpu.memory_space<hbm>>
        tpu.enqueue_dma source(%dma_start3A_90 : memref<128xi32, #tpu.memory_space<hbm>>) target(%arg9 : memref<128xi32, #tpu.memory_space<vmem>>) target_semaphore(%arg16 : memref<!tpu.dma_semaphore, #tpu.memory_space<semaphore_mem>>)
      } else {
      }
      %add3A_63 = arith.constant 1 : i32
      %add3A_64 = arith.addi %add3A_47, %add3A_63 : i32
      %add3A_65 = arith.constant 2 : i32
      %add3A_66 = arith.addi %add3A_64, %add3A_65 : i32
      %sub3A_67 = arith.constant 1 : i32
      %sub3A_68 = arith.subi %add3A_66, %sub3A_67 : i32
      %lt3A_69 = arith.cmpi slt, %sub3A_68, %select_n3A : i32
      %convert_element_type3A_70 = arith.extui %lt3A_69 : i1 to i32
      %cond3A_71 = arith.constant 0 : i32
      %cond3A_72 = arith.cmpi ne, %convert_element_type3A_70, %cond3A_71 : i32
      scf.if %cond3A_72 {
        %add3A_82 = arith.constant 2 : i32
        %add3A_83 = arith.addi %add3A_64, %add3A_82 : i32
        %sub3A_84 = arith.constant 1 : i32
        %sub3A_85 = arith.subi %add3A_83, %sub3A_84 : i32
        %mul3A_86 = arith.constant 128 : i32
        %mul3A_87 = arith.muli %sub3A_85, %mul3A_86 : i32
        %add3A_88 = arith.addi %select_n3A_8, %mul3A_87 : i32
        %dma_wait3A_89 = tpu.memref_slice %arg3[%add3A_88] : memref<327680xi32, #tpu.memory_space<hbm>> -> memref<128xi32, #tpu.memory_space<hbm>>
        %dma_wait3A_90 = tpu.memref_slice %arg3[%add3A_88] : memref<327680xi32, #tpu.memory_space<hbm>> -> memref<128xi32, #tpu.memory_space<hbm>>
        tpu.wait_dma2 semaphore(%arg16 : memref<!tpu.dma_semaphore, #tpu.memory_space<semaphore_mem>>) src(%dma_wait3A_90 : memref<128xi32, #tpu.memory_space<hbm>>) dst(%arg7 : memref<128xi32, #tpu.memory_space<vmem>>)
        %dma_wait3A_91 = tpu.memref_slice %arg4[%add3A_88] : memref<327680xi32, #tpu.memory_space<hbm>> -> memref<128xi32, #tpu.memory_space<hbm>>
        %dma_wait3A_92 = tpu.memref_slice %arg4[%add3A_88] : memref<327680xi32, #tpu.memory_space<hbm>> -> memref<128xi32, #tpu.memory_space<hbm>>
        tpu.wait_dma2 semaphore(%arg16 : memref<!tpu.dma_semaphore, #tpu.memory_space<semaphore_mem>>) src(%dma_wait3A_92 : memref<128xi32, #tpu.memory_space<hbm>>) dst(%arg9 : memref<128xi32, #tpu.memory_space<vmem>>)
        %dma_start3A_93 = arith.constant 0 : i32
        %dma_start3A_94 = arith.constant 0 : i32
        %dma_start3A_95 = tpu.memref_slice %arg2[%dma_start3A_93, %dma_start3A_94] : memref<10240x128xf32, #tpu.memory_space<hbm>> -> memref<10240x128xf32, #tpu.memory_space<hbm>>
        tpu.enqueue_indirect_dma source(%dma_start3A_95 : memref<10240x128xf32, #tpu.memory_space<hbm>>) target(%arg11 : memref<128x128xf32, #tpu.memory_space<vmem>>) offsets(%arg7 : memref<128xi32, #tpu.memory_space<vmem>>) semaphore(%arg14 : memref<!tpu.dma_semaphore, #tpu.memory_space<semaphore_mem>>)
      } else {
      }
      %dma_wait3A_73 = arith.constant 0 : i32
      %dma_wait3A_74 = arith.constant 0 : i32
      %dma_wait3A_75 = tpu.memref_slice %arg2[%dma_wait3A_73, %dma_wait3A_74] : memref<10240x128xf32, #tpu.memory_space<hbm>> -> memref<10240x128xf32, #tpu.memory_space<hbm>>
      tpu.wait_indirect_dma semaphore(%arg15 : memref<!tpu.dma_semaphore, #tpu.memory_space<semaphore_mem>>) src(%dma_wait3A_75 : memref<10240x128xf32, #tpu.memory_space<hbm>>) dst(%arg12 : memref<128x128xf32, #tpu.memory_space<vmem>>)
      "tpu.region"() ({
        %run_scoped3A = tpu.sem_alloc : memref<!tpu.dma_semaphore, #tpu.memory_space<semaphore_mem>>
        %dma_start3A_82 = arith.constant 0 : i32
        %dma_start3A_83 = arith.constant 0 : i32
        %dma_start3A_84 = tpu.memref_slice %arg13[%dma_start3A_82, %dma_start3A_83] : memref<10240x128xf32, #tpu.memory_space<vmem_shared>> -> memref<10240x128xf32, #tpu.memory_space<vmem_shared>>
        tpu.enqueue_indirect_dma source(%arg12 : memref<128x128xf32, #tpu.memory_space<vmem>>) target(%dma_start3A_84 : memref<10240x128xf32, #tpu.memory_space<vmem_shared>>) offsets(%arg10 : memref<128xi32, #tpu.memory_space<vmem>>) semaphore(%run_scoped3A : memref<!tpu.dma_semaphore, #tpu.memory_space<semaphore_mem>>) {add = true}
        %dma_wait3A_85 = arith.constant 0 : i32
        %dma_wait3A_86 = arith.constant 0 : i32
        %dma_wait3A_87 = tpu.memref_slice %arg13[%dma_wait3A_85, %dma_wait3A_86] : memref<10240x128xf32, #tpu.memory_space<vmem_shared>> -> memref<10240x128xf32, #tpu.memory_space<vmem_shared>>
        tpu.wait_indirect_dma semaphore(%run_scoped3A : memref<!tpu.dma_semaphore, #tpu.memory_space<semaphore_mem>>) src(%arg12 : memref<128x128xf32, #tpu.memory_space<vmem>>) dst(%dma_wait3A_87 : memref<10240x128xf32, #tpu.memory_space<vmem_shared>>)
        tpu.yield
      }) : () -> ()
      %add3A_76 = arith.constant 2 : i32
      %add3A_77 = arith.addi %add3A_64, %add3A_76 : i32
      %lt3A_78 = arith.cmpi slt, %add3A_77, %select_n3A : i32
      %convert_element_type3A_79 = arith.extui %lt3A_78 : i1 to i32
      %cond3A_80 = arith.constant 0 : i32
      %cond3A_81 = arith.cmpi ne, %convert_element_type3A_79, %cond3A_80 : i32
      scf.if %cond3A_81 {
        %add3A_82 = arith.constant 2 : i32
        %add3A_83 = arith.addi %add3A_64, %add3A_82 : i32
        %mul3A_84 = arith.constant 128 : i32
        %mul3A_85 = arith.muli %add3A_83, %mul3A_84 : i32
        %add3A_86 = arith.addi %select_n3A_8, %mul3A_85 : i32
        %dma_start3A_87 = tpu.memref_slice %arg3[%add3A_86] : memref<327680xi32, #tpu.memory_space<hbm>> -> memref<128xi32, #tpu.memory_space<hbm>>
        %dma_start3A_88 = tpu.memref_slice %arg3[%add3A_86] : memref<327680xi32, #tpu.memory_space<hbm>> -> memref<128xi32, #tpu.memory_space<hbm>>
        tpu.enqueue_dma source(%dma_start3A_88 : memref<128xi32, #tpu.memory_space<hbm>>) target(%arg8 : memref<128xi32, #tpu.memory_space<vmem>>) target_semaphore(%arg17 : memref<!tpu.dma_semaphore, #tpu.memory_space<semaphore_mem>>)
        %dma_start3A_89 = tpu.memref_slice %arg4[%add3A_86] : memref<327680xi32, #tpu.memory_space<hbm>> -> memref<128xi32, #tpu.memory_space<hbm>>
        %dma_start3A_90 = tpu.memref_slice %arg4[%add3A_86] : memref<327680xi32, #tpu.memory_space<hbm>> -> memref<128xi32, #tpu.memory_space<hbm>>
        tpu.enqueue_dma source(%dma_start3A_90 : memref<128xi32, #tpu.memory_space<hbm>>) target(%arg10 : memref<128xi32, #tpu.memory_space<vmem>>) target_semaphore(%arg17 : memref<!tpu.dma_semaphore, #tpu.memory_space<semaphore_mem>>)
      } else {
      }
    }
    %barrier3A_41 = arith.constant 0 : index
    tpu.barrier barrier_id(%barrier3A_41)
    %mul3A_42 = arith.constant 10240 : i32
    %mul3A_43 = arith.muli %arg0, %mul3A_42 : i32
    %add3A_44 = arith.addi %mul3A_43, %mul3A_10 : i32
    "tpu.region"() ({
      %run_scoped3A = tpu.sem_alloc : memref<!tpu.dma_semaphore, #tpu.memory_space<semaphore_mem>>
      %dma_start3A_45 = arith.constant 0 : i32
      %dma_start3A_46 = tpu.memref_slice %arg6[%add3A_44, %dma_start3A_45] : memref<20480x128xf32, #tpu.memory_space<hbm>> -> memref<640x128xf32, #tpu.memory_space<hbm>>
      %dma_start3A_47 = arith.constant 0 : i32
      %dma_start3A_48 = tpu.memref_slice %arg13[%mul3A_10, %dma_start3A_47] : memref<10240x128xf32, #tpu.memory_space<vmem_shared>> -> memref<640x128xf32, #tpu.memory_space<vmem_shared>>
      tpu.enqueue_dma source(%dma_start3A_48 : memref<640x128xf32, #tpu.memory_space<vmem_shared>>) target(%dma_start3A_46 : memref<640x128xf32, #tpu.memory_space<hbm>>) target_semaphore(%run_scoped3A : memref<!tpu.dma_semaphore, #tpu.memory_space<semaphore_mem>>)
      %dma_wait3A = arith.constant 0 : i32
      %dma_wait3A_49 = tpu.memref_slice %arg6[%add3A_44, %dma_wait3A] : memref<20480x128xf32, #tpu.memory_space<hbm>> -> memref<640x128xf32, #tpu.memory_space<hbm>>
      %dma_wait3A_50 = arith.constant 0 : i32
      %dma_wait3A_51 = tpu.memref_slice %arg13[%mul3A_10, %dma_wait3A_50] : memref<10240x128xf32, #tpu.memory_space<vmem_shared>> -> memref<640x128xf32, #tpu.memory_space<vmem_shared>>
      tpu.wait_dma2 semaphore(%run_scoped3A : memref<!tpu.dma_semaphore, #tpu.memory_space<semaphore_mem>>) src(%dma_wait3A_51 : memref<640x128xf32, #tpu.memory_space<vmem_shared>>) dst(%dma_wait3A_49 : memref<640x128xf32, #tpu.memory_space<hbm>>)
      tpu.yield
    }) : () -> ()
    return
  }
}

#map = affine_map<(d0, d1) -> (0, 0)>
#map1 = affine_map<(d0, d1) -> (0)>
module attributes {stable_mosaic.version = 14 : i64} {
  func.func @_scatter_kernel(%arg0: i32, %arg1: i32, %arg2: memref<10240x128xf32, #tpu.memory_space<hbm>>, %arg3: memref<327680xi32, #tpu.memory_space<hbm>>, %arg4: memref<327680xi32, #tpu.memory_space<hbm>>, %arg5: memref<640x128xf32, #tpu.memory_space<hbm>>, %arg6: memref<20480x128xf32, #tpu.memory_space<hbm>>, %arg7: memref<128xi32, #tpu.memory_space<vmem>>, %arg8: memref<128xi32, #tpu.memory_space<vmem>>, %arg9: memref<128xi32, #tpu.memory_space<vmem>>, %arg10: memref<128xi32, #tpu.memory_space<vmem>>, %arg11: memref<128x128xf32, #tpu.memory_space<vmem>>, %arg12: memref<128x128xf32, #tpu.memory_space<vmem>>, %arg13: memref<10240x128xf32, #tpu.memory_space<vmem_shared>>, %arg14: memref<!tpu.dma_semaphore, #tpu.memory_space<semaphore_mem>>, %arg15: memref<!tpu.dma_semaphore, #tpu.memory_space<semaphore_mem>>, %arg16: memref<!tpu.dma_semaphore, #tpu.memory_space<semaphore_mem>>, %arg17: memref<!tpu.dma_semaphore, #tpu.memory_space<semaphore_mem>>) attributes {dimension_semantics = [#tpu.dimension_semantics<core_parallel>, #tpu.dimension_semantics<subcore_parallel>], iteration_bounds = array<i64: 2, 16>, scalar_prefetch = 0 : i64, scratch_operands = 11 : i64, tpu.core_type = #tpu.core_type<sc_vector_subcore>, window_params = [{transform_indices = #map}, {transform_indices = #map1}, {transform_indices = #map1}, {transform_indices = #map}, {transform_indices = #map}]} {
    %eq3A = arith.constant 0 : i32
    %eq3A_0 = arith.cmpi eq, %arg0, %eq3A : i32
    %jit3A = arith.constant 152 : i32
    %jit3A_1 = arith.constant 8 : i32
    %select_n3A = arith.select %eq3A_0, %jit3A, %jit3A_1 : i32
    %eq3A_2 = arith.constant 0 : i32
    %eq3A_3 = arith.cmpi eq, %arg0, %eq3A_2 : i32
    %mul3A = arith.constant 19456 : i32
    %mul3A_4 = arith.muli %arg1, %mul3A : i32
    %mul3A_5 = arith.constant 1024 : i32
    %mul3A_6 = arith.muli %arg1, %mul3A_5 : i32
    %add3A = arith.constant 311296 : i32
    %add3A_7 = arith.addi %add3A, %mul3A_6 : i32
    %select_n3A_8 = arith.select %eq3A_3, %mul3A_4, %add3A_7 : i32
    %mul3A_9 = arith.constant 640 : i32
    %mul3A_10 = arith.muli %arg1, %mul3A_9 : i32
    "tpu.region"() ({
      %run_scoped3A = tpu.sem_alloc : memref<!tpu.dma_semaphore, #tpu.memory_space<semaphore_mem>>
      %dma_start3A_45 = arith.constant 0 : i32
      %dma_start3A_46 = tpu.memref_slice %arg13[%mul3A_10, %dma_start3A_45] : memref<10240x128xf32, #tpu.memory_space<vmem_shared>> -> memref<640x128xf32, #tpu.memory_space<vmem_shared>>
      tpu.enqueue_dma source(%arg5 : memref<640x128xf32, #tpu.memory_space<hbm>>) target(%dma_start3A_46 : memref<640x128xf32, #tpu.memory_space<vmem_shared>>) target_semaphore(%run_scoped3A : memref<!tpu.dma_semaphore, #tpu.memory_space<semaphore_mem>>)
      %dma_wait3A = arith.constant 0 : i32
      %dma_wait3A_47 = tpu.memref_slice %arg13[%mul3A_10, %dma_wait3A] : memref<10240x128xf32, #tpu.memory_space<vmem_shared>> -> memref<640x128xf32, #tpu.memory_space<vmem_shared>>
      tpu.wait_dma2 semaphore(%run_scoped3A : memref<!tpu.dma_semaphore, #tpu.memory_space<semaphore_mem>>) src(%arg5 : memref<640x128xf32, #tpu.memory_space<hbm>>) dst(%dma_wait3A_47 : memref<640x128xf32, #tpu.memory_space<vmem_shared>>)
      tpu.yield
    }) : () -> ()
    %barrier3A = arith.constant 0 : index
    tpu.barrier barrier_id(%barrier3A)
    %add3A_11 = arith.constant 0 : i32
    %add3A_12 = arith.addi %select_n3A_8, %add3A_11 : i32
    "tpu.region"() ({
      %run_scoped3A = tpu.sem_alloc : memref<!tpu.dma_semaphore, #tpu.memory_space<semaphore_mem>>
      %dma_start3A_45 = tpu.memref_slice %arg3[%add3A_12] : memref<327680xi32, #tpu.memory_space<hbm>> -> memref<128xi32, #tpu.memory_space<hbm>>
      %dma_start3A_46 = tpu.memref_slice %arg3[%add3A_12] : memref<327680xi32, #tpu.memory_space<hbm>> -> memref<128xi32, #tpu.memory_space<hbm>>
      tpu.enqueue_dma source(%dma_start3A_46 : memref<128xi32, #tpu.memory_space<hbm>>) target(%arg7 : memref<128xi32, #tpu.memory_space<vmem>>) target_semaphore(%run_scoped3A : memref<!tpu.dma_semaphore, #tpu.memory_space<semaphore_mem>>)
      %dma_wait3A = tpu.memref_slice %arg3[%add3A_12] : memref<327680xi32, #tpu.memory_space<hbm>> -> memref<128xi32, #tpu.memory_space<hbm>>
      %dma_wait3A_47 = tpu.memref_slice %arg3[%add3A_12] : memref<327680xi32, #tpu.memory_space<hbm>> -> memref<128xi32, #tpu.memory_space<hbm>>
      tpu.wait_dma2 semaphore(%run_scoped3A : memref<!tpu.dma_semaphore, #tpu.memory_space<semaphore_mem>>) src(%dma_wait3A_47 : memref<128xi32, #tpu.memory_space<hbm>>) dst(%arg7 : memref<128xi32, #tpu.memory_space<vmem>>)
      tpu.yield
    }) : () -> ()
    %add3A_13 = arith.constant 0 : i32
    %add3A_14 = arith.addi %select_n3A_8, %add3A_13 : i32
    "tpu.region"() ({
      %run_scoped3A = tpu.sem_alloc : memref<!tpu.dma_semaphore, #tpu.memory_space<semaphore_mem>>
      %dma_start3A_45 = tpu.memref_slice %arg4[%add3A_14] : memref<327680xi32, #tpu.memory_space<hbm>> -> memref<128xi32, #tpu.memory_space<hbm>>
      %dma_start3A_46 = tpu.memref_slice %arg4[%add3A_14] : memref<327680xi32, #tpu.memory_space<hbm>> -> memref<128xi32, #tpu.memory_space<hbm>>
      tpu.enqueue_dma source(%dma_start3A_46 : memref<128xi32, #tpu.memory_space<hbm>>) target(%arg9 : memref<128xi32, #tpu.memory_space<vmem>>) target_semaphore(%run_scoped3A : memref<!tpu.dma_semaphore, #tpu.memory_space<semaphore_mem>>)
      %dma_wait3A = tpu.memref_slice %arg4[%add3A_14] : memref<327680xi32, #tpu.memory_space<hbm>> -> memref<128xi32, #tpu.memory_space<hbm>>
      %dma_wait3A_47 = tpu.memref_slice %arg4[%add3A_14] : memref<327680xi32, #tpu.memory_space<hbm>> -> memref<128xi32, #tpu.memory_space<hbm>>
      tpu.wait_dma2 semaphore(%run_scoped3A : memref<!tpu.dma_semaphore, #tpu.memory_space<semaphore_mem>>) src(%dma_wait3A_47 : memref<128xi32, #tpu.memory_space<hbm>>) dst(%arg9 : memref<128xi32, #tpu.memory_space<vmem>>)
      tpu.yield
    }) : () -> ()
    %dma_start3A = arith.constant 0 : i32
    %dma_start3A_15 = arith.constant 0 : i32
    %dma_start3A_16 = tpu.memref_slice %arg2[%dma_start3A, %dma_start3A_15] : memref<10240x128xf32, #tpu.memory_space<hbm>> -> memref<10240x128xf32, #tpu.memory_space<hbm>>
    tpu.enqueue_indirect_dma source(%dma_start3A_16 : memref<10240x128xf32, #tpu.memory_space<hbm>>) target(%arg11 : memref<128x128xf32, #tpu.memory_space<vmem>>) offsets(%arg7 : memref<128xi32, #tpu.memory_space<vmem>>) semaphore(%arg14 : memref<!tpu.dma_semaphore, #tpu.memory_space<semaphore_mem>>)
    %add3A_17 = arith.constant 128 : i32
    %add3A_18 = arith.addi %select_n3A_8, %add3A_17 : i32
    %dma_start3A_19 = tpu.memref_slice %arg3[%add3A_18] : memref<327680xi32, #tpu.memory_space<hbm>> -> memref<128xi32, #tpu.memory_space<hbm>>
    %dma_start3A_20 = tpu.memref_slice %arg3[%add3A_18] : memref<327680xi32, #tpu.memory_space<hbm>> -> memref<128xi32, #tpu.memory_space<hbm>>
    tpu.enqueue_dma source(%dma_start3A_20 : memref<128xi32, #tpu.memory_space<hbm>>) target(%arg8 : memref<128xi32, #tpu.memory_space<vmem>>) target_semaphore(%arg17 : memref<!tpu.dma_semaphore, #tpu.memory_space<semaphore_mem>>)
    %add3A_21 = arith.constant 128 : i32
    %add3A_22 = arith.addi %select_n3A_8, %add3A_21 : i32
    %dma_start3A_23 = tpu.memref_slice %arg4[%add3A_22] : memref<327680xi32, #tpu.memory_space<hbm>> -> memref<128xi32, #tpu.memory_space<hbm>>
    %dma_start3A_24 = tpu.memref_slice %arg4[%add3A_22] : memref<327680xi32, #tpu.memory_space<hbm>> -> memref<128xi32, #tpu.memory_space<hbm>>
    tpu.enqueue_dma source(%dma_start3A_24 : memref<128xi32, #tpu.memory_space<hbm>>) target(%arg10 : memref<128xi32, #tpu.memory_space<vmem>>) target_semaphore(%arg17 : memref<!tpu.dma_semaphore, #tpu.memory_space<semaphore_mem>>)
    %sub3A = arith.constant 0 : i32
    %sub3A_25 = arith.subi %select_n3A, %sub3A : i32
    %sub3A_26 = arith.constant 2 : i32
    %sub3A_27 = arith.constant 1 : i32
    %sub3A_28 = arith.subi %sub3A_26, %sub3A_27 : i32
    %add3A_29 = arith.addi %sub3A_25, %sub3A_28 : i32
    %div3A = arith.constant 2 : i32
    %div3A_30 = arith.divsi %add3A_29, %div3A : i32
    %while3A = arith.constant 2 : i32
    %while3A_31 = arith.constant 0 : i32
    %while3A_32 = arith.constant 0 : i32
    %while3A_33 = arith.subi %div3A_30, %while3A_32 : i32
    %while3A_34 = arith.addi %while3A_32, %while3A_33 : i32
    %while3A_35 = arith.constant 1 : i32
    %while3A_36 = arith.divsi %while3A_33, %while3A_35 : i32
    %while3A_37 = arith.muli %while3A_36, %while3A_35 : i32
    %while3A_38 = arith.addi %while3A_32, %while3A_37 : i32
    %while3A_39 = arith.constant 1 : i32
    scf.for %while3A_45 = %while3A_32 to %while3A_38 step %while3A_39  : i32 {
      %mul3A_46 = arith.muli %while3A_45, %while3A : i32
      %add3A_47 = arith.addi %while3A_31, %mul3A_46 : i32
      %add3A_48 = arith.constant 0 : i32
      %add3A_49 = arith.addi %add3A_47, %add3A_48 : i32
      %add3A_50 = arith.constant 2 : i32
      %add3A_51 = arith.addi %add3A_49, %add3A_50 : i32
      %sub3A_52 = arith.constant 1 : i32
      %sub3A_53 = arith.subi %add3A_51, %sub3A_52 : i32
      %lt3A = arith.cmpi slt, %sub3A_53, %select_n3A : i32
      %convert_element_type3A = arith.extui %lt3A : i1 to i32
      %cond3A = arith.constant 0 : i32
      %cond3A_54 = arith.cmpi ne, %convert_element_type3A, %cond3A : i32
      scf.if %cond3A_54 {
        %add3A_82 = arith.constant 2 : i32
        %add3A_83 = arith.addi %add3A_49, %add3A_82 : i32
        %sub3A_84 = arith.constant 1 : i32
        %sub3A_85 = arith.subi %add3A_83, %sub3A_84 : i32
        %mul3A_86 = arith.constant 128 : i32
        %mul3A_87 = arith.muli %sub3A_85, %mul3A_86 : i32
        %add3A_88 = arith.addi %select_n3A_8, %mul3A_87 : i32
        %dma_wait3A_89 = tpu.memref_slice %arg3[%add3A_88] : memref<327680xi32, #tpu.memory_space<hbm>> -> memref<128xi32, #tpu.memory_space<hbm>>
        %dma_wait3A_90 = tpu.memref_slice %arg3[%add3A_88] : memref<327680xi32, #tpu.memory_space<hbm>> -> memref<128xi32, #tpu.memory_space<hbm>>
        tpu.wait_dma2 semaphore(%arg17 : memref<!tpu.dma_semaphore, #tpu.memory_space<semaphore_mem>>) src(%dma_wait3A_90 : memref<128xi32, #tpu.memory_space<hbm>>) dst(%arg8 : memref<128xi32, #tpu.memory_space<vmem>>)
        %dma_wait3A_91 = tpu.memref_slice %arg4[%add3A_88] : memref<327680xi32, #tpu.memory_space<hbm>> -> memref<128xi32, #tpu.memory_space<hbm>>
        %dma_wait3A_92 = tpu.memref_slice %arg4[%add3A_88] : memref<327680xi32, #tpu.memory_space<hbm>> -> memref<128xi32, #tpu.memory_space<hbm>>
        tpu.wait_dma2 semaphore(%arg17 : memref<!tpu.dma_semaphore, #tpu.memory_space<semaphore_mem>>) src(%dma_wait3A_92 : memref<128xi32, #tpu.memory_space<hbm>>) dst(%arg10 : memref<128xi32, #tpu.memory_space<vmem>>)
        %dma_start3A_93 = arith.constant 0 : i32
        %dma_start3A_94 = arith.constant 0 : i32
        %dma_start3A_95 = tpu.memref_slice %arg2[%dma_start3A_93, %dma_start3A_94] : memref<10240x128xf32, #tpu.memory_space<hbm>> -> memref<10240x128xf32, #tpu.memory_space<hbm>>
        tpu.enqueue_indirect_dma source(%dma_start3A_95 : memref<10240x128xf32, #tpu.memory_space<hbm>>) target(%arg12 : memref<128x128xf32, #tpu.memory_space<vmem>>) offsets(%arg8 : memref<128xi32, #tpu.memory_space<vmem>>) semaphore(%arg15 : memref<!tpu.dma_semaphore, #tpu.memory_space<semaphore_mem>>)
      } else {
      }
      %dma_wait3A = arith.constant 0 : i32
      %dma_wait3A_55 = arith.constant 0 : i32
      %dma_wait3A_56 = tpu.memref_slice %arg2[%dma_wait3A, %dma_wait3A_55] : memref<10240x128xf32, #tpu.memory_space<hbm>> -> memref<10240x128xf32, #tpu.memory_space<hbm>>
      tpu.wait_indirect_dma semaphore(%arg14 : memref<!tpu.dma_semaphore, #tpu.memory_space<semaphore_mem>>) src(%dma_wait3A_56 : memref<10240x128xf32, #tpu.memory_space<hbm>>) dst(%arg11 : memref<128x128xf32, #tpu.memory_space<vmem>>)
      "tpu.region"() ({
        %run_scoped3A = tpu.sem_alloc : memref<!tpu.dma_semaphore, #tpu.memory_space<semaphore_mem>>
        %dma_start3A_82 = arith.constant 0 : i32
        %dma_start3A_83 = arith.constant 0 : i32
        %dma_start3A_84 = tpu.memref_slice %arg13[%dma_start3A_82, %dma_start3A_83] : memref<10240x128xf32, #tpu.memory_space<vmem_shared>> -> memref<10240x128xf32, #tpu.memory_space<vmem_shared>>
        tpu.enqueue_indirect_dma source(%arg11 : memref<128x128xf32, #tpu.memory_space<vmem>>) target(%dma_start3A_84 : memref<10240x128xf32, #tpu.memory_space<vmem_shared>>) offsets(%arg9 : memref<128xi32, #tpu.memory_space<vmem>>) semaphore(%run_scoped3A : memref<!tpu.dma_semaphore, #tpu.memory_space<semaphore_mem>>) {add = true}
        %dma_wait3A_85 = arith.constant 0 : i32
        %dma_wait3A_86 = arith.constant 0 : i32
        %dma_wait3A_87 = tpu.memref_slice %arg13[%dma_wait3A_85, %dma_wait3A_86] : memref<10240x128xf32, #tpu.memory_space<vmem_shared>> -> memref<10240x128xf32, #tpu.memory_space<vmem_shared>>
        tpu.wait_indirect_dma semaphore(%run_scoped3A : memref<!tpu.dma_semaphore, #tpu.memory_space<semaphore_mem>>) src(%arg11 : memref<128x128xf32, #tpu.memory_space<vmem>>) dst(%dma_wait3A_87 : memref<10240x128xf32, #tpu.memory_space<vmem_shared>>)
        tpu.yield
      }) : () -> ()
      %add3A_57 = arith.constant 2 : i32
      %add3A_58 = arith.addi %add3A_49, %add3A_57 : i32
      %lt3A_59 = arith.cmpi slt, %add3A_58, %select_n3A : i32
      %convert_element_type3A_60 = arith.extui %lt3A_59 : i1 to i32
      %cond3A_61 = arith.constant 0 : i32
      %cond3A_62 = arith.cmpi ne, %convert_element_type3A_60, %cond3A_61 : i32
      scf.if %cond3A_62 {
        %add3A_82 = arith.constant 2 : i32
        %add3A_83 = arith.addi %add3A_49, %add3A_82 : i32
        %mul3A_84 = arith.constant 128 : i32
        %mul3A_85 = arith.muli %add3A_83, %mul3A_84 : i32
        %add3A_86 = arith.addi %select_n3A_8, %mul3A_85 : i32
        %dma_start3A_87 = tpu.memref_slice %arg3[%add3A_86] : memref<327680xi32, #tpu.memory_space<hbm>> -> memref<128xi32, #tpu.memory_space<hbm>>
        %dma_start3A_88 = tpu.memref_slice %arg3[%add3A_86] : memref<327680xi32, #tpu.memory_space<hbm>> -> memref<128xi32, #tpu.memory_space<hbm>>
        tpu.enqueue_dma source(%dma_start3A_88 : memref<128xi32, #tpu.memory_space<hbm>>) target(%arg7 : memref<128xi32, #tpu.memory_space<vmem>>) target_semaphore(%arg16 : memref<!tpu.dma_semaphore, #tpu.memory_space<semaphore_mem>>)
        %dma_start3A_89 = tpu.memref_slice %arg4[%add3A_86] : memref<327680xi32, #tpu.memory_space<hbm>> -> memref<128xi32, #tpu.memory_space<hbm>>
        %dma_start3A_90 = tpu.memref_slice %arg4[%add3A_86] : memref<327680xi32, #tpu.memory_space<hbm>> -> memref<128xi32, #tpu.memory_space<hbm>>
        tpu.enqueue_dma source(%dma_start3A_90 : memref<128xi32, #tpu.memory_space<hbm>>) target(%arg9 : memref<128xi32, #tpu.memory_space<vmem>>) target_semaphore(%arg16 : memref<!tpu.dma_semaphore, #tpu.memory_space<semaphore_mem>>)
      } else {
      }
      %add3A_63 = arith.constant 1 : i32
      %add3A_64 = arith.addi %add3A_47, %add3A_63 : i32
      %add3A_65 = arith.constant 2 : i32
      %add3A_66 = arith.addi %add3A_64, %add3A_65 : i32
      %sub3A_67 = arith.constant 1 : i32
      %sub3A_68 = arith.subi %add3A_66, %sub3A_67 : i32
      %lt3A_69 = arith.cmpi slt, %sub3A_68, %select_n3A : i32
      %convert_element_type3A_70 = arith.extui %lt3A_69 : i1 to i32
      %cond3A_71 = arith.constant 0 : i32
      %cond3A_72 = arith.cmpi ne, %convert_element_type3A_70, %cond3A_71 : i32
      scf.if %cond3A_72 {
        %add3A_82 = arith.constant 2 : i32
        %add3A_83 = arith.addi %add3A_64, %add3A_82 : i32
        %sub3A_84 = arith.constant 1 : i32
        %sub3A_85 = arith.subi %add3A_83, %sub3A_84 : i32
        %mul3A_86 = arith.constant 128 : i32
        %mul3A_87 = arith.muli %sub3A_85, %mul3A_86 : i32
        %add3A_88 = arith.addi %select_n3A_8, %mul3A_87 : i32
        %dma_wait3A_89 = tpu.memref_slice %arg3[%add3A_88] : memref<327680xi32, #tpu.memory_space<hbm>> -> memref<128xi32, #tpu.memory_space<hbm>>
        %dma_wait3A_90 = tpu.memref_slice %arg3[%add3A_88] : memref<327680xi32, #tpu.memory_space<hbm>> -> memref<128xi32, #tpu.memory_space<hbm>>
        tpu.wait_dma2 semaphore(%arg16 : memref<!tpu.dma_semaphore, #tpu.memory_space<semaphore_mem>>) src(%dma_wait3A_90 : memref<128xi32, #tpu.memory_space<hbm>>) dst(%arg7 : memref<128xi32, #tpu.memory_space<vmem>>)
        %dma_wait3A_91 = tpu.memref_slice %arg4[%add3A_88] : memref<327680xi32, #tpu.memory_space<hbm>> -> memref<128xi32, #tpu.memory_space<hbm>>
        %dma_wait3A_92 = tpu.memref_slice %arg4[%add3A_88] : memref<327680xi32, #tpu.memory_space<hbm>> -> memref<128xi32, #tpu.memory_space<hbm>>
        tpu.wait_dma2 semaphore(%arg16 : memref<!tpu.dma_semaphore, #tpu.memory_space<semaphore_mem>>) src(%dma_wait3A_92 : memref<128xi32, #tpu.memory_space<hbm>>) dst(%arg9 : memref<128xi32, #tpu.memory_space<vmem>>)
        %dma_start3A_93 = arith.constant 0 : i32
        %dma_start3A_94 = arith.constant 0 : i32
        %dma_start3A_95 = tpu.memref_slice %arg2[%dma_start3A_93, %dma_start3A_94] : memref<10240x128xf32, #tpu.memory_space<hbm>> -> memref<10240x128xf32, #tpu.memory_space<hbm>>
        tpu.enqueue_indirect_dma source(%dma_start3A_95 : memref<10240x128xf32, #tpu.memory_space<hbm>>) target(%arg11 : memref<128x128xf32, #tpu.memory_space<vmem>>) offsets(%arg7 : memref<128xi32, #tpu.memory_space<vmem>>) semaphore(%arg14 : memref<!tpu.dma_semaphore, #tpu.memory_space<semaphore_mem>>)
      } else {
      }
      %dma_wait3A_73 = arith.constant 0 : i32
      %dma_wait3A_74 = arith.constant 0 : i32
      %dma_wait3A_75 = tpu.memref_slice %arg2[%dma_wait3A_73, %dma_wait3A_74] : memref<10240x128xf32, #tpu.memory_space<hbm>> -> memref<10240x128xf32, #tpu.memory_space<hbm>>
      tpu.wait_indirect_dma semaphore(%arg15 : memref<!tpu.dma_semaphore, #tpu.memory_space<semaphore_mem>>) src(%dma_wait3A_75 : memref<10240x128xf32, #tpu.memory_space<hbm>>) dst(%arg12 : memref<128x128xf32, #tpu.memory_space<vmem>>)
      "tpu.region"() ({
        %run_scoped3A = tpu.sem_alloc : memref<!tpu.dma_semaphore, #tpu.memory_space<semaphore_mem>>
        %dma_start3A_82 = arith.constant 0 : i32
        %dma_start3A_83 = arith.constant 0 : i32
        %dma_start3A_84 = tpu.memref_slice %arg13[%dma_start3A_82, %dma_start3A_83] : memref<10240x128xf32, #tpu.memory_space<vmem_shared>> -> memref<10240x128xf32, #tpu.memory_space<vmem_shared>>
        tpu.enqueue_indirect_dma source(%arg12 : memref<128x128xf32, #tpu.memory_space<vmem>>) target(%dma_start3A_84 : memref<10240x128xf32, #tpu.memory_space<vmem_shared>>) offsets(%arg10 : memref<128xi32, #tpu.memory_space<vmem>>) semaphore(%run_scoped3A : memref<!tpu.dma_semaphore, #tpu.memory_space<semaphore_mem>>) {add = true}
        %dma_wait3A_85 = arith.constant 0 : i32
        %dma_wait3A_86 = arith.constant 0 : i32
        %dma_wait3A_87 = tpu.memref_slice %arg13[%dma_wait3A_85, %dma_wait3A_86] : memref<10240x128xf32, #tpu.memory_space<vmem_shared>> -> memref<10240x128xf32, #tpu.memory_space<vmem_shared>>
        tpu.wait_indirect_dma semaphore(%run_scoped3A : memref<!tpu.dma_semaphore, #tpu.memory_space<semaphore_mem>>) src(%arg12 : memref<128x128xf32, #tpu.memory_space<vmem>>) dst(%dma_wait3A_87 : memref<10240x128xf32, #tpu.memory_space<vmem_shared>>)
        tpu.yield
      }) : () -> ()
      %add3A_76 = arith.constant 2 : i32
      %add3A_77 = arith.addi %add3A_64, %add3A_76 : i32
      %lt3A_78 = arith.cmpi slt, %add3A_77, %select_n3A : i32
      %convert_element_type3A_79 = arith.extui %lt3A_78 : i1 to i32
      %cond3A_80 = arith.constant 0 : i32
      %cond3A_81 = arith.cmpi ne, %convert_element_type3A_79, %cond3A_80 : i32
      scf.if %cond3A_81 {
        %add3A_82 = arith.constant 2 : i32
        %add3A_83 = arith.addi %add3A_64, %add3A_82 : i32
        %mul3A_84 = arith.constant 128 : i32
        %mul3A_85 = arith.muli %add3A_83, %mul3A_84 : i32
        %add3A_86 = arith.addi %select_n3A_8, %mul3A_85 : i32
        %dma_start3A_87 = tpu.memref_slice %arg3[%add3A_86] : memref<327680xi32, #tpu.memory_space<hbm>> -> memref<128xi32, #tpu.memory_space<hbm>>
        %dma_start3A_88 = tpu.memref_slice %arg3[%add3A_86] : memref<327680xi32, #tpu.memory_space<hbm>> -> memref<128xi32, #tpu.memory_space<hbm>>
        tpu.enqueue_dma source(%dma_start3A_88 : memref<128xi32, #tpu.memory_space<hbm>>) target(%arg8 : memref<128xi32, #tpu.memory_space<vmem>>) target_semaphore(%arg17 : memref<!tpu.dma_semaphore, #tpu.memory_space<semaphore_mem>>)
        %dma_start3A_89 = tpu.memref_slice %arg4[%add3A_86] : memref<327680xi32, #tpu.memory_space<hbm>> -> memref<128xi32, #tpu.memory_space<hbm>>
        %dma_start3A_90 = tpu.memref_slice %arg4[%add3A_86] : memref<327680xi32, #tpu.memory_space<hbm>> -> memref<128xi32, #tpu.memory_space<hbm>>
        tpu.enqueue_dma source(%dma_start3A_90 : memref<128xi32, #tpu.memory_space<hbm>>) target(%arg10 : memref<128xi32, #tpu.memory_space<vmem>>) target_semaphore(%arg17 : memref<!tpu.dma_semaphore, #tpu.memory_space<semaphore_mem>>)
      } else {
      }
    }
    %while3A_40 = arith.constant 1 : i32
    scf.for %while3A_45 = %while3A_38 to %while3A_34 step %while3A_40  : i32 {
      %mul3A_46 = arith.muli %while3A_45, %while3A : i32
      %add3A_47 = arith.addi %while3A_31, %mul3A_46 : i32
      %add3A_48 = arith.constant 0 : i32
      %add3A_49 = arith.addi %add3A_47, %add3A_48 : i32
      %add3A_50 = arith.constant 2 : i32
      %add3A_51 = arith.addi %add3A_49, %add3A_50 : i32
      %sub3A_52 = arith.constant 1 : i32
      %sub3A_53 = arith.subi %add3A_51, %sub3A_52 : i32
      %lt3A = arith.cmpi slt, %sub3A_53, %select_n3A : i32
      %convert_element_type3A = arith.extui %lt3A : i1 to i32
      %cond3A = arith.constant 0 : i32
      %cond3A_54 = arith.cmpi ne, %convert_element_type3A, %cond3A : i32
      scf.if %cond3A_54 {
        %add3A_82 = arith.constant 2 : i32
        %add3A_83 = arith.addi %add3A_49, %add3A_82 : i32
        %sub3A_84 = arith.constant 1 : i32
        %sub3A_85 = arith.subi %add3A_83, %sub3A_84 : i32
        %mul3A_86 = arith.constant 128 : i32
        %mul3A_87 = arith.muli %sub3A_85, %mul3A_86 : i32
        %add3A_88 = arith.addi %select_n3A_8, %mul3A_87 : i32
        %dma_wait3A_89 = tpu.memref_slice %arg3[%add3A_88] : memref<327680xi32, #tpu.memory_space<hbm>> -> memref<128xi32, #tpu.memory_space<hbm>>
        %dma_wait3A_90 = tpu.memref_slice %arg3[%add3A_88] : memref<327680xi32, #tpu.memory_space<hbm>> -> memref<128xi32, #tpu.memory_space<hbm>>
        tpu.wait_dma2 semaphore(%arg17 : memref<!tpu.dma_semaphore, #tpu.memory_space<semaphore_mem>>) src(%dma_wait3A_90 : memref<128xi32, #tpu.memory_space<hbm>>) dst(%arg8 : memref<128xi32, #tpu.memory_space<vmem>>)
        %dma_wait3A_91 = tpu.memref_slice %arg4[%add3A_88] : memref<327680xi32, #tpu.memory_space<hbm>> -> memref<128xi32, #tpu.memory_space<hbm>>
        %dma_wait3A_92 = tpu.memref_slice %arg4[%add3A_88] : memref<327680xi32, #tpu.memory_space<hbm>> -> memref<128xi32, #tpu.memory_space<hbm>>
        tpu.wait_dma2 semaphore(%arg17 : memref<!tpu.dma_semaphore, #tpu.memory_space<semaphore_mem>>) src(%dma_wait3A_92 : memref<128xi32, #tpu.memory_space<hbm>>) dst(%arg10 : memref<128xi32, #tpu.memory_space<vmem>>)
        %dma_start3A_93 = arith.constant 0 : i32
        %dma_start3A_94 = arith.constant 0 : i32
        %dma_start3A_95 = tpu.memref_slice %arg2[%dma_start3A_93, %dma_start3A_94] : memref<10240x128xf32, #tpu.memory_space<hbm>> -> memref<10240x128xf32, #tpu.memory_space<hbm>>
        tpu.enqueue_indirect_dma source(%dma_start3A_95 : memref<10240x128xf32, #tpu.memory_space<hbm>>) target(%arg12 : memref<128x128xf32, #tpu.memory_space<vmem>>) offsets(%arg8 : memref<128xi32, #tpu.memory_space<vmem>>) semaphore(%arg15 : memref<!tpu.dma_semaphore, #tpu.memory_space<semaphore_mem>>)
      } else {
      }
      %dma_wait3A = arith.constant 0 : i32
      %dma_wait3A_55 = arith.constant 0 : i32
      %dma_wait3A_56 = tpu.memref_slice %arg2[%dma_wait3A, %dma_wait3A_55] : memref<10240x128xf32, #tpu.memory_space<hbm>> -> memref<10240x128xf32, #tpu.memory_space<hbm>>
      tpu.wait_indirect_dma semaphore(%arg14 : memref<!tpu.dma_semaphore, #tpu.memory_space<semaphore_mem>>) src(%dma_wait3A_56 : memref<10240x128xf32, #tpu.memory_space<hbm>>) dst(%arg11 : memref<128x128xf32, #tpu.memory_space<vmem>>)
      "tpu.region"() ({
        %run_scoped3A = tpu.sem_alloc : memref<!tpu.dma_semaphore, #tpu.memory_space<semaphore_mem>>
        %dma_start3A_82 = arith.constant 0 : i32
        %dma_start3A_83 = arith.constant 0 : i32
        %dma_start3A_84 = tpu.memref_slice %arg13[%dma_start3A_82, %dma_start3A_83] : memref<10240x128xf32, #tpu.memory_space<vmem_shared>> -> memref<10240x128xf32, #tpu.memory_space<vmem_shared>>
        tpu.enqueue_indirect_dma source(%arg11 : memref<128x128xf32, #tpu.memory_space<vmem>>) target(%dma_start3A_84 : memref<10240x128xf32, #tpu.memory_space<vmem_shared>>) offsets(%arg9 : memref<128xi32, #tpu.memory_space<vmem>>) semaphore(%run_scoped3A : memref<!tpu.dma_semaphore, #tpu.memory_space<semaphore_mem>>) {add = true}
        %dma_wait3A_85 = arith.constant 0 : i32
        %dma_wait3A_86 = arith.constant 0 : i32
        %dma_wait3A_87 = tpu.memref_slice %arg13[%dma_wait3A_85, %dma_wait3A_86] : memref<10240x128xf32, #tpu.memory_space<vmem_shared>> -> memref<10240x128xf32, #tpu.memory_space<vmem_shared>>
        tpu.wait_indirect_dma semaphore(%run_scoped3A : memref<!tpu.dma_semaphore, #tpu.memory_space<semaphore_mem>>) src(%arg11 : memref<128x128xf32, #tpu.memory_space<vmem>>) dst(%dma_wait3A_87 : memref<10240x128xf32, #tpu.memory_space<vmem_shared>>)
        tpu.yield
      }) : () -> ()
      %add3A_57 = arith.constant 2 : i32
      %add3A_58 = arith.addi %add3A_49, %add3A_57 : i32
      %lt3A_59 = arith.cmpi slt, %add3A_58, %select_n3A : i32
      %convert_element_type3A_60 = arith.extui %lt3A_59 : i1 to i32
      %cond3A_61 = arith.constant 0 : i32
      %cond3A_62 = arith.cmpi ne, %convert_element_type3A_60, %cond3A_61 : i32
      scf.if %cond3A_62 {
        %add3A_82 = arith.constant 2 : i32
        %add3A_83 = arith.addi %add3A_49, %add3A_82 : i32
        %mul3A_84 = arith.constant 128 : i32
        %mul3A_85 = arith.muli %add3A_83, %mul3A_84 : i32
        %add3A_86 = arith.addi %select_n3A_8, %mul3A_85 : i32
        %dma_start3A_87 = tpu.memref_slice %arg3[%add3A_86] : memref<327680xi32, #tpu.memory_space<hbm>> -> memref<128xi32, #tpu.memory_space<hbm>>
        %dma_start3A_88 = tpu.memref_slice %arg3[%add3A_86] : memref<327680xi32, #tpu.memory_space<hbm>> -> memref<128xi32, #tpu.memory_space<hbm>>
        tpu.enqueue_dma source(%dma_start3A_88 : memref<128xi32, #tpu.memory_space<hbm>>) target(%arg7 : memref<128xi32, #tpu.memory_space<vmem>>) target_semaphore(%arg16 : memref<!tpu.dma_semaphore, #tpu.memory_space<semaphore_mem>>)
        %dma_start3A_89 = tpu.memref_slice %arg4[%add3A_86] : memref<327680xi32, #tpu.memory_space<hbm>> -> memref<128xi32, #tpu.memory_space<hbm>>
        %dma_start3A_90 = tpu.memref_slice %arg4[%add3A_86] : memref<327680xi32, #tpu.memory_space<hbm>> -> memref<128xi32, #tpu.memory_space<hbm>>
        tpu.enqueue_dma source(%dma_start3A_90 : memref<128xi32, #tpu.memory_space<hbm>>) target(%arg9 : memref<128xi32, #tpu.memory_space<vmem>>) target_semaphore(%arg16 : memref<!tpu.dma_semaphore, #tpu.memory_space<semaphore_mem>>)
      } else {
      }
      %add3A_63 = arith.constant 1 : i32
      %add3A_64 = arith.addi %add3A_47, %add3A_63 : i32
      %add3A_65 = arith.constant 2 : i32
      %add3A_66 = arith.addi %add3A_64, %add3A_65 : i32
      %sub3A_67 = arith.constant 1 : i32
      %sub3A_68 = arith.subi %add3A_66, %sub3A_67 : i32
      %lt3A_69 = arith.cmpi slt, %sub3A_68, %select_n3A : i32
      %convert_element_type3A_70 = arith.extui %lt3A_69 : i1 to i32
      %cond3A_71 = arith.constant 0 : i32
      %cond3A_72 = arith.cmpi ne, %convert_element_type3A_70, %cond3A_71 : i32
      scf.if %cond3A_72 {
        %add3A_82 = arith.constant 2 : i32
        %add3A_83 = arith.addi %add3A_64, %add3A_82 : i32
        %sub3A_84 = arith.constant 1 : i32
        %sub3A_85 = arith.subi %add3A_83, %sub3A_84 : i32
        %mul3A_86 = arith.constant 128 : i32
        %mul3A_87 = arith.muli %sub3A_85, %mul3A_86 : i32
        %add3A_88 = arith.addi %select_n3A_8, %mul3A_87 : i32
        %dma_wait3A_89 = tpu.memref_slice %arg3[%add3A_88] : memref<327680xi32, #tpu.memory_space<hbm>> -> memref<128xi32, #tpu.memory_space<hbm>>
        %dma_wait3A_90 = tpu.memref_slice %arg3[%add3A_88] : memref<327680xi32, #tpu.memory_space<hbm>> -> memref<128xi32, #tpu.memory_space<hbm>>
        tpu.wait_dma2 semaphore(%arg16 : memref<!tpu.dma_semaphore, #tpu.memory_space<semaphore_mem>>) src(%dma_wait3A_90 : memref<128xi32, #tpu.memory_space<hbm>>) dst(%arg7 : memref<128xi32, #tpu.memory_space<vmem>>)
        %dma_wait3A_91 = tpu.memref_slice %arg4[%add3A_88] : memref<327680xi32, #tpu.memory_space<hbm>> -> memref<128xi32, #tpu.memory_space<hbm>>
        %dma_wait3A_92 = tpu.memref_slice %arg4[%add3A_88] : memref<327680xi32, #tpu.memory_space<hbm>> -> memref<128xi32, #tpu.memory_space<hbm>>
        tpu.wait_dma2 semaphore(%arg16 : memref<!tpu.dma_semaphore, #tpu.memory_space<semaphore_mem>>) src(%dma_wait3A_92 : memref<128xi32, #tpu.memory_space<hbm>>) dst(%arg9 : memref<128xi32, #tpu.memory_space<vmem>>)
        %dma_start3A_93 = arith.constant 0 : i32
        %dma_start3A_94 = arith.constant 0 : i32
        %dma_start3A_95 = tpu.memref_slice %arg2[%dma_start3A_93, %dma_start3A_94] : memref<10240x128xf32, #tpu.memory_space<hbm>> -> memref<10240x128xf32, #tpu.memory_space<hbm>>
        tpu.enqueue_indirect_dma source(%dma_start3A_95 : memref<10240x128xf32, #tpu.memory_space<hbm>>) target(%arg11 : memref<128x128xf32, #tpu.memory_space<vmem>>) offsets(%arg7 : memref<128xi32, #tpu.memory_space<vmem>>) semaphore(%arg14 : memref<!tpu.dma_semaphore, #tpu.memory_space<semaphore_mem>>)
      } else {
      }
      %dma_wait3A_73 = arith.constant 0 : i32
      %dma_wait3A_74 = arith.constant 0 : i32
      %dma_wait3A_75 = tpu.memref_slice %arg2[%dma_wait3A_73, %dma_wait3A_74] : memref<10240x128xf32, #tpu.memory_space<hbm>> -> memref<10240x128xf32, #tpu.memory_space<hbm>>
      tpu.wait_indirect_dma semaphore(%arg15 : memref<!tpu.dma_semaphore, #tpu.memory_space<semaphore_mem>>) src(%dma_wait3A_75 : memref<10240x128xf32, #tpu.memory_space<hbm>>) dst(%arg12 : memref<128x128xf32, #tpu.memory_space<vmem>>)
      "tpu.region"() ({
        %run_scoped3A = tpu.sem_alloc : memref<!tpu.dma_semaphore, #tpu.memory_space<semaphore_mem>>
        %dma_start3A_82 = arith.constant 0 : i32
        %dma_start3A_83 = arith.constant 0 : i32
        %dma_start3A_84 = tpu.memref_slice %arg13[%dma_start3A_82, %dma_start3A_83] : memref<10240x128xf32, #tpu.memory_space<vmem_shared>> -> memref<10240x128xf32, #tpu.memory_space<vmem_shared>>
        tpu.enqueue_indirect_dma source(%arg12 : memref<128x128xf32, #tpu.memory_space<vmem>>) target(%dma_start3A_84 : memref<10240x128xf32, #tpu.memory_space<vmem_shared>>) offsets(%arg10 : memref<128xi32, #tpu.memory_space<vmem>>) semaphore(%run_scoped3A : memref<!tpu.dma_semaphore, #tpu.memory_space<semaphore_mem>>) {add = true}
        %dma_wait3A_85 = arith.constant 0 : i32
        %dma_wait3A_86 = arith.constant 0 : i32
        %dma_wait3A_87 = tpu.memref_slice %arg13[%dma_wait3A_85, %dma_wait3A_86] : memref<10240x128xf32, #tpu.memory_space<vmem_shared>> -> memref<10240x128xf32, #tpu.memory_space<vmem_shared>>
        tpu.wait_indirect_dma semaphore(%run_scoped3A : memref<!tpu.dma_semaphore, #tpu.memory_space<semaphore_mem>>) src(%arg12 : memref<128x128xf32, #tpu.memory_space<vmem>>) dst(%dma_wait3A_87 : memref<10240x128xf32, #tpu.memory_space<vmem_shared>>)
        tpu.yield
      }) : () -> ()
      %add3A_76 = arith.constant 2 : i32
      %add3A_77 = arith.addi %add3A_64, %add3A_76 : i32
      %lt3A_78 = arith.cmpi slt, %add3A_77, %select_n3A : i32
      %convert_element_type3A_79 = arith.extui %lt3A_78 : i1 to i32
      %cond3A_80 = arith.constant 0 : i32
      %cond3A_81 = arith.cmpi ne, %convert_element_type3A_79, %cond3A_80 : i32
      scf.if %cond3A_81 {
        %add3A_82 = arith.constant 2 : i32
        %add3A_83 = arith.addi %add3A_64, %add3A_82 : i32
        %mul3A_84 = arith.constant 128 : i32
        %mul3A_85 = arith.muli %add3A_83, %mul3A_84 : i32
        %add3A_86 = arith.addi %select_n3A_8, %mul3A_85 : i32
        %dma_start3A_87 = tpu.memref_slice %arg3[%add3A_86] : memref<327680xi32, #tpu.memory_space<hbm>> -> memref<128xi32, #tpu.memory_space<hbm>>
        %dma_start3A_88 = tpu.memref_slice %arg3[%add3A_86] : memref<327680xi32, #tpu.memory_space<hbm>> -> memref<128xi32, #tpu.memory_space<hbm>>
        tpu.enqueue_dma source(%dma_start3A_88 : memref<128xi32, #tpu.memory_space<hbm>>) target(%arg8 : memref<128xi32, #tpu.memory_space<vmem>>) target_semaphore(%arg17 : memref<!tpu.dma_semaphore, #tpu.memory_space<semaphore_mem>>)
        %dma_start3A_89 = tpu.memref_slice %arg4[%add3A_86] : memref<327680xi32, #tpu.memory_space<hbm>> -> memref<128xi32, #tpu.memory_space<hbm>>
        %dma_start3A_90 = tpu.memref_slice %arg4[%add3A_86] : memref<327680xi32, #tpu.memory_space<hbm>> -> memref<128xi32, #tpu.memory_space<hbm>>
        tpu.enqueue_dma source(%dma_start3A_90 : memref<128xi32, #tpu.memory_space<hbm>>) target(%arg10 : memref<128xi32, #tpu.memory_space<vmem>>) target_semaphore(%arg17 : memref<!tpu.dma_semaphore, #tpu.memory_space<semaphore_mem>>)
      } else {
      }
    }
    %barrier3A_41 = arith.constant 0 : index
    tpu.barrier barrier_id(%barrier3A_41)
    %mul3A_42 = arith.constant 10240 : i32
    %mul3A_43 = arith.muli %arg0, %mul3A_42 : i32
    %add3A_44 = arith.addi %mul3A_43, %mul3A_10 : i32
    "tpu.region"() ({
      %run_scoped3A = tpu.sem_alloc : memref<!tpu.dma_semaphore, #tpu.memory_space<semaphore_mem>>
      %dma_start3A_45 = arith.constant 0 : i32
      %dma_start3A_46 = tpu.memref_slice %arg6[%add3A_44, %dma_start3A_45] : memref<20480x128xf32, #tpu.memory_space<hbm>> -> memref<640x128xf32, #tpu.memory_space<hbm>>
      %dma_start3A_47 = arith.constant 0 : i32
      %dma_start3A_48 = tpu.memref_slice %arg13[%mul3A_10, %dma_start3A_47] : memref<10240x128xf32, #tpu.memory_space<vmem_shared>> -> memref<640x128xf32, #tpu.memory_space<vmem_shared>>
      tpu.enqueue_dma source(%dma_start3A_48 : memref<640x128xf32, #tpu.memory_space<vmem_shared>>) target(%dma_start3A_46 : memref<640x128xf32, #tpu.memory_space<hbm>>) target_semaphore(%run_scoped3A : memref<!tpu.dma_semaphore, #tpu.memory_space<semaphore_mem>>)
      %dma_wait3A = arith.constant 0 : i32
      %dma_wait3A_49 = tpu.memref_slice %arg6[%add3A_44, %dma_wait3A] : memref<20480x128xf32, #tpu.memory_space<hbm>> -> memref<640x128xf32, #tpu.memory_space<hbm>>
      %dma_wait3A_50 = arith.constant 0 : i32
      %dma_wait3A_51 = tpu.memref_slice %arg13[%mul3A_10, %dma_wait3A_50] : memref<10240x128xf32, #tpu.memory_space<vmem_shared>> -> memref<640x128xf32, #tpu.memory_space<vmem_shared>>
      tpu.wait_dma2 semaphore(%run_scoped3A : memref<!tpu.dma_semaphore, #tpu.memory_space<semaphore_mem>>) src(%dma_wait3A_51 : memref<640x128xf32, #tpu.memory_space<vmem_shared>>) dst(%dma_wait3A_49 : memref<640x128xf32, #tpu.memory_space<hbm>>)
      tpu.yield
    }) : () -> ()
    return
  }
}

module attributes {stable_mosaic.version = 14 : i64} {
  func.func @_mm_body(%arg0: i32, %arg1: memref<1280x128xf32, #tpu.memory_space<vmem>>, %arg2: memref<128x128xf32, #tpu.memory_space<vmem>>, %arg3: memref<1280x128xf32, #tpu.memory_space<vmem>>) attributes {dimension_semantics = [#tpu.dimension_semantics<arbitrary>], iteration_bounds = array<i64: 8>, scalar_prefetch = 0 : i64, scratch_operands = 0 : i64, tpu.core_type = #tpu.core_type<tc>, window_params = [{transform_indices = @transform_0, window_bounds = array<i64: 1280, 128>}, {pipeline_mode = #tpu.pipeline_mode<synchronous>, transform_indices = @transform_1, window_bounds = array<i64: 128, 128>}, {transform_indices = @transform_2, window_bounds = array<i64: 1280, 128>}]} {
    %get3A = arith.constant 0 : index
    %get3A_0 = arith.constant 0 : index
    %get3A_1 = vector.load %arg1[%get3A, %get3A_0] : memref<1280x128xf32, #tpu.memory_space<vmem>>, vector<1280x128xf32>
    %get3A_2 = arith.constant 0 : index
    %get3A_3 = arith.constant 0 : index
    %get3A_4 = vector.load %arg2[%get3A_2, %get3A_3] : memref<128x128xf32, #tpu.memory_space<vmem>>, vector<128x128xf32>
    %dot_general3A = arith.constant dense<0.000000e+00> : vector<1280x128xf32>
    %dot_general3A_5 = tpu.matmul %get3A_1, %get3A_4, %dot_general3A {dimension_numbers = #tpu.dot_dimension_numbers<[1], [0], [0], [1], [0, 0, 1, 1], [], []>, precision = #tpu.contract_precision<fp32>, transpose_lhs_hint = false} : vector<1280x128xf32>, vector<128x128xf32>, vector<1280x128xf32> -> vector<1280x128xf32>
    %swap3A = arith.constant 0 : index
    %swap3A_6 = arith.constant 0 : index
    %swap3A_7 = vector.load %arg3[%swap3A, %swap3A_6] : memref<1280x128xf32, #tpu.memory_space<vmem>>, vector<1280x128xf32>
    tpu.vector_store %arg3[%swap3A, %swap3A_6], %dot_general3A_5 {strides = array<i32>} : memref<1280x128xf32, #tpu.memory_space<vmem>>, vector<1280x128xf32>,
    return
  }
  func.func @transform_0(%arg0: i32) -> (i32, i32) {
    %c0_i32 = arith.constant 0 : i32
    %c0_i32_0 = arith.constant 0 : i32
    return %arg0, %c0_i32 : i32, i32
  }
  func.func @transform_1(%arg0: i32) -> (i32, i32) {
    %c0_i32 = arith.constant 0 : i32
    %c0_i32_0 = arith.constant 0 : i32
    %c0_i32_1 = arith.constant 0 : i32
    return %c0_i32, %c0_i32_0 : i32, i32
  }
  func.func @transform_2(%arg0: i32) -> (i32, i32) {
    %c0_i32 = arith.constant 0 : i32
    %c0_i32_0 = arith.constant 0 : i32
    return %arg0, %c0_i32 : i32, i32
  }
}

module attributes {stable_mosaic.version = 14 : i64} {
  func.func @_scale_body(%arg0: i32, %arg1: memref<1280x128xf32, #tpu.memory_space<vmem>>, %arg2: memref<1280x1xf32, #tpu.memory_space<vmem>>, %arg3: memref<1280x1xf32, #tpu.memory_space<vmem>>, %arg4: memref<1280x128xf32, #tpu.memory_space<vmem>>) attributes {dimension_semantics = [#tpu.dimension_semantics<arbitrary>], iteration_bounds = array<i64: 8>, scalar_prefetch = 0 : i64, scratch_operands = 0 : i64, tpu.core_type = #tpu.core_type<tc>, window_params = [{transform_indices = @transform_0, window_bounds = array<i64: 1280, 128>}, {transform_indices = @transform_1, window_bounds = array<i64: 1280, 1>}, {transform_indices = @transform_2, window_bounds = array<i64: 1280, 1>}, {transform_indices = @transform_3, window_bounds = array<i64: 1280, 128>}]} {
    %get3A = arith.constant 0 : index
    %get3A_0 = arith.constant 0 : index
    %get3A_1 = vector.load %arg2[%get3A, %get3A_0] : memref<1280x1xf32, #tpu.memory_space<vmem>>, vector<1280x1xf32>
    %get3A_2 = arith.constant 0 : index
    %get3A_3 = arith.constant 0 : index
    %get3A_4 = vector.load %arg3[%get3A_2, %get3A_3] : memref<1280x1xf32, #tpu.memory_space<vmem>>, vector<1280x1xf32>
    %add3A = arith.addf %get3A_1, %get3A_4 : vector<1280x1xf32>
    %add3A_5 = arith.constant 1.000000e+00 : f32
    %add3A_6 = vector.broadcast %add3A_5 : f32 to vector<1280x1xf32>
    %add3A_7 = arith.addf %add3A, %add3A_6 : vector<1280x1xf32>
    %rsqrt3A = math.rsqrt %add3A_7 : vector<1280x1xf32>
    %get3A_8 = arith.constant 0 : index
    %get3A_9 = arith.constant 0 : index
    %get3A_10 = vector.load %arg1[%get3A_8, %get3A_9] : memref<1280x128xf32, #tpu.memory_space<vmem>>, vector<1280x128xf32>
    %mul3A = vector.broadcast %rsqrt3A : vector<1280x1xf32> to vector<1280x128xf32>
    %mul3A_11 = arith.mulf %mul3A, %get3A_10 : vector<1280x128xf32>
    %swap3A = arith.constant 0 : index
    %swap3A_12 = arith.constant 0 : index
    %swap3A_13 = vector.load %arg4[%swap3A, %swap3A_12] : memref<1280x128xf32, #tpu.memory_space<vmem>>, vector<1280x128xf32>
    tpu.vector_store %arg4[%swap3A, %swap3A_12], %mul3A_11 {strides = array<i32>} : memref<1280x128xf32, #tpu.memory_space<vmem>>, vector<1280x128xf32>,
    return
  }
  func.func @transform_0(%arg0: i32) -> (i32, i32) {
    %c0_i32 = arith.constant 0 : i32
    %c0_i32_0 = arith.constant 0 : i32
    return %arg0, %c0_i32 : i32, i32
  }
  func.func @transform_1(%arg0: i32) -> (i32, i32) {
    %c0_i32 = arith.constant 0 : i32
    %c0_i32_0 = arith.constant 0 : i32
    return %arg0, %c0_i32 : i32, i32
  }
  func.func @transform_2(%arg0: i32) -> (i32, i32) {
    %c0_i32 = arith.constant 0 : i32
    %c0_i32_0 = arith.constant 0 : i32
    return %arg0, %c0_i32 : i32, i32
  }
  func.func @transform_3(%arg0: i32) -> (i32, i32) {
    %c0_i32 = arith.constant 0 : i32
    %c0_i32_0 = arith.constant 0 : i32
    return %arg0, %c0_i32 : i32, i32
  }
}

module attributes {stable_mosaic.version = 14 : i64} {
  func.func @_mid_body(%arg0: i32, %arg1: memref<1280x128xf32, #tpu.memory_space<vmem>>, %arg2: memref<1280x128xf32, #tpu.memory_space<vmem>>, %arg3: memref<1280x128xf32, #tpu.memory_space<vmem>>, %arg4: memref<1280x1xf32, #tpu.memory_space<vmem>>, %arg5: memref<1280x1xf32, #tpu.memory_space<vmem>>, %arg6: memref<1x128xf32, #tpu.memory_space<vmem>>, %arg7: memref<128x128xf32, #tpu.memory_space<vmem>>, %arg8: memref<1280x128xf32, #tpu.memory_space<vmem>>) attributes {dimension_semantics = [#tpu.dimension_semantics<arbitrary>], iteration_bounds = array<i64: 8>, scalar_prefetch = 0 : i64, scratch_operands = 0 : i64, tpu.core_type = #tpu.core_type<tc>, window_params = [{transform_indices = @transform_0, window_bounds = array<i64: 1280, 128>}, {transform_indices = @transform_1, window_bounds = array<i64: 1280, 128>}, {transform_indices = @transform_2, window_bounds = array<i64: 1280, 128>}, {transform_indices = @transform_3, window_bounds = array<i64: 1280, 1>}, {transform_indices = @transform_4, window_bounds = array<i64: 1280, 1>}, {pipeline_mode = #tpu.pipeline_mode<synchronous>, transform_indices = @transform_5, window_bounds = array<i64: 1, 128>}, {pipeline_mode = #tpu.pipeline_mode<synchronous>, transform_indices = @transform_6, window_bounds = array<i64: 128, 128>}, {transform_indices = @transform_7, window_bounds = array<i64: 1280, 128>}]} {
    %get3A = arith.constant 0 : index
    %get3A_0 = arith.constant 0 : index
    %get3A_1 = vector.load %arg4[%get3A, %get3A_0] : memref<1280x1xf32, #tpu.memory_space<vmem>>, vector<1280x1xf32>
    %get3A_2 = arith.constant 0 : index
    %get3A_3 = arith.constant 0 : index
    %get3A_4 = vector.load %arg5[%get3A_2, %get3A_3] : memref<1280x1xf32, #tpu.memory_space<vmem>>, vector<1280x1xf32>
    %add3A = arith.addf %get3A_1, %get3A_4 : vector<1280x1xf32>
    %add3A_5 = arith.constant 1.000000e+00 : f32
    %add3A_6 = vector.broadcast %add3A_5 : f32 to vector<1280x1xf32>
    %add3A_7 = arith.addf %add3A, %add3A_6 : vector<1280x1xf32>
    %rsqrt3A = math.rsqrt %add3A_7 : vector<1280x1xf32>
    %get3A_8 = arith.constant 0 : index
    %get3A_9 = arith.constant 0 : index
    %get3A_10 = vector.load %arg1[%get3A_8, %get3A_9] : memref<1280x128xf32, #tpu.memory_space<vmem>>, vector<1280x128xf32>
    %get3A_11 = arith.constant 0 : index
    %get3A_12 = arith.constant 0 : index
    %get3A_13 = vector.load %arg2[%get3A_11, %get3A_12] : memref<1280x128xf32, #tpu.memory_space<vmem>>, vector<1280x128xf32>
    %add3A_14 = arith.addf %get3A_10, %get3A_13 : vector<1280x128xf32>
    %get3A_15 = arith.constant 0 : index
    %get3A_16 = arith.constant 0 : index
    %get3A_17 = vector.load %arg3[%get3A_15, %get3A_16] : memref<1280x128xf32, #tpu.memory_space<vmem>>, vector<1280x128xf32>
    %add3A_18 = arith.addf %add3A_14, %get3A_17 : vector<1280x128xf32>
    %mul3A = vector.broadcast %rsqrt3A : vector<1280x1xf32> to vector<1280x128xf32>
    %mul3A_19 = arith.mulf %mul3A, %add3A_18 : vector<1280x128xf32>
    %get3A_20 = arith.constant 0 : index
    %get3A_21 = arith.constant 0 : index
    %get3A_22 = vector.load %arg6[%get3A_20, %get3A_21] : memref<1x128xf32, #tpu.memory_space<vmem>>, vector<1x128xf32>
    %add3A_23 = vector.broadcast %get3A_22 : vector<1x128xf32> to vector<1280x128xf32>
    %add3A_24 = arith.addf %mul3A_19, %add3A_23 : vector<1280x128xf32>
    %max3A = arith.constant 0.000000e+00 : f32
    %max3A_25 = vector.broadcast %max3A : f32 to vector<1280x128xf32>
    %max3A_26 = arith.maximumf %add3A_24, %max3A_25 : vector<1280x128xf32>
    %get3A_27 = arith.constant 0 : index
    %get3A_28 = arith.constant 0 : index
    %get3A_29 = vector.load %arg7[%get3A_27, %get3A_28] : memref<128x128xf32, #tpu.memory_space<vmem>>, vector<128x128xf32>
    %dot_general3A = arith.constant dense<0.000000e+00> : vector<1280x128xf32>
    %dot_general3A_30 = tpu.matmul %max3A_26, %get3A_29, %dot_general3A {dimension_numbers = #tpu.dot_dimension_numbers<[1], [0], [0], [1], [0, 0, 1, 1], [], []>, precision = #tpu.contract_precision<fp32>, transpose_lhs_hint = false} : vector<1280x128xf32>, vector<128x128xf32>, vector<1280x128xf32> -> vector<1280x128xf32>
    %mul3A_31 = vector.broadcast %rsqrt3A : vector<1280x1xf32> to vector<1280x128xf32>
    %mul3A_32 = arith.mulf %mul3A_31, %dot_general3A_30 : vector<1280x128xf32>
    %swap3A = arith.constant 0 : index
    %swap3A_33 = arith.constant 0 : index
    %swap3A_34 = vector.load %arg8[%swap3A, %swap3A_33] : memref<1280x128xf32, #tpu.memory_space<vmem>>, vector<1280x128xf32>
    tpu.vector_store %arg8[%swap3A, %swap3A_33], %mul3A_32 {strides = array<i32>} : memref<1280x128xf32, #tpu.memory_space<vmem>>, vector<1280x128xf32>,
    return
  }
  func.func @transform_0(%arg0: i32) -> (i32, i32) {
    %c0_i32 = arith.constant 0 : i32
    %c0_i32_0 = arith.constant 0 : i32
    return %arg0, %c0_i32 : i32, i32
  }
  func.func @transform_1(%arg0: i32) -> (i32, i32) {
    %c0_i32 = arith.constant 0 : i32
    %c0_i32_0 = arith.constant 0 : i32
    return %arg0, %c0_i32 : i32, i32
  }
  func.func @transform_2(%arg0: i32) -> (i32, i32) {
    %c0_i32 = arith.constant 0 : i32
    %c0_i32_0 = arith.constant 0 : i32
    return %arg0, %c0_i32 : i32, i32
  }
  func.func @transform_3(%arg0: i32) -> (i32, i32) {
    %c0_i32 = arith.constant 0 : i32
    %c0_i32_0 = arith.constant 0 : i32
    return %arg0, %c0_i32 : i32, i32
  }
  func.func @transform_4(%arg0: i32) -> (i32, i32) {
    %c0_i32 = arith.constant 0 : i32
    %c0_i32_0 = arith.constant 0 : i32
    return %arg0, %c0_i32 : i32, i32
  }
  func.func @transform_5(%arg0: i32) -> (i32, i32) {
    %c0_i32 = arith.constant 0 : i32
    %c0_i32_0 = arith.constant 0 : i32
    %c0_i32_1 = arith.constant 0 : i32
    return %c0_i32, %c0_i32_0 : i32, i32
  }
  func.func @transform_6(%arg0: i32) -> (i32, i32) {
    %c0_i32 = arith.constant 0 : i32
    %c0_i32_0 = arith.constant 0 : i32
    %c0_i32_1 = arith.constant 0 : i32
    return %c0_i32, %c0_i32_0 : i32, i32
  }
  func.func @transform_7(%arg0: i32) -> (i32, i32) {
    %c0_i32 = arith.constant 0 : i32
    %c0_i32_0 = arith.constant 0 : i32
    return %arg0, %c0_i32 : i32, i32
  }
}

module attributes {stable_mosaic.version = 14 : i64} {
  func.func @_out_body(%arg0: i32, %arg1: memref<1280x128xf32, #tpu.memory_space<vmem>>, %arg2: memref<1280x128xf32, #tpu.memory_space<vmem>>, %arg3: memref<1280x128xf32, #tpu.memory_space<vmem>>, %arg4: memref<1280x1xf32, #tpu.memory_space<vmem>>, %arg5: memref<1280x1xf32, #tpu.memory_space<vmem>>, %arg6: memref<1x128xf32, #tpu.memory_space<vmem>>, %arg7: memref<1280x128xf32, #tpu.memory_space<vmem>>) attributes {dimension_semantics = [#tpu.dimension_semantics<arbitrary>], iteration_bounds = array<i64: 8>, scalar_prefetch = 0 : i64, scratch_operands = 0 : i64, tpu.core_type = #tpu.core_type<tc>, window_params = [{transform_indices = @transform_0, window_bounds = array<i64: 1280, 128>}, {transform_indices = @transform_1, window_bounds = array<i64: 1280, 128>}, {transform_indices = @transform_2, window_bounds = array<i64: 1280, 128>}, {transform_indices = @transform_3, window_bounds = array<i64: 1280, 1>}, {transform_indices = @transform_4, window_bounds = array<i64: 1280, 1>}, {pipeline_mode = #tpu.pipeline_mode<synchronous>, transform_indices = @transform_5, window_bounds = array<i64: 1, 128>}, {transform_indices = @transform_6, window_bounds = array<i64: 1280, 128>}]} {
    %get3A = arith.constant 0 : index
    %get3A_0 = arith.constant 0 : index
    %get3A_1 = vector.load %arg4[%get3A, %get3A_0] : memref<1280x1xf32, #tpu.memory_space<vmem>>, vector<1280x1xf32>
    %get3A_2 = arith.constant 0 : index
    %get3A_3 = arith.constant 0 : index
    %get3A_4 = vector.load %arg5[%get3A_2, %get3A_3] : memref<1280x1xf32, #tpu.memory_space<vmem>>, vector<1280x1xf32>
    %add3A = arith.addf %get3A_1, %get3A_4 : vector<1280x1xf32>
    %add3A_5 = arith.constant 1.000000e+00 : f32
    %add3A_6 = vector.broadcast %add3A_5 : f32 to vector<1280x1xf32>
    %add3A_7 = arith.addf %add3A, %add3A_6 : vector<1280x1xf32>
    %rsqrt3A = math.rsqrt %add3A_7 : vector<1280x1xf32>
    %get3A_8 = arith.constant 0 : index
    %get3A_9 = arith.constant 0 : index
    %get3A_10 = vector.load %arg1[%get3A_8, %get3A_9] : memref<1280x128xf32, #tpu.memory_space<vmem>>, vector<1280x128xf32>
    %get3A_11 = arith.constant 0 : index
    %get3A_12 = arith.constant 0 : index
    %get3A_13 = vector.load %arg2[%get3A_11, %get3A_12] : memref<1280x128xf32, #tpu.memory_space<vmem>>, vector<1280x128xf32>
    %add3A_14 = arith.addf %get3A_10, %get3A_13 : vector<1280x128xf32>
    %get3A_15 = arith.constant 0 : index
    %get3A_16 = arith.constant 0 : index
    %get3A_17 = vector.load %arg3[%get3A_15, %get3A_16] : memref<1280x128xf32, #tpu.memory_space<vmem>>, vector<1280x128xf32>
    %add3A_18 = arith.addf %add3A_14, %get3A_17 : vector<1280x128xf32>
    %mul3A = vector.broadcast %rsqrt3A : vector<1280x1xf32> to vector<1280x128xf32>
    %mul3A_19 = arith.mulf %mul3A, %add3A_18 : vector<1280x128xf32>
    %get3A_20 = arith.constant 0 : index
    %get3A_21 = arith.constant 0 : index
    %get3A_22 = vector.load %arg6[%get3A_20, %get3A_21] : memref<1x128xf32, #tpu.memory_space<vmem>>, vector<1x128xf32>
    %add3A_23 = vector.broadcast %get3A_22 : vector<1x128xf32> to vector<1280x128xf32>
    %add3A_24 = arith.addf %mul3A_19, %add3A_23 : vector<1280x128xf32>
    %swap3A = arith.constant 0 : index
    %swap3A_25 = arith.constant 0 : index
    %swap3A_26 = vector.load %arg7[%swap3A, %swap3A_25] : memref<1280x128xf32, #tpu.memory_space<vmem>>, vector<1280x128xf32>
    tpu.vector_store %arg7[%swap3A, %swap3A_25], %add3A_24 {strides = array<i32>} : memref<1280x128xf32, #tpu.memory_space<vmem>>, vector<1280x128xf32>,
    return
  }
  func.func @transform_0(%arg0: i32) -> (i32, i32) {
    %c0_i32 = arith.constant 0 : i32
    %c0_i32_0 = arith.constant 0 : i32
    return %arg0, %c0_i32 : i32, i32
  }
  func.func @transform_1(%arg0: i32) -> (i32, i32) {
    %c0_i32 = arith.constant 0 : i32
    %c0_i32_0 = arith.constant 0 : i32
    return %arg0, %c0_i32 : i32, i32
  }
  func.func @transform_2(%arg0: i32) -> (i32, i32) {
    %c0_i32 = arith.constant 0 : i32
    %c0_i32_0 = arith.constant 0 : i32
    return %arg0, %c0_i32 : i32, i32
  }
  func.func @transform_3(%arg0: i32) -> (i32, i32) {
    %c0_i32 = arith.constant 0 : i32
    %c0_i32_0 = arith.constant 0 : i32
    return %arg0, %c0_i32 : i32, i32
  }
  func.func @transform_4(%arg0: i32) -> (i32, i32) {
    %c0_i32 = arith.constant 0 : i32
    %c0_i32_0 = arith.constant 0 : i32
    return %arg0, %c0_i32 : i32, i32
  }
  func.func @transform_5(%arg0: i32) -> (i32, i32) {
    %c0_i32 = arith.constant 0 : i32
    %c0_i32_0 = arith.constant 0 : i32
    %c0_i32_1 = arith.constant 0 : i32
    return %c0_i32, %c0_i32_0 : i32, i32
  }
  func.func @transform_6(%arg0: i32) -> (i32, i32) {
    %c0_i32 = arith.constant 0 : i32
    %c0_i32_0 = arith.constant 0 : i32
    return %arg0, %c0_i32 : i32, i32
  }
}

</mosaic_0001>

<sc_bundles>
// kernel: kernel.12.cloned.1.call-start
scs
__scs_entry_jumppad:
0x0: {  	(pc) =	sbr.rel $0x88, $3  }
0x1: {  	(tag) =	ssettag $0x0;
	lr =	simm.s32 $0x1  }
0x2: {  	[smem:$0x3F9B] =	sst lr;
	_ =	strace $0xD0000000  }
0x3: {  	_ = 	snop  }
0x4: {  	_ = 	snop  }
0x5: {  	_ = 	snop  }
0x6: {  	_ = 	snop  }
0x7: {  	_ = 	snop  }
__scs_overlays_trampoline_lowered:
0x8: {  	[smem:$0x3FAA] =	sst s0  }
0x9: {  	[smem:$0x3FAB] =	sst s1  }
0xa: {  	[smem:$0x3FAC] =	sst s2  }
0xb: {  	[smem:$0x3FAD] =	sst s3  }
0xc: {  	[smem:$0x3FAE] =	sst s4  }
0xd: {  	[smem:$0x3FAF] =	sst s5  }
0xe: {  	[smem:$0x3FB0] =	sst s6  }
0xf: {  	[smem:$0x3FB1] =	sst s7  }
0x10: {  	[smem:$0x3FB2] =	sst s8  }
0x11: {  	[smem:$0x3FB3] =	sst s9;
	s0 =	simm.s32 @!p0 $0x0  }
0x12: {  	s1 =	sld [smem:$0x3F99];
	s0 =	simm.s32 @p0 $0x1  }
0x13: {  	[smem:$0x3FB4] =	sst s0;
	s0 =	simm.s32 @!p1 $0x0  }
0x14: {  	s2 =	sld [smem:$0x3F98];
	s0 =	simm.s32 @p1 $0x1  }
0x15: {  	[smem:$0x3FB5] =	sst s0;
	s0 =	simm.s32 @!p2 $0x0  }
0x16: {  	s3 =	sld [smem:$0x3FDB];
	s0 =	simm.s32 @p2 $0x1  }
0x17: {  	s4 =	simm.s32 $0x1BF5;
	[smem:$0x3FB7] =	sst s0  }
0x18: {  	s0 =	sld [smem:$0x3F9A];
	_ =	swait.ge [sflag:s4], $0x0  }
0x19: {  	s7 =	sld [smem:$0x3F9B]  }
0x1a: {  	s8 =	sadd.s32 $0xFFFFE003, lr  }
0x1b: {  	s9 =	sadd.s32 $0xFFFFFEF7, lr;
	s5 =	simm.s32 $0xFFFFFFFF;
	p2 =	slt.u32 s8, $0xFFFFF086  }
0x1c: {  	p1 =	slt.u32 s9, $0xF7A;
	s5 =	simm.s32 @!p2 $0x0  }
0x1d: {  	s5 =	simm.s32 @p1 $0x1;
	p0 =	seq.s32 s7, s2  }
0x1e: {  	s7 =	smul.u32 @!p0 $0xF7A, s2;
	p2 =	seq.s32 @!p0 s5, $0x0  }
0x1f: {  	s9 =	smul.u32 $0xF7A, s1;
	s8 =	simm.s32 @!p0 $0x1BF5;
	p2 =	por !p2, p0  }
0x20: {  	[sflag:s8] =	ssyncset.s32 @!p0 $0xFFFFF086;
	s6 =	sadd.s32 @!p0 s3, s7;
	s7 =	simm.s32 @!p0 $0x108  }
0x21: {  	s3 =	sadd.s32 s3, s9;
	s6 =	sadd.s32 @!p0 $0x88, s6;
	s7 =	simm.s32 @p2 $0x1082  }
0x22: {  	[simem:s7], [sflag:s8] =	dma.local @!p0 [hbm:s6], $0xF7A  }
0x23: {  	s9 =	sor.u32 $0xD0000000, s2;
	s6 =	simm.s32 $0x108;
	_ =	swait.ge @!p0 [sflag:s8], $0x0  }
0x24: {  	s3 =	sadd.s32 $0x88, s3;
	s6 =	simm.s32 @!p1 $0x1082;
	[sflag:s4] =	ssyncset.s32 $0xFFFFF086  }
0x25: {  	[simem:s6], [sflag:s4] =	dma.local [hbm:s3], $0xF7A  }
0x26: {  	[smem:$0x3F9B] =	sst s1;
	(tag) =	ssettag s2;
	_ =	strace s9  }
0x27: {  	s1 =	sld [smem:$0x3FAB]  }
0x28: {  	s2 =	sld [smem:$0x3FAC]  }
0x29: {  	s4 =	sld [smem:$0x3FAE]  }
0x2a: {  	p0 =	seq.s32 s5, $0x0;
	s5 =	sld [smem:$0x3FAF]  }
0x2b: {  	s6 =	sld [smem:$0x3FB0]  }
0x2c: {  	s7 =	sld [smem:$0x3FB1]  }
0x2d: {  	s3 =	simm.s32 $0x108;
	s8 =	sld [smem:$0x3FB2]  }
0x2e: {  	s3 =	simm.s32 @!p0 $0x1082;
	s9 =	sld [smem:$0x3FB3]  }
0x2f: {  	lr =	sadd.s32 s0, s3;
	s0 =	sld [smem:$0x3FAA]  }
0x30: {  	s3 =	sld [smem:$0x3FAD]  }
0x31: {  	[smem:$0x3FB6] =	sst s10  }
0x32: {  	s10 =	sld [smem:$0x3FB4];
	_ =	sdelay $0x3  }
0x33: {  	p0 =	seq.s32 s10, $0x1;
	s10 =	sld [smem:$0x3FB6];
	_ =	sdelay $0x3  }
0x34: {  	[smem:$0x3FB6] =	sst s10  }
0x35: {  	s10 =	sld [smem:$0x3FB5];
	_ =	sdelay $0x3  }
0x36: {  	p1 =	seq.s32 s10, $0x1;
	s10 =	sld [smem:$0x3FB6];
	_ =	sdelay $0x3  }
0x37: {  	[smem:$0x3FB6] =	sst s10  }
0x38: {  	s10 =	sld [smem:$0x3FB7]  }
0x39: {  	_ = 	snop;
	(pc) =	sbr.ind lr, $3  }
0x3a: {  	_ = 	snop  }
0x3b: {  	_ = 	snop  }
0x3c: {  	p2 =	seq.s32 s10, $0x1;
	s10 =	sld [smem:$0x3FB6]  }
0x3d: {  	_ =	shalt  }
0x3e: {  	_ =	shalt  }
0x3f: {  	_ =	shalt  }
0x40: {  	_ =	shalt  }
0x41: {  	_ =	shalt  }
0x42: {  	_ =	shalt  }
0x43: {  	_ =	shalt  }
0x44: {  	_ =	shalt  }
0x45: {  	_ =	shalt  }
0x46: {  	_ =	shalt  }
0x47: {  	_ =	shalt  }
0x48: {  	_ =	shalt  }
0x49: {  	_ =	shalt  }
0x4a: {  	_ =	shalt  }
0x4b: {  	_ =	shalt  }
0x4c: {  	_ =	shalt  }
0x4d: {  	_ =	shalt  }
0x4e: {  	_ =	shalt  }
0x4f: {  	_ =	shalt  }
0x50: {  	_ =	shalt  }
0x51: {  	_ =	shalt  }
0x52: {  	_ =	shalt  }
0x53: {  	_ =	shalt  }
0x54: {  	_ =	shalt  }
0x55: {  	_ =	shalt  }
0x56: {  	_ =	shalt  }
0x57: {  	_ =	shalt  }
0x58: {  	_ =	shalt  }
0x59: {  	_ =	shalt  }
0x5a: {  	_ =	shalt  }
0x5b: {  	_ =	shalt  }
0x5c: {  	_ =	shalt  }
0x5d: {  	_ =	shalt  }
0x5e: {  	_ =	shalt  }
0x5f: {  	_ =	shalt  }
0x60: {  	_ =	shalt  }
0x61: {  	_ =	shalt  }
0x62: {  	_ =	shalt  }
0x63: {  	_ =	shalt  }
0x64: {  	_ =	shalt  }
0x65: {  	_ =	shalt  }
0x66: {  	_ =	shalt  }
0x67: {  	_ =	shalt  }
0x68: {  	_ =	shalt  }
0x69: {  	_ =	shalt  }
0x6a: {  	_ =	shalt  }
0x6b: {  	_ =	shalt  }
0x6c: {  	_ =	shalt  }
0x6d: {  	_ =	shalt  }
0x6e: {  	_ =	shalt  }
0x6f: {  	_ =	shalt  }
0x70: {  	_ =	shalt  }
0x71: {  	_ =	shalt  }
0x72: {  	_ =	shalt  }
0x73: {  	_ =	shalt  }
0x74: {  	_ =	shalt  }
0x75: {  	_ =	shalt  }
0x76: {  	_ =	shalt  }
0x77: {  	_ =	shalt  }
0x78: {  	_ =	shalt  }
0x79: {  	_ =	shalt  }
0x7a: {  	_ =	shalt  }
0x7b: {  	_ =	shalt  }
0x7c: {  	_ =	shalt  }
0x7d: {  	_ =	shalt  }
0x7e: {  	_ =	shalt  }
0x7f: {  	_ =	shalt  }
0x80: {  	_ =	shalt  }
0x81: {  	_ =	shalt  }
0x82: {  	_ =	shalt  }
0x83: {  	_ =	shalt  }
0x84: {  	_ =	shalt  }
0x85: {  	_ =	shalt  }
0x86: {  	_ =	shalt  }
0x87: {  	_ =	shalt  }
.Lfunc_end0:
.L_simem_size_0:
called_computation.1_lowered:
.L_overlay_start_0:
0x88: {  	s2 =	sld [smem:$0x3FD9]  }
0x89: {  	s3 =	sld [smem:$0x3FFE];
	_ =	sdelay $0x1  }
0x8a: {  	s1 =	srdreg.scid  }
0x8b: {  	s0 =	sand.u32 $0x1, s1  }
0x8c: {  	s17 =	sshll.u32 s0, $0xA;
	s2 =	sadd.s32 s3, s2  }
0x8d: {  	s2 =	sadd.s32 s2, s17  }
0x8e: {  	[smem:$0x3FC2] =	sst s2  }
0x8f: {  	_ = 	snop  }
0x90: {  	s2 =	sld [smem:$0x3FD0];
	(tm) =	ssettm $0x1  }
0x91: {  	s18 =	sld [smem:$0x3FFB];
	_ =	sdelay $0x3  }
0x92: {  	_ =	strace s18  }
0x93: {  	s3 =	sld [smem:$0x3FFC];
	_ =	sdelay $0x3  }
0x94: {  	_ =	strace s3  }
0x95: {  	s3 =	sld [smem:$0x3FFD];
	_ =	sdelay $0x3  }
0x96: {  	_ =	strace s3  }
0x97: {  	_ =	strace $0x8FFFFFFF  }
0x98: {  	s19 =	sld [smem:$0x3FDB];
	_ =	sdelay $0x1  }
0x99: {  	s4 =	simm.s32 $_scs_section_size  }
0x9a: {  	s5 =	simm.s32 $_size__tile_overlayer_lowered;
	s6 =	simm.s32 $_tile_overlayer_lowered  }
0x9b: {  	s22 =	simm.s32 $0x1BFF;
	s21 =	sshll.u32 s6, $0x1;
	s3 =	sadd.s32 s4, s19  }
0x9c: {  	s7 =	simm.s32 $0x0;
	s20 =	sshll.u32 s5, $0x1;
	s5 =	sadd.s32 s21, s3  }
0x9d: {  	[timem:s7], [sflag:s22] =	dma.local [hbm:s5], s20  }
0x9e: {  	_ =	swait.ge [sflag:s22], s20  }
0x9f: {  	s4 =	ssub.s32 $0x0, s20;
	[sflag:s22] =	ssyncset.done $0x0  }
0xa0: {  	[sflag:s22] =	ssyncadd.s32 s4;
	_ =	sdelay $0x1  }
0xa1: {  	s23 =	simm.s32 $0x1B8B  }
0xa2: {  	_ =	swait.ge [sflag:s23], $0x1  }
0xa3: {  	[sflag:s23] =	ssyncset.done $0x0  }
0xa4: {  	s25 =	simm.s32 $0x1B8E;
	s24 =	sld [smem:$0x3FFE];
	[sflag:s23] =	ssyncadd.s32 $0xFFFFFFFF  }
0xa5: {  	s26 =	simm.s32 $execute0_lowered;
	[smem:$0x3FD2] =	sst s25  }
0xa6: {  	s5 =	sshll.u32 s26, $0x1;
	_ =	strace $0x80000049;
	[dreg:$0x1] =	wrdreg $0xFFFFFFFF  }
0xa7: {  	s28 =	simm.s32 $_size_execute0_lowered;
	s3 =	sadd.s32 s3, s5;
	[dreg:$0x0] =	wrdreg $0x0  }
0xa8: {  	s5 =	sshll.u32 s28, $0x1;
	[dreg:$0x2] =	wrdreg s3  }
0xa9: {  	[dreg:$0x3] =	wrdreg s5  }
0xaa: {  	[dreg:$0x4] =	wrdreg $0xC0  }
0xab: {  	_ =	task [dreg:s7], $0x5FFFF  }
0xac: {  	[dreg:$0x1] =	wrdreg $0xFFFFFFFF  }
0xad: {  	[dreg:$0x0] =	wrdreg $0x60  }
0xae: {  	[dreg:$0x2] =	wrdreg s24  }
0xaf: {  	[dreg:$0x3] =	wrdreg s2  }
0xb0: {  	[dreg:$0x4] =	wrdreg $0x82000  }
0xb1: {  	[dreg:$0x5] =	wrdreg $0x9  }
0xb2: {  	_ =	task.clear_ibuf [dreg:s7], $0x6FFFF;
	_ =	strace $0x90000049  }
0xb3: {  	s29 =	simm.s32 $0x9;
	_ =	strace $0x8000004B  }
0xb4: {  	_ =	swait.ge [sflag:s29], $0x1  }
0xb5: {  	[sflag:s29] =	ssyncadd.s32 $0xFFFFFFFF  }
0xb6: {  	_ =	strace $0x9000004B  }
0xb7: {  	_ =	sfence  }
0xb8: {  	s30 =	sld [smem:$0x0];
	_ =	sdelay $0x2  }
0xb9: {  	s31 =	sshll.u32 s1, $0xD;
	s1 =	sshrl.u32 s1, $0x2  }
0xba: {  	s3 =	sand.u32 $0x4000, s31;
	s1 =	sadd.s32 s1, s30  }
0xbb: {  	s0 =	sor.u32 s3, s0;
	s1 =	sshll.u32 s1, $0x11  }
0xbc: {  	s0 =	sor.u32 s1, s0  }
0xbd: {  	s0 =	sadd.s32 $0x8F2B, s0  }
0xbe: {  	[sflag:s0] =	ssyncadd.remote.s32 $0x1  }
0xbf: {  	_ =	sfence.sel $0xFFFF  }
0xc0: {  	[dreg:$0x0] =	wrdreg $0xFFFFFFFF;
	(pc) =	sbr.abs _section_cstart, $3  }
0xc1: {  	[dreg:$0x1] =	wrdreg $0xFFFFFFFF  }
0xc2: {  	_ =	task.clear_ibuf [dreg:s7], $0x2FFFF;
	_ =	strace $0x9FFFFFFF  }
0xc3: {  	(tm) =	ssettm $0x7FFFFFFF  }
tec
execute0_lowered:
.L_overlay_start_1:
0x0: {  	(tag) =	ssettag $0x1  }
0x1: {  	s0 =	rddreg [dreg:$0x0]  }
0x2: {  	s1 =	rddreg [dreg:$0x1]  }
0x3: {  	s2 =	rddreg [dreg:$0x2]  }
0x4: {  	s4 =	srdreg.scid;
	s12 =	stileid.u32;
	s3 =	simm.s32 $0x0  }
0x5: {  	s28 =	simm.s32 $0x2;
	s29 =	simm.s32 $0x4200;
	s30 =	simm.s32 $0x0  }
0x6: {  	s6 =	sand.u32 $0x1, s4;
	s5 =	smul.u32 $0x2800, s12;
	[smem:$0x7FF] =	sst s3  }
0x7: {  	s4 =	sadd.s32 $0x5D600, s0;
	s20 =	sadd.s32 $0x3600, s0;
	s9 =	smul.u32 $0x4C00, s12  }
0x8: {  	s16 =	sadd.s32 $0x85600, s0;
	s10 =	sshll.u32 s12, $0xA;
	s11 =	smul.u32 $0x50000, s12  }
0x9: {  	s19 =	sshll.u32 s12, $0x6;
	s7 =	smul.u32 $0x28000, s6;
	_ =	strace $0x8000004A  }
0xa: {  	[dreg:$0x8] =	wrdreg s16;
	s17 =	ssub.s32 $0x2, s6;
	p0 =	seq.s32 s6, $0x0  }
0xb: {  	s6 =	simm.s32 $0x98;
	s10 =	sor.u32 $0x4C000, s10;
	s8 =	sshrl.u32 s17, $0x1  }
0xc: {  	s6 =	simm.s32 @!p0 $0x8;
	s10 =	smov.u32 @p0 s9;
	s18 =	sshrl.u32 s11, $0x2  }
0xd: {  	s7 =	sadd.s32 s5, s7;
	s15 =	ssub.s32 s17, s8;
	s21 =	sadd.s32 s18, s2  }
0xe: {  	s8 =	sor.u32 $0x1C05, s19;
	s19 =	sshrl.u32 s10, $0x3;
	s13 =	sadd.s32 $0xFFFFFFFF, s6  }
0xf: {  	s25 =	sshll.u32 s6, $0x4;
	s0 =	sadd.s32 s7, s0;
	[dreg:$0x9] =	wrdreg s21  }
0x10: {  	s22 =	sadd.s32 s20, s19;
	s23 =	sadd.s32 s1, s19;
	s24 =	sor.u32 $0x10, s19  }
0x11: {  	s17 =	sor.u32 $0x50, s19;
	s15 =	smax.u32 s15, $0x1;
	s26 =	sor.u32 $0x40, s19  }
0x12: {  	s21 =	sor.u32 $0x20, s19;
	s31 =	sor.u32 $0x30, s19;
	[dreg:$0xa] =	wrdreg s22  }
0x13: {  	[dreg:$0xb] =	wrdreg s23;
	s11 =	sadd.s32 s20, s24;
	s12 =	sadd.s32 s1, s24  }
0x14: {  	s14 =	sadd.s32 $0x87E00, s0;
	s0 =	sadd.s32 $0xFFFFFFE0, s25;
	s16 =	sadd.s32 s17, s1  }
0x15: {  	s17 =	sadd.s32 s17, s20;
	s18 =	sadd.s32 s26, s1;
	s22 =	sadd.s32 s21, s1  }
0x16: {  	s21 =	sadd.s32 s21, s20;
	s1 =	sadd.s32 s31, s1;
	s23 =	simm.s32 $0x80  }
0x17: {  	s24 =	simm.s32 $0x200;
	s25 =	simm.s32 $0x180;
	[dreg:$0x4] =	wrdreg s0  }
0x18: {  	s16 =	sadd.s32 $0xFFFFFFE0, s16;
	s17 =	sadd.s32 $0xFFFFFFE0, s17;
	[dreg:$0x5] =	wrdreg s22  }
0x19: {  	s18 =	sadd.s32 $0xFFFFFFE0, s18;
	s0 =	sadd.s32 s26, s20;
	[dreg:$0x6] =	wrdreg s21  }
0x1a: {  	[dreg:$0x7] =	wrdreg s1;
	s20 =	sadd.s32 s31, s20;
	s21 =	simm.s32 $0x5  }
0x1b: {  	s22 =	simm.s32 $0x100;
	s26 =	simm.s32 $0x1;
	s19 =	sadd.s32 $0xFFFFFFE0, s0  }
.LBB2_1:
0x1c: {  	s0 =	rddreg [dreg:$0x9]  }
0x1d: {  	s7 =	rddreg [dreg:$0x8];
	s31 =	sshrl.u32 s0, $0x3  }
0x1e: {  	[spmem:s31], [sflag:s8] =	dma.local [hbm:s7], $0x2800  }
0x1f: {  	_ =	swait.ge [sflag:s21], $0x2800  }
0x20: {  	[sflag:s21] =	ssyncset.done $0x0  }
0x21: {  	[sflag:s21] =	ssyncadd.s32 $0xFFFFD800  }
0x22: {  	[bflag:$0x0] =	sbarrier.arrive $0xFFFF  }
0x23: {  	s9 =	rddreg [dreg:$0xa]  }
0x24: {  	[tilespmem:s3], [sflag:$0x5] =	stream.linear.gather [hbm4b:s9+s3], $0x80, $0x38;
	[tilespmem:$0x1C200] =	vst v63  }
0x25: {  	_ =	swait.ge [sflag:s21], $0x80  }
0x26: {  	[sflag:s21] =	ssyncset.done $0x0  }
0x27: {  	s10 =	rddreg [dreg:$0xb];
	[sflag:s21] =	ssyncadd.s32 $0xFFFFFF80  }
0x28: {  	[tilespmem:s22], [sflag:$0x5] =	stream.linear.gather [hbm4b:s10+s3], $0x80, $0x38;
	[tilespmem:$0x1C200] =	vst v63  }
0x29: {  	_ =	swait.ge [sflag:s21], $0x80  }
0x2a: {  	[sflag:s21] =	ssyncset.done $0x0  }
0x2b: {  	[sflag:s21] =	ssyncadd.s32 $0xFFFFFF80  }
0x2c: {  	[tilespmem:s24], [sflag:$0x1] =	stream.indirect.gather [hbm4b:s4+s23], $0x80, s3, s23, $0xb8;
	[tilespmem:$0x1C200] =	vst v63  }
0x2d: {  	_ = 	snop  }
0x2e: {  	[tilespmem:s23], [sflag:$0x4] =	stream.linear.gather [hbm4b:s11+s3], $0x80, $0x38;
	[tilespmem:$0x1C200] =	vst v63  }
0x2f: {  	s1 =	simm.s32 $0x3;
	s0 =	simm.s32 $0x0  }
0x30: {  	[tilespmem:s25], [sflag:$0x4] =	stream.linear.gather [hbm4b:s12+s3], $0x80, $0x38;
	[tilespmem:$0x1C200] =	vst v63  }
.LBB2_2:
0x31: {  	s5 =	sadd.s32 $0xFFFFFFFD, s1  }
0x32: {  	p0 =	sge.u32 s5, s13  }
0x33: {  	s5 =	simm.s32 @!p0 $0x4  }
0x34: {  	_ =	swait.ge @!p0 [sflag:s5], $0x80  }
0x35: {  	[sflag:s5] =	ssyncset.done @!p0 $0x0  }
0x36: {  	[sflag:s5] =	ssyncadd.s32 @!p0 $0xFFFFFF80  }
0x37: {  	_ =	swait.ge @!p0 [sflag:s5], $0x80  }
0x38: {  	[sflag:s5] =	ssyncset.done @!p0 $0x0  }
0x39: {  	s7 =	simm.s32 @!p0 $0x4200;
	[sflag:s5] =	ssyncadd.s32 @!p0 $0xFFFFFF80;
	s5 =	simm.s32 @!p0 $0x80  }
0x3a: {  	[tilespmem:s7], [sflag:$0x2] =	stream.indirect.gather @!p0 [hbm4b:s4+s5], $0x80, s5, s5, $0xb8;
	[tilespmem:$0x1C200] =	vst v63  }
0x3b: {  	_ =	swait.ge [sflag:s26], $0x4000  }
0x3c: {  	[sflag:s26] =	ssyncset.done $0x0  }
0x3d: {  	s10 =	sadd.s32 $0xFFFFFFFF, s1;
	[sflag:s26] =	ssyncadd.s32 $0xFFFFC000  }
0x3e: {  	[spmem:s2] =	stream.indirect.scatter.add.f32 [tilespmem:s24], [sflag:$0x5], $0x80, s22, s23, $0xb8;
	[tilespmem:$0x1C200] =	vst v63  }
0x3f: {  	p0 =	sge.u32 s10, s6;
	_ =	swait.ge [sflag:s21], $0x4000  }
0x40: {  	s9 =	simm.s32 @!p0 $0x0;
	s5 =	rddreg [dreg:$0x6];
	[sflag:s21] =	ssyncset.done $0x0  }
0x41: {  	s7 =	rddreg [dreg:$0x5];
	[sflag:s21] =	ssyncadd.s32 $0xFFFFC000;
	s5 =	sadd.s32 @!p0 s0, s5  }
0x42: {  	[tilespmem:s9], [sflag:$0x3] =	stream.linear.gather @!p0 [hbm4b:s5+s9], $0x80, $0x38;
	[tilespmem:$0x1C200] =	vst v63  }
0x43: {  	s5 =	sadd.s32 @!p0 s0, s7;
	s7 =	simm.s32 @!p0 $0x100  }
0x44: {  	[tilespmem:s7], [sflag:$0x3] =	stream.linear.gather @!p0 [hbm4b:s5+s9], $0x80, $0x38;
	[tilespmem:$0x1C200] =	vst v63  }
0x45: {  	s5 =	simm.s32 @!p0 $0x3  }
0x46: {  	_ =	swait.ge @!p0 [sflag:s5], $0x80  }
0x47: {  	[sflag:s5] =	ssyncset.done @!p0 $0x0  }
0x48: {  	[sflag:s5] =	ssyncadd.s32 @!p0 $0xFFFFFF80  }
0x49: {  	_ =	swait.ge @!p0 [sflag:s5], $0x80  }
0x4a: {  	[sflag:s5] =	ssyncset.done @!p0 $0x0  }
0x4b: {  	s7 =	simm.s32 @!p0 $0x200;
	[sflag:s5] =	ssyncadd.s32 @!p0 $0xFFFFFF80;
	s5 =	simm.s32 @!p0 $0x80  }
0x4c: {  	[tilespmem:s7], [sflag:$0x1] =	stream.indirect.gather @!p0 [hbm4b:s4+s5], $0x80, s9, s5, $0xb8;
	[tilespmem:$0x1C200] =	vst v63  }
0x4d: {  	_ =	swait.ge [sflag:s28], $0x4000  }
0x4e: {  	[sflag:s28] =	ssyncset.done $0x0  }
0x4f: {  	p0 =	sge.u32 s1, s6;
	[sflag:s28] =	ssyncadd.s32 $0xFFFFC000  }
0x50: {  	[spmem:s2] =	stream.indirect.scatter.add.f32 [tilespmem:s29], [sflag:$0x5], $0x80, s25, s23, $0xb8;
	[tilespmem:$0x1C200] =	vst v63  }
0x51: {  	s7 =	sadd.s32 @!p0 s0, s20;
	_ =	swait.ge [sflag:s21], $0x4000  }
0x52: {  	s9 =	simm.s32 @!p0 $0x0;
	[sflag:s21] =	ssyncset.done $0x0;
	s5 =	rddreg [dreg:$0x7]  }
0x53: {  	s10 =	simm.s32 @!p0 $0x80;
	[sflag:s21] =	ssyncadd.s32 $0xFFFFC000;
	s5 =	sadd.s32 @!p0 s0, s5  }
0x54: {  	[tilespmem:s10], [sflag:$0x4] =	stream.linear.gather @!p0 [hbm4b:s7+s9], $0x80, $0x38;
	[tilespmem:$0x1C200] =	vst v63  }
0x55: {  	s0 =	sadd.s32 $0x20, s0;
	s7 =	simm.s32 @!p0 $0x180;
	s10 =	rddreg [dreg:$0x4]  }
0x56: {  	[tilespmem:s7], [sflag:$0x4] =	stream.linear.gather @!p0 [hbm4b:s5+s9], $0x80, $0x38;
	[tilespmem:$0x1C200] =	vst v63  }
0x57: {  	p0 =	sne.s32 s10, s0  }
.Ltmp0:
0x58: {  	_ = 	snop;
	(pc) =	sbr.rel @p0 .LBB2_2-.Ltmp0, $2  }
0x59: {  	_ =	sdelay $0x2  }
0x5a: {  	s1 =	sadd.s32 $0x2, s1  }
0x5b: {  	s5 =	sadd.s32 $0xFFFFFFFD, s1  }
0x5c: {  	p0 =	sge.u32 s5, s13  }
0x5d: {  	s5 =	simm.s32 @!p0 $0x4  }
0x5e: {  	_ =	swait.ge @!p0 [sflag:s5], $0x80  }
0x5f: {  	[sflag:s5] =	ssyncset.done @!p0 $0x0  }
0x60: {  	[sflag:s5] =	ssyncadd.s32 @!p0 $0xFFFFFF80  }
0x61: {  	_ =	swait.ge @!p0 [sflag:s5], $0x80  }
0x62: {  	[sflag:s5] =	ssyncset.done @!p0 $0x0  }
0x63: {  	s7 =	simm.s32 @!p0 $0x4200;
	[sflag:s5] =	ssyncadd.s32 @!p0 $0xFFFFFF80;
	s5 =	simm.s32 @!p0 $0x80  }
0x64: {  	[tilespmem:s7], [sflag:$0x2] =	stream.indirect.gather @!p0 [hbm4b:s4+s5], $0x80, s5, s5, $0xb8;
	[tilespmem:$0x1C200] =	vst v63  }
0x65: {  	_ =	swait.ge [sflag:s26], $0x4000  }
0x66: {  	[sflag:s26] =	ssyncset.done $0x0  }
0x67: {  	[sflag:s26] =	ssyncadd.s32 $0xFFFFC000  }
0x68: {  	[spmem:s2] =	stream.indirect.scatter.add.f32 [tilespmem:s24], [sflag:$0x5], $0x80, s22, s23, $0xb8;
	[tilespmem:$0x1C200] =	vst v63  }
0x69: {  	s10 =	sadd.s32 $0xFFFFFFFF, s1;
	_ =	swait.ge [sflag:s21], $0x4000  }
0x6a: {  	p0 =	sge.u32 s10, s6;
	[sflag:s21] =	ssyncset.done $0x0  }
0x6b: {  	s5 =	sadd.s32 @!p0 s0, s19;
	s7 =	simm.s32 @!p0 $0x0;
	[sflag:s21] =	ssyncadd.s32 $0xFFFFC000  }
0x6c: {  	[tilespmem:s7], [sflag:$0x3] =	stream.linear.gather @!p0 [hbm4b:s5+s7], $0x80, $0x38;
	[tilespmem:$0x1C200] =	vst v63  }
0x6d: {  	s9 =	simm.s32 @!p0 $0x100;
	s5 =	sadd.s32 @!p0 s0, s18  }
0x6e: {  	[tilespmem:s9], [sflag:$0x3] =	stream.linear.gather @!p0 [hbm4b:s5+s7], $0x80, $0x38;
	[tilespmem:$0x1C200] =	vst v63  }
0x6f: {  	s5 =	simm.s32 @!p0 $0x3  }
0x70: {  	_ =	swait.ge @!p0 [sflag:s5], $0x80  }
0x71: {  	[sflag:s5] =	ssyncset.done @!p0 $0x0  }
0x72: {  	[sflag:s5] =	ssyncadd.s32 @!p0 $0xFFFFFF80  }
0x73: {  	_ =	swait.ge @!p0 [sflag:s5], $0x80  }
0x74: {  	[sflag:s5] =	ssyncset.done @!p0 $0x0  }
0x75: {  	s9 =	simm.s32 @!p0 $0x200;
	[sflag:s5] =	ssyncadd.s32 @!p0 $0xFFFFFF80;
	s5 =	simm.s32 @!p0 $0x80  }
0x76: {  	[tilespmem:s9], [sflag:$0x1] =	stream.indirect.gather @!p0 [hbm4b:s4+s5], $0x80, s7, s5, $0xb8;
	[tilespmem:$0x1C200] =	vst v63  }
0x77: {  	_ =	swait.ge [sflag:s28], $0x4000  }
0x78: {  	[sflag:s28] =	ssyncset.done $0x0  }
0x79: {  	[sflag:s28] =	ssyncadd.s32 $0xFFFFC000  }
0x7a: {  	[spmem:s2] =	stream.indirect.scatter.add.f32 [tilespmem:s29], [sflag:$0x5], $0x80, s25, s23, $0xb8;
	[tilespmem:$0x1C200] =	vst v63  }
0x7b: {  	p0 =	sge.u32 s1, s6;
	_ =	swait.ge [sflag:s21], $0x4000  }
0x7c: {  	s1 =	sadd.s32 @!p0 s0, s17;
	[sflag:s21] =	ssyncset.done $0x0  }
0x7d: {  	s5 =	simm.s32 @!p0 $0x0;
	s7 =	simm.s32 @!p0 $0x80;
	[sflag:s21] =	ssyncadd.s32 $0xFFFFC000  }
0x7e: {  	[tilespmem:s7], [sflag:$0x4] =	stream.linear.gather @!p0 [hbm4b:s1+s5], $0x80, $0x38;
	[tilespmem:$0x1C200] =	vst v63  }
0x7f: {  	s30 =	sadd.s32 $0x1, s30;
	s0 =	sadd.s32 @!p0 s0, s16;
	s1 =	simm.s32 @!p0 $0x180  }
0x80: {  	[tilespmem:s1], [sflag:$0x4] =	stream.linear.gather @!p0 [hbm4b:s0+s5], $0x80, $0x38;
	[tilespmem:$0x1C200] =	vst v63  }
0x81: {  	p0 =	sne.s32 s30, s15  }
.Ltmp1:
0x82: {  	[bflag:$0x0] =	sbarrier.arrive $0xFFFF;
	(pc) =	sbr.rel @p0 .LBB2_1-.Ltmp1, $4  }
0x83: {  	[hbm:s14], [sflag:s8] =	dma.local [spmem:s31], $0x2800  }
0x84: {  	_ =	swait.ge [sflag:s21], $0x2800  }
0x85: {  	[sflag:s21] =	ssyncset.done $0x0  }
0x86: {  	[sflag:s21] =	ssyncadd.s32 $0xFFFFD800  }
0x87: {  	_ =	sfence.sel $0x180000  }
0x88: {  	[bflag:$0x0] =	sbarrier.arrive $0xFFFF  }
0x89: {  	_ =	strace $0x9000004A  }
0x8a: {  	s0 =	stileid.u32;
	[bflag:$0x2] =	sbarrier.arrive $0xFFFF  }
0x8b: {  	p0 =	sne.s32 s0, $0x0;
	s0 =	rddreg [dreg:$0x3]  }
0x8c: {  	s0 =	sadd.s32 @!p0 $0x100000, s0  }
0x8d: {  	[sflag:s0] =	ssyncadd.tile.s32 @!p0 $0x1;
	_ =	shalt  }
.Lfunc_end2:
_tile_overlayer_lowered:
.L_overlay_start_2:
0x8e: {  	(tag) =	ssettag $0x2  }
0x8f: {  	s0 =	rddreg [dreg:$0x0];
	s2 =	stileid.u32  }
0x90: {  	s1 =	rddreg [dreg:$0x1];
	p0 =	sne.s32 s2, $0x0  }
0x91: {  	s3 =	rddreg [dreg:$0x2];
	[bflag:$0x3] =	sbarrier.arrive $0xFFFF;
	s2 =	simm.s32 @!p0 $0x1C05  }
0x92: {  	[timem:s3], [sflag:s2] =	dma.local @!p0 [hbm:s0], s1  }
0x93: {  	s0 =	simm.s32 @!p0 $0x5  }
0x94: {  	_ =	swait.ge @!p0 [sflag:s0], s1  }
0x95: {  	s1 =	ssub.s32 @!p0 $0x0, s1;
	[sflag:s0] =	ssyncset.done @!p0 $0x0  }
0x96: {  	[sflag:s0] =	ssyncadd.s32 @!p0 s1  }
0x97: {  	[bflag:$0x3] =	sbarrier.arrive $0xFFFF  }
0x98: {  	_ =	shalt  }

// kernel: kernel.15.cloned.1.call-start
scs
__scs_entry_jumppad:
0x0: {  	(pc) =	sbr.rel $0x88, $3  }
0x1: {  	(tag) =	ssettag $0x0;
	lr =	simm.s32 $0x1  }
0x2: {  	[smem:$0x3F9B] =	sst lr;
	_ =	strace $0xD0000000  }
0x3: {  	_ = 	snop  }
0x4: {  	_ = 	snop  }
0x5: {  	_ = 	snop  }
0x6: {  	_ = 	snop  }
0x7: {  	_ = 	snop  }
__scs_overlays_trampoline_lowered:
0x8: {  	[smem:$0x3FAA] =	sst s0  }
0x9: {  	[smem:$0x3FAB] =	sst s1  }
0xa: {  	[smem:$0x3FAC] =	sst s2  }
0xb: {  	[smem:$0x3FAD] =	sst s3  }
0xc: {  	[smem:$0x3FAE] =	sst s4  }
0xd: {  	[smem:$0x3FAF] =	sst s5  }
0xe: {  	[smem:$0x3FB0] =	sst s6  }
0xf: {  	[smem:$0x3FB1] =	sst s7  }
0x10: {  	[smem:$0x3FB2] =	sst s8  }
0x11: {  	[smem:$0x3FB3] =	sst s9;
	s0 =	simm.s32 @!p0 $0x0  }
0x12: {  	s1 =	sld [smem:$0x3F99];
	s0 =	simm.s32 @p0 $0x1  }
0x13: {  	[smem:$0x3FB4] =	sst s0;
	s0 =	simm.s32 @!p1 $0x0  }
0x14: {  	s2 =	sld [smem:$0x3F98];
	s0 =	simm.s32 @p1 $0x1  }
0x15: {  	[smem:$0x3FB5] =	sst s0;
	s0 =	simm.s32 @!p2 $0x0  }
0x16: {  	s3 =	sld [smem:$0x3FDB];
	s0 =	simm.s32 @p2 $0x1  }
0x17: {  	s4 =	simm.s32 $0x1BF5;
	[smem:$0x3FB7] =	sst s0  }
0x18: {  	s0 =	sld [smem:$0x3F9A];
	_ =	swait.ge [sflag:s4], $0x0  }
0x19: {  	s7 =	sld [smem:$0x3F9B]  }
0x1a: {  	s8 =	sadd.s32 $0xFFFFE003, lr  }
0x1b: {  	s9 =	sadd.s32 $0xFFFFFEF7, lr;
	s5 =	simm.s32 $0xFFFFFFFF;
	p2 =	slt.u32 s8, $0xFFFFF086  }
0x1c: {  	p1 =	slt.u32 s9, $0xF7A;
	s5 =	simm.s32 @!p2 $0x0  }
0x1d: {  	s5 =	simm.s32 @p1 $0x1;
	p0 =	seq.s32 s7, s2  }
0x1e: {  	s7 =	smul.u32 @!p0 $0xF7A, s2;
	p2 =	seq.s32 @!p0 s5, $0x0  }
0x1f: {  	s9 =	smul.u32 $0xF7A, s1;
	s8 =	simm.s32 @!p0 $0x1BF5;
	p2 =	por !p2, p0  }
0x20: {  	[sflag:s8] =	ssyncset.s32 @!p0 $0xFFFFF086;
	s6 =	sadd.s32 @!p0 s3, s7;
	s7 =	simm.s32 @!p0 $0x108  }
0x21: {  	s3 =	sadd.s32 s3, s9;
	s6 =	sadd.s32 @!p0 $0x88, s6;
	s7 =	simm.s32 @p2 $0x1082  }
0x22: {  	[simem:s7], [sflag:s8] =	dma.local @!p0 [hbm:s6], $0xF7A  }
0x23: {  	s9 =	sor.u32 $0xD0000000, s2;
	s6 =	simm.s32 $0x108;
	_ =	swait.ge @!p0 [sflag:s8], $0x0  }
0x24: {  	s3 =	sadd.s32 $0x88, s3;
	s6 =	simm.s32 @!p1 $0x1082;
	[sflag:s4] =	ssyncset.s32 $0xFFFFF086  }
0x25: {  	[simem:s6], [sflag:s4] =	dma.local [hbm:s3], $0xF7A  }
0x26: {  	[smem:$0x3F9B] =	sst s1;
	(tag) =	ssettag s2;
	_ =	strace s9  }
0x27: {  	s1 =	sld [smem:$0x3FAB]  }
0x28: {  	s2 =	sld [smem:$0x3FAC]  }
0x29: {  	s4 =	sld [smem:$0x3FAE]  }
0x2a: {  	p0 =	seq.s32 s5, $0x0;
	s5 =	sld [smem:$0x3FAF]  }
0x2b: {  	s6 =	sld [smem:$0x3FB0]  }
0x2c: {  	s7 =	sld [smem:$0x3FB1]  }
0x2d: {  	s3 =	simm.s32 $0x108;
	s8 =	sld [smem:$0x3FB2]  }
0x2e: {  	s3 =	simm.s32 @!p0 $0x1082;
	s9 =	sld [smem:$0x3FB3]  }
0x2f: {  	lr =	sadd.s32 s0, s3;
	s0 =	sld [smem:$0x3FAA]  }
0x30: {  	s3 =	sld [smem:$0x3FAD]  }
0x31: {  	[smem:$0x3FB6] =	sst s10  }
0x32: {  	s10 =	sld [smem:$0x3FB4];
	_ =	sdelay $0x3  }
0x33: {  	p0 =	seq.s32 s10, $0x1;
	s10 =	sld [smem:$0x3FB6];
	_ =	sdelay $0x3  }
0x34: {  	[smem:$0x3FB6] =	sst s10  }
0x35: {  	s10 =	sld [smem:$0x3FB5];
	_ =	sdelay $0x3  }
0x36: {  	p1 =	seq.s32 s10, $0x1;
	s10 =	sld [smem:$0x3FB6];
	_ =	sdelay $0x3  }
0x37: {  	[smem:$0x3FB6] =	sst s10  }
0x38: {  	s10 =	sld [smem:$0x3FB7]  }
0x39: {  	_ = 	snop;
	(pc) =	sbr.ind lr, $3  }
0x3a: {  	_ = 	snop  }
0x3b: {  	_ = 	snop  }
0x3c: {  	p2 =	seq.s32 s10, $0x1;
	s10 =	sld [smem:$0x3FB6]  }
0x3d: {  	_ =	shalt  }
0x3e: {  	_ =	shalt  }
0x3f: {  	_ =	shalt  }
0x40: {  	_ =	shalt  }
0x41: {  	_ =	shalt  }
0x42: {  	_ =	shalt  }
0x43: {  	_ =	shalt  }
0x44: {  	_ =	shalt  }
0x45: {  	_ =	shalt  }
0x46: {  	_ =	shalt  }
0x47: {  	_ =	shalt  }
0x48: {  	_ =	shalt  }
0x49: {  	_ =	shalt  }
0x4a: {  	_ =	shalt  }
0x4b: {  	_ =	shalt  }
0x4c: {  	_ =	shalt  }
0x4d: {  	_ =	shalt  }
0x4e: {  	_ =	shalt  }
0x4f: {  	_ =	shalt  }
0x50: {  	_ =	shalt  }
0x51: {  	_ =	shalt  }
0x52: {  	_ =	shalt  }
0x53: {  	_ =	shalt  }
0x54: {  	_ =	shalt  }
0x55: {  	_ =	shalt  }
0x56: {  	_ =	shalt  }
0x57: {  	_ =	shalt  }
0x58: {  	_ =	shalt  }
0x59: {  	_ =	shalt  }
0x5a: {  	_ =	shalt  }
0x5b: {  	_ =	shalt  }
0x5c: {  	_ =	shalt  }
0x5d: {  	_ =	shalt  }
0x5e: {  	_ =	shalt  }
0x5f: {  	_ =	shalt  }
0x60: {  	_ =	shalt  }
0x61: {  	_ =	shalt  }
0x62: {  	_ =	shalt  }
0x63: {  	_ =	shalt  }
0x64: {  	_ =	shalt  }
0x65: {  	_ =	shalt  }
0x66: {  	_ =	shalt  }
0x67: {  	_ =	shalt  }
0x68: {  	_ =	shalt  }
0x69: {  	_ =	shalt  }
0x6a: {  	_ =	shalt  }
0x6b: {  	_ =	shalt  }
0x6c: {  	_ =	shalt  }
0x6d: {  	_ =	shalt  }
0x6e: {  	_ =	shalt  }
0x6f: {  	_ =	shalt  }
0x70: {  	_ =	shalt  }
0x71: {  	_ =	shalt  }
0x72: {  	_ =	shalt  }
0x73: {  	_ =	shalt  }
0x74: {  	_ =	shalt  }
0x75: {  	_ =	shalt  }
0x76: {  	_ =	shalt  }
0x77: {  	_ =	shalt  }
0x78: {  	_ =	shalt  }
0x79: {  	_ =	shalt  }
0x7a: {  	_ =	shalt  }
0x7b: {  	_ =	shalt  }
0x7c: {  	_ =	shalt  }
0x7d: {  	_ =	shalt  }
0x7e: {  	_ =	shalt  }
0x7f: {  	_ =	shalt  }
0x80: {  	_ =	shalt  }
0x81: {  	_ =	shalt  }
0x82: {  	_ =	shalt  }
0x83: {  	_ =	shalt  }
0x84: {  	_ =	shalt  }
0x85: {  	_ =	shalt  }
0x86: {  	_ =	shalt  }
0x87: {  	_ =	shalt  }
.Lfunc_end0:
.L_simem_size_0:
called_computation.2_lowered:
.L_overlay_start_0:
0x88: {  	s2 =	sld [smem:$0x3FD9]  }
0x89: {  	s3 =	sld [smem:$0x3FFE];
	_ =	sdelay $0x1  }
0x8a: {  	s1 =	srdreg.scid  }
0x8b: {  	s0 =	sand.u32 $0x1, s1  }
0x8c: {  	s17 =	sshll.u32 s0, $0xA;
	s2 =	sadd.s32 s3, s2  }
0x8d: {  	s2 =	sadd.s32 s2, s17  }
0x8e: {  	[smem:$0x3FC2] =	sst s2  }
0x8f: {  	_ = 	snop  }
0x90: {  	s2 =	sld [smem:$0x3FD0];
	(tm) =	ssettm $0x1  }
0x91: {  	s18 =	sld [smem:$0x3FFB];
	_ =	sdelay $0x3  }
0x92: {  	_ =	strace s18  }
0x93: {  	s3 =	sld [smem:$0x3FFC];
	_ =	sdelay $0x3  }
0x94: {  	_ =	strace s3  }
0x95: {  	s3 =	sld [smem:$0x3FFD];
	_ =	sdelay $0x3  }
0x96: {  	_ =	strace s3  }
0x97: {  	_ =	strace $0x8FFFFFFF  }
0x98: {  	s19 =	sld [smem:$0x3FDB];
	_ =	sdelay $0x1  }
0x99: {  	s4 =	simm.s32 $_scs_section_size  }
0x9a: {  	s5 =	simm.s32 $_size__tile_overlayer_lowered;
	s6 =	simm.s32 $_tile_overlayer_lowered  }
0x9b: {  	s22 =	simm.s32 $0x1BFF;
	s21 =	sshll.u32 s6, $0x1;
	s3 =	sadd.s32 s4, s19  }
0x9c: {  	s7 =	simm.s32 $0x0;
	s20 =	sshll.u32 s5, $0x1;
	s5 =	sadd.s32 s21, s3  }
0x9d: {  	[timem:s7], [sflag:s22] =	dma.local [hbm:s5], s20  }
0x9e: {  	_ =	swait.ge [sflag:s22], s20  }
0x9f: {  	s4 =	ssub.s32 $0x0, s20;
	[sflag:s22] =	ssyncset.done $0x0  }
0xa0: {  	[sflag:s22] =	ssyncadd.s32 s4;
	_ =	sdelay $0x1  }
0xa1: {  	s23 =	simm.s32 $0x1B8B  }
0xa2: {  	_ =	swait.ge [sflag:s23], $0x1  }
0xa3: {  	[sflag:s23] =	ssyncset.done $0x0  }
0xa4: {  	s25 =	simm.s32 $0x1B8E;
	s24 =	sld [smem:$0x3FFE];
	[sflag:s23] =	ssyncadd.s32 $0xFFFFFFFF  }
0xa5: {  	s26 =	simm.s32 $execute0_lowered;
	[smem:$0x3FD2] =	sst s25  }
0xa6: {  	s5 =	sshll.u32 s26, $0x1;
	_ =	strace $0x8000004C;
	[dreg:$0x1] =	wrdreg $0xFFFFFFFF  }
0xa7: {  	s28 =	simm.s32 $_size_execute0_lowered;
	s3 =	sadd.s32 s3, s5;
	[dreg:$0x0] =	wrdreg $0x0  }
0xa8: {  	s5 =	sshll.u32 s28, $0x1;
	[dreg:$0x2] =	wrdreg s3  }
0xa9: {  	[dreg:$0x3] =	wrdreg s5  }
0xaa: {  	[dreg:$0x4] =	wrdreg $0xC0  }
0xab: {  	_ =	task [dreg:s7], $0x5FFFF  }
0xac: {  	[dreg:$0x1] =	wrdreg $0xFFFFFFFF  }
0xad: {  	[dreg:$0x0] =	wrdreg $0x60  }
0xae: {  	[dreg:$0x2] =	wrdreg s24  }
0xaf: {  	[dreg:$0x3] =	wrdreg s2  }
0xb0: {  	[dreg:$0x4] =	wrdreg $0x82000  }
0xb1: {  	[dreg:$0x5] =	wrdreg $0x9  }
0xb2: {  	_ =	task.clear_ibuf [dreg:s7], $0x6FFFF;
	_ =	strace $0x9000004C  }
0xb3: {  	s29 =	simm.s32 $0x9;
	_ =	strace $0x8000004E  }
0xb4: {  	_ =	swait.ge [sflag:s29], $0x1  }
0xb5: {  	[sflag:s29] =	ssyncadd.s32 $0xFFFFFFFF  }
0xb6: {  	_ =	strace $0x9000004E  }
0xb7: {  	_ =	sfence  }
0xb8: {  	s30 =	sld [smem:$0x0];
	_ =	sdelay $0x2  }
0xb9: {  	s31 =	sshll.u32 s1, $0xD;
	s1 =	sshrl.u32 s1, $0x2  }
0xba: {  	s3 =	sand.u32 $0x4000, s31;
	s1 =	sadd.s32 s1, s30  }
0xbb: {  	s0 =	sor.u32 s3, s0;
	s1 =	sshll.u32 s1, $0x11  }
0xbc: {  	s0 =	sor.u32 s1, s0  }
0xbd: {  	s0 =	sadd.s32 $0x8F2B, s0  }
0xbe: {  	[sflag:s0] =	ssyncadd.remote.s32 $0x1  }
0xbf: {  	_ =	sfence.sel $0xFFFF  }
0xc0: {  	[dreg:$0x0] =	wrdreg $0xFFFFFFFF;
	(pc) =	sbr.abs _section_cstart, $3  }
0xc1: {  	[dreg:$0x1] =	wrdreg $0xFFFFFFFF  }
0xc2: {  	_ =	task.clear_ibuf [dreg:s7], $0x2FFFF;
	_ =	strace $0x9FFFFFFF  }
0xc3: {  	(tm) =	ssettm $0x7FFFFFFF  }
tec
execute0_lowered:
.L_overlay_start_1:
0x0: {  	(tag) =	ssettag $0x1  }
0x1: {  	s0 =	rddreg [dreg:$0x0]  }
0x2: {  	s1 =	rddreg [dreg:$0x1]  }
0x3: {  	s2 =	rddreg [dreg:$0x2]  }
0x4: {  	s4 =	srdreg.scid;
	s12 =	stileid.u32;
	s3 =	simm.s32 $0x0  }
0x5: {  	s28 =	simm.s32 $0x2;
	s29 =	simm.s32 $0x4200;
	s30 =	simm.s32 $0x0  }
0x6: {  	s6 =	sand.u32 $0x1, s4;
	s5 =	smul.u32 $0x2800, s12;
	[smem:$0x7FF] =	sst s3  }
0x7: {  	s4 =	sadd.s32 $0x5D600, s0;
	s20 =	sadd.s32 $0x3600, s0;
	s9 =	smul.u32 $0x4C00, s12  }
0x8: {  	s16 =	sadd.s32 $0x85600, s0;
	s10 =	sshll.u32 s12, $0xA;
	s11 =	smul.u32 $0x50000, s12  }
0x9: {  	s19 =	sshll.u32 s12, $0x6;
	s7 =	smul.u32 $0x28000, s6;
	_ =	strace $0x8000004D  }
0xa: {  	[dreg:$0x8] =	wrdreg s16;
	s17 =	ssub.s32 $0x2, s6;
	p0 =	seq.s32 s6, $0x0  }
0xb: {  	s6 =	simm.s32 $0x98;
	s10 =	sor.u32 $0x4C000, s10;
	s8 =	sshrl.u32 s17, $0x1  }
0xc: {  	s6 =	simm.s32 @!p0 $0x8;
	s10 =	smov.u32 @p0 s9;
	s18 =	sshrl.u32 s11, $0x2  }
0xd: {  	s7 =	sadd.s32 s5, s7;
	s15 =	ssub.s32 s17, s8;
	s21 =	sadd.s32 s18, s2  }
0xe: {  	s8 =	sor.u32 $0x1C05, s19;
	s19 =	sshrl.u32 s10, $0x3;
	s13 =	sadd.s32 $0xFFFFFFFF, s6  }
0xf: {  	s25 =	sshll.u32 s6, $0x4;
	s0 =	sadd.s32 s7, s0;
	[dreg:$0x9] =	wrdreg s21  }
0x10: {  	s22 =	sadd.s32 s20, s19;
	s23 =	sadd.s32 s1, s19;
	s24 =	sor.u32 $0x10, s19  }
0x11: {  	s17 =	sor.u32 $0x50, s19;
	s15 =	smax.u32 s15, $0x1;
	s26 =	sor.u32 $0x40, s19  }
0x12: {  	s21 =	sor.u32 $0x20, s19;
	s31 =	sor.u32 $0x30, s19;
	[dreg:$0xa] =	wrdreg s22  }
0x13: {  	[dreg:$0xb] =	wrdreg s23;
	s11 =	sadd.s32 s20, s24;
	s12 =	sadd.s32 s1, s24  }
0x14: {  	s14 =	sadd.s32 $0x87E00, s0;
	s0 =	sadd.s32 $0xFFFFFFE0, s25;
	s16 =	sadd.s32 s17, s1  }
0x15: {  	s17 =	sadd.s32 s17, s20;
	s18 =	sadd.s32 s26, s1;
	s22 =	sadd.s32 s21, s1  }
0x16: {  	s21 =	sadd.s32 s21, s20;
	s1 =	sadd.s32 s31, s1;
	s23 =	simm.s32 $0x80  }
0x17: {  	s24 =	simm.s32 $0x200;
	s25 =	simm.s32 $0x180;
	[dreg:$0x4] =	wrdreg s0  }
0x18: {  	s16 =	sadd.s32 $0xFFFFFFE0, s16;
	s17 =	sadd.s32 $0xFFFFFFE0, s17;
	[dreg:$0x5] =	wrdreg s22  }
0x19: {  	s18 =	sadd.s32 $0xFFFFFFE0, s18;
	s0 =	sadd.s32 s26, s20;
	[dreg:$0x6] =	wrdreg s21  }
0x1a: {  	[dreg:$0x7] =	wrdreg s1;
	s20 =	sadd.s32 s31, s20;
	s21 =	simm.s32 $0x5  }
0x1b: {  	s22 =	simm.s32 $0x100;
	s26 =	simm.s32 $0x1;
	s19 =	sadd.s32 $0xFFFFFFE0, s0  }
.LBB2_1:
0x1c: {  	s0 =	rddreg [dreg:$0x9]  }
0x1d: {  	s7 =	rddreg [dreg:$0x8];
	s31 =	sshrl.u32 s0, $0x3  }
0x1e: {  	[spmem:s31], [sflag:s8] =	dma.local [hbm:s7], $0x2800  }
0x1f: {  	_ =	swait.ge [sflag:s21], $0x2800  }
0x20: {  	[sflag:s21] =	ssyncset.done $0x0  }
0x21: {  	[sflag:s21] =	ssyncadd.s32 $0xFFFFD800  }
0x22: {  	[bflag:$0x0] =	sbarrier.arrive $0xFFFF  }
0x23: {  	s9 =	rddreg [dreg:$0xa]  }
0x24: {  	[tilespmem:s3], [sflag:$0x5] =	stream.linear.gather [hbm4b:s9+s3], $0x80, $0x38;
	[tilespmem:$0x1C200] =	vst v63  }
0x25: {  	_ =	swait.ge [sflag:s21], $0x80  }
0x26: {  	[sflag:s21] =	ssyncset.done $0x0  }
0x27: {  	s10 =	rddreg [dreg:$0xb];
	[sflag:s21] =	ssyncadd.s32 $0xFFFFFF80  }
0x28: {  	[tilespmem:s22], [sflag:$0x5] =	stream.linear.gather [hbm4b:s10+s3], $0x80, $0x38;
	[tilespmem:$0x1C200] =	vst v63  }
0x29: {  	_ =	swait.ge [sflag:s21], $0x80  }
0x2a: {  	[sflag:s21] =	ssyncset.done $0x0  }
0x2b: {  	[sflag:s21] =	ssyncadd.s32 $0xFFFFFF80  }
0x2c: {  	[tilespmem:s24], [sflag:$0x1] =	stream.indirect.gather [hbm4b:s4+s23], $0x80, s3, s23, $0xb8;
	[tilespmem:$0x1C200] =	vst v63  }
0x2d: {  	_ = 	snop  }
0x2e: {  	[tilespmem:s23], [sflag:$0x4] =	stream.linear.gather [hbm4b:s11+s3], $0x80, $0x38;
	[tilespmem:$0x1C200] =	vst v63  }
0x2f: {  	s1 =	simm.s32 $0x3;
	s0 =	simm.s32 $0x0  }
0x30: {  	[tilespmem:s25], [sflag:$0x4] =	stream.linear.gather [hbm4b:s12+s3], $0x80, $0x38;
	[tilespmem:$0x1C200] =	vst v63  }
.LBB2_2:
0x31: {  	s5 =	sadd.s32 $0xFFFFFFFD, s1  }
0x32: {  	p0 =	sge.u32 s5, s13  }
0x33: {  	s5 =	simm.s32 @!p0 $0x4  }
0x34: {  	_ =	swait.ge @!p0 [sflag:s5], $0x80  }
0x35: {  	[sflag:s5] =	ssyncset.done @!p0 $0x0  }
0x36: {  	[sflag:s5] =	ssyncadd.s32 @!p0 $0xFFFFFF80  }
0x37: {  	_ =	swait.ge @!p0 [sflag:s5], $0x80  }
0x38: {  	[sflag:s5] =	ssyncset.done @!p0 $0x0  }
0x39: {  	s7 =	simm.s32 @!p0 $0x4200;
	[sflag:s5] =	ssyncadd.s32 @!p0 $0xFFFFFF80;
	s5 =	simm.s32 @!p0 $0x80  }
0x3a: {  	[tilespmem:s7], [sflag:$0x2] =	stream.indirect.gather @!p0 [hbm4b:s4+s5], $0x80, s5, s5, $0xb8;
	[tilespmem:$0x1C200] =	vst v63  }
0x3b: {  	_ =	swait.ge [sflag:s26], $0x4000  }
0x3c: {  	[sflag:s26] =	ssyncset.done $0x0  }
0x3d: {  	s10 =	sadd.s32 $0xFFFFFFFF, s1;
	[sflag:s26] =	ssyncadd.s32 $0xFFFFC000  }
0x3e: {  	[spmem:s2] =	stream.indirect.scatter.add.f32 [tilespmem:s24], [sflag:$0x5], $0x80, s22, s23, $0xb8;
	[tilespmem:$0x1C200] =	vst v63  }
0x3f: {  	p0 =	sge.u32 s10, s6;
	_ =	swait.ge [sflag:s21], $0x4000  }
0x40: {  	s9 =	simm.s32 @!p0 $0x0;
	s5 =	rddreg [dreg:$0x6];
	[sflag:s21] =	ssyncset.done $0x0  }
0x41: {  	s7 =	rddreg [dreg:$0x5];
	[sflag:s21] =	ssyncadd.s32 $0xFFFFC000;
	s5 =	sadd.s32 @!p0 s0, s5  }
0x42: {  	[tilespmem:s9], [sflag:$0x3] =	stream.linear.gather @!p0 [hbm4b:s5+s9], $0x80, $0x38;
	[tilespmem:$0x1C200] =	vst v63  }
0x43: {  	s5 =	sadd.s32 @!p0 s0, s7;
	s7 =	simm.s32 @!p0 $0x100  }
0x44: {  	[tilespmem:s7], [sflag:$0x3] =	stream.linear.gather @!p0 [hbm4b:s5+s9], $0x80, $0x38;
	[tilespmem:$0x1C200] =	vst v63  }
0x45: {  	s5 =	simm.s32 @!p0 $0x3  }
0x46: {  	_ =	swait.ge @!p0 [sflag:s5], $0x80  }
0x47: {  	[sflag:s5] =	ssyncset.done @!p0 $0x0  }
0x48: {  	[sflag:s5] =	ssyncadd.s32 @!p0 $0xFFFFFF80  }
0x49: {  	_ =	swait.ge @!p0 [sflag:s5], $0x80  }
0x4a: {  	[sflag:s5] =	ssyncset.done @!p0 $0x0  }
0x4b: {  	s7 =	simm.s32 @!p0 $0x200;
	[sflag:s5] =	ssyncadd.s32 @!p0 $0xFFFFFF80;
	s5 =	simm.s32 @!p0 $0x80  }
0x4c: {  	[tilespmem:s7], [sflag:$0x1] =	stream.indirect.gather @!p0 [hbm4b:s4+s5], $0x80, s9, s5, $0xb8;
	[tilespmem:$0x1C200] =	vst v63  }
0x4d: {  	_ =	swait.ge [sflag:s28], $0x4000  }
0x4e: {  	[sflag:s28] =	ssyncset.done $0x0  }
0x4f: {  	p0 =	sge.u32 s1, s6;
	[sflag:s28] =	ssyncadd.s32 $0xFFFFC000  }
0x50: {  	[spmem:s2] =	stream.indirect.scatter.add.f32 [tilespmem:s29], [sflag:$0x5], $0x80, s25, s23, $0xb8;
	[tilespmem:$0x1C200] =	vst v63  }
0x51: {  	s7 =	sadd.s32 @!p0 s0, s20;
	_ =	swait.ge [sflag:s21], $0x4000  }
0x52: {  	s9 =	simm.s32 @!p0 $0x0;
	[sflag:s21] =	ssyncset.done $0x0;
	s5 =	rddreg [dreg:$0x7]  }
0x53: {  	s10 =	simm.s32 @!p0 $0x80;
	[sflag:s21] =	ssyncadd.s32 $0xFFFFC000;
	s5 =	sadd.s32 @!p0 s0, s5  }
0x54: {  	[tilespmem:s10], [sflag:$0x4] =	stream.linear.gather @!p0 [hbm4b:s7+s9], $0x80, $0x38;
	[tilespmem:$0x1C200] =	vst v63  }
0x55: {  	s0 =	sadd.s32 $0x20, s0;
	s7 =	simm.s32 @!p0 $0x180;
	s10 =	rddreg [dreg:$0x4]  }
0x56: {  	[tilespmem:s7], [sflag:$0x4] =	stream.linear.gather @!p0 [hbm4b:s5+s9], $0x80, $0x38;
	[tilespmem:$0x1C200] =	vst v63  }
0x57: {  	p0 =	sne.s32 s10, s0  }
.Ltmp0:
0x58: {  	_ = 	snop;
	(pc) =	sbr.rel @p0 .LBB2_2-.Ltmp0, $2  }
0x59: {  	_ =	sdelay $0x2  }
0x5a: {  	s1 =	sadd.s32 $0x2, s1  }
0x5b: {  	s5 =	sadd.s32 $0xFFFFFFFD, s1  }
0x5c: {  	p0 =	sge.u32 s5, s13  }
0x5d: {  	s5 =	simm.s32 @!p0 $0x4  }
0x5e: {  	_ =	swait.ge @!p0 [sflag:s5], $0x80  }
0x5f: {  	[sflag:s5] =	ssyncset.done @!p0 $0x0  }
0x60: {  	[sflag:s5] =	ssyncadd.s32 @!p0 $0xFFFFFF80  }
0x61: {  	_ =	swait.ge @!p0 [sflag:s5], $0x80  }
0x62: {  	[sflag:s5] =	ssyncset.done @!p0 $0x0  }
0x63: {  	s7 =	simm.s32 @!p0 $0x4200;
	[sflag:s5] =	ssyncadd.s32 @!p0 $0xFFFFFF80;
	s5 =	simm.s32 @!p0 $0x80  }
0x64: {  	[tilespmem:s7], [sflag:$0x2] =	stream.indirect.gather @!p0 [hbm4b:s4+s5], $0x80, s5, s5, $0xb8;
	[tilespmem:$0x1C200] =	vst v63  }
0x65: {  	_ =	swait.ge [sflag:s26], $0x4000  }
0x66: {  	[sflag:s26] =	ssyncset.done $0x0  }
0x67: {  	[sflag:s26] =	ssyncadd.s32 $0xFFFFC000  }
0x68: {  	[spmem:s2] =	stream.indirect.scatter.add.f32 [tilespmem:s24], [sflag:$0x5], $0x80, s22, s23, $0xb8;
	[tilespmem:$0x1C200] =	vst v63  }
0x69: {  	s10 =	sadd.s32 $0xFFFFFFFF, s1;
	_ =	swait.ge [sflag:s21], $0x4000  }
0x6a: {  	p0 =	sge.u32 s10, s6;
	[sflag:s21] =	ssyncset.done $0x0  }
0x6b: {  	s5 =	sadd.s32 @!p0 s0, s19;
	s7 =	simm.s32 @!p0 $0x0;
	[sflag:s21] =	ssyncadd.s32 $0xFFFFC000  }
0x6c: {  	[tilespmem:s7], [sflag:$0x3] =	stream.linear.gather @!p0 [hbm4b:s5+s7], $0x80, $0x38;
	[tilespmem:$0x1C200] =	vst v63  }
0x6d: {  	s9 =	simm.s32 @!p0 $0x100;
	s5 =	sadd.s32 @!p0 s0, s18  }
0x6e: {  	[tilespmem:s9], [sflag:$0x3] =	stream.linear.gather @!p0 [hbm4b:s5+s7], $0x80, $0x38;
	[tilespmem:$0x1C200] =	vst v63  }
0x6f: {  	s5 =	simm.s32 @!p0 $0x3  }
0x70: {  	_ =	swait.ge @!p0 [sflag:s5], $0x80  }
0x71: {  	[sflag:s5] =	ssyncset.done @!p0 $0x0  }
0x72: {  	[sflag:s5] =	ssyncadd.s32 @!p0 $0xFFFFFF80  }
0x73: {  	_ =	swait.ge @!p0 [sflag:s5], $0x80  }
0x74: {  	[sflag:s5] =	ssyncset.done @!p0 $0x0  }
0x75: {  	s9 =	simm.s32 @!p0 $0x200;
	[sflag:s5] =	ssyncadd.s32 @!p0 $0xFFFFFF80;
	s5 =	simm.s32 @!p0 $0x80  }
0x76: {  	[tilespmem:s9], [sflag:$0x1] =	stream.indirect.gather @!p0 [hbm4b:s4+s5], $0x80, s7, s5, $0xb8;
	[tilespmem:$0x1C200] =	vst v63  }
0x77: {  	_ =	swait.ge [sflag:s28], $0x4000  }
0x78: {  	[sflag:s28] =	ssyncset.done $0x0  }
0x79: {  	[sflag:s28] =	ssyncadd.s32 $0xFFFFC000  }
0x7a: {  	[spmem:s2] =	stream.indirect.scatter.add.f32 [tilespmem:s29], [sflag:$0x5], $0x80, s25, s23, $0xb8;
	[tilespmem:$0x1C200] =	vst v63  }
0x7b: {  	p0 =	sge.u32 s1, s6;
	_ =	swait.ge [sflag:s21], $0x4000  }
0x7c: {  	s1 =	sadd.s32 @!p0 s0, s17;
	[sflag:s21] =	ssyncset.done $0x0  }
0x7d: {  	s5 =	simm.s32 @!p0 $0x0;
	s7 =	simm.s32 @!p0 $0x80;
	[sflag:s21] =	ssyncadd.s32 $0xFFFFC000  }
0x7e: {  	[tilespmem:s7], [sflag:$0x4] =	stream.linear.gather @!p0 [hbm4b:s1+s5], $0x80, $0x38;
	[tilespmem:$0x1C200] =	vst v63  }
0x7f: {  	s30 =	sadd.s32 $0x1, s30;
	s0 =	sadd.s32 @!p0 s0, s16;
	s1 =	simm.s32 @!p0 $0x180  }
0x80: {  	[tilespmem:s1], [sflag:$0x4] =	stream.linear.gather @!p0 [hbm4b:s0+s5], $0x80, $0x38;
	[tilespmem:$0x1C200] =	vst v63  }
0x81: {  	p0 =	sne.s32 s30, s15  }
.Ltmp1:
0x82: {  	[bflag:$0x0] =	sbarrier.arrive $0xFFFF;
	(pc) =	sbr.rel @p0 .LBB2_1-.Ltmp1, $4  }
0x83: {  	[hbm:s14], [sflag:s8] =	dma.local [spmem:s31], $0x2800  }
0x84: {  	_ =	swait.ge [sflag:s21], $0x2800  }
0x85: {  	[sflag:s21] =	ssyncset.done $0x0  }
0x86: {  	[sflag:s21] =	ssyncadd.s32 $0xFFFFD800  }
0x87: {  	_ =	sfence.sel $0x180000  }
0x88: {  	[bflag:$0x0] =	sbarrier.arrive $0xFFFF  }
0x89: {  	_ =	strace $0x9000004D  }
0x8a: {  	s0 =	stileid.u32;
	[bflag:$0x2] =	sbarrier.arrive $0xFFFF  }
0x8b: {  	p0 =	sne.s32 s0, $0x0;
	s0 =	rddreg [dreg:$0x3]  }
0x8c: {  	s0 =	sadd.s32 @!p0 $0x100000, s0  }
0x8d: {  	[sflag:s0] =	ssyncadd.tile.s32 @!p0 $0x1;
	_ =	shalt  }
.Lfunc_end2:
_tile_overlayer_lowered:
.L_overlay_start_2:
0x8e: {  	(tag) =	ssettag $0x2  }
0x8f: {  	s0 =	rddreg [dreg:$0x0];
	s2 =	stileid.u32  }
0x90: {  	s1 =	rddreg [dreg:$0x1];
	p0 =	sne.s32 s2, $0x0  }
0x91: {  	s3 =	rddreg [dreg:$0x2];
	[bflag:$0x3] =	sbarrier.arrive $0xFFFF;
	s2 =	simm.s32 @!p0 $0x1C05  }
0x92: {  	[timem:s3], [sflag:s2] =	dma.local @!p0 [hbm:s0], s1  }
0x93: {  	s0 =	simm.s32 @!p0 $0x5  }
0x94: {  	_ =	swait.ge @!p0 [sflag:s0], s1  }
0x95: {  	s1 =	ssub.s32 @!p0 $0x0, s1;
	[sflag:s0] =	ssyncset.done @!p0 $0x0  }
0x96: {  	[sflag:s0] =	ssyncadd.s32 @!p0 s1  }
0x97: {  	[bflag:$0x3] =	sbarrier.arrive $0xFFFF  }
0x98: {  	_ =	shalt  }

// kernel: kernel.9.cloned.1.call-start
scs
__scs_entry_jumppad:
0x0: {  	(pc) =	sbr.rel $0x88, $3  }
0x1: {  	(tag) =	ssettag $0x0;
	lr =	simm.s32 $0x1  }
0x2: {  	[smem:$0x3F9B] =	sst lr;
	_ =	strace $0xD0000000  }
0x3: {  	_ = 	snop  }
0x4: {  	_ = 	snop  }
0x5: {  	_ = 	snop  }
0x6: {  	_ = 	snop  }
0x7: {  	_ = 	snop  }
__scs_overlays_trampoline_lowered:
0x8: {  	[smem:$0x3FAA] =	sst s0  }
0x9: {  	[smem:$0x3FAB] =	sst s1  }
0xa: {  	[smem:$0x3FAC] =	sst s2  }
0xb: {  	[smem:$0x3FAD] =	sst s3  }
0xc: {  	[smem:$0x3FAE] =	sst s4  }
0xd: {  	[smem:$0x3FAF] =	sst s5  }
0xe: {  	[smem:$0x3FB0] =	sst s6  }
0xf: {  	[smem:$0x3FB1] =	sst s7  }
0x10: {  	[smem:$0x3FB2] =	sst s8  }
0x11: {  	[smem:$0x3FB3] =	sst s9;
	s0 =	simm.s32 @!p0 $0x0  }
0x12: {  	s1 =	sld [smem:$0x3F99];
	s0 =	simm.s32 @p0 $0x1  }
0x13: {  	[smem:$0x3FB4] =	sst s0;
	s0 =	simm.s32 @!p1 $0x0  }
0x14: {  	s2 =	sld [smem:$0x3F98];
	s0 =	simm.s32 @p1 $0x1  }
0x15: {  	[smem:$0x3FB5] =	sst s0;
	s0 =	simm.s32 @!p2 $0x0  }
0x16: {  	s3 =	sld [smem:$0x3FDB];
	s0 =	simm.s32 @p2 $0x1  }
0x17: {  	s4 =	simm.s32 $0x1BF5;
	[smem:$0x3FB7] =	sst s0  }
0x18: {  	s0 =	sld [smem:$0x3F9A];
	_ =	swait.ge [sflag:s4], $0x0  }
0x19: {  	s7 =	sld [smem:$0x3F9B]  }
0x1a: {  	s8 =	sadd.s32 $0xFFFFE003, lr  }
0x1b: {  	s9 =	sadd.s32 $0xFFFFFEF7, lr;
	s5 =	simm.s32 $0xFFFFFFFF;
	p2 =	slt.u32 s8, $0xFFFFF086  }
0x1c: {  	p1 =	slt.u32 s9, $0xF7A;
	s5 =	simm.s32 @!p2 $0x0  }
0x1d: {  	s5 =	simm.s32 @p1 $0x1;
	p0 =	seq.s32 s7, s2  }
0x1e: {  	s7 =	smul.u32 @!p0 $0xF7A, s2;
	p2 =	seq.s32 @!p0 s5, $0x0  }
0x1f: {  	s9 =	smul.u32 $0xF7A, s1;
	s8 =	simm.s32 @!p0 $0x1BF5;
	p2 =	por !p2, p0  }
0x20: {  	[sflag:s8] =	ssyncset.s32 @!p0 $0xFFFFF086;
	s6 =	sadd.s32 @!p0 s3, s7;
	s7 =	simm.s32 @!p0 $0x108  }
0x21: {  	s3 =	sadd.s32 s3, s9;
	s6 =	sadd.s32 @!p0 $0x88, s6;
	s7 =	simm.s32 @p2 $0x1082  }
0x22: {  	[simem:s7], [sflag:s8] =	dma.local @!p0 [hbm:s6], $0xF7A  }
0x23: {  	s9 =	sor.u32 $0xD0000000, s2;
	s6 =	simm.s32 $0x108;
	_ =	swait.ge @!p0 [sflag:s8], $0x0  }
0x24: {  	s3 =	sadd.s32 $0x88, s3;
	s6 =	simm.s32 @!p1 $0x1082;
	[sflag:s4] =	ssyncset.s32 $0xFFFFF086  }
0x25: {  	[simem:s6], [sflag:s4] =	dma.local [hbm:s3], $0xF7A  }
0x26: {  	[smem:$0x3F9B] =	sst s1;
	(tag) =	ssettag s2;
	_ =	strace s9  }
0x27: {  	s1 =	sld [smem:$0x3FAB]  }
0x28: {  	s2 =	sld [smem:$0x3FAC]  }
0x29: {  	s4 =	sld [smem:$0x3FAE]  }
0x2a: {  	p0 =	seq.s32 s5, $0x0;
	s5 =	sld [smem:$0x3FAF]  }
0x2b: {  	s6 =	sld [smem:$0x3FB0]  }
0x2c: {  	s7 =	sld [smem:$0x3FB1]  }
0x2d: {  	s3 =	simm.s32 $0x108;
	s8 =	sld [smem:$0x3FB2]  }
0x2e: {  	s3 =	simm.s32 @!p0 $0x1082;
	s9 =	sld [smem:$0x3FB3]  }
0x2f: {  	lr =	sadd.s32 s0, s3;
	s0 =	sld [smem:$0x3FAA]  }
0x30: {  	s3 =	sld [smem:$0x3FAD]  }
0x31: {  	[smem:$0x3FB6] =	sst s10  }
0x32: {  	s10 =	sld [smem:$0x3FB4];
	_ =	sdelay $0x3  }
0x33: {  	p0 =	seq.s32 s10, $0x1;
	s10 =	sld [smem:$0x3FB6];
	_ =	sdelay $0x3  }
0x34: {  	[smem:$0x3FB6] =	sst s10  }
0x35: {  	s10 =	sld [smem:$0x3FB5];
	_ =	sdelay $0x3  }
0x36: {  	p1 =	seq.s32 s10, $0x1;
	s10 =	sld [smem:$0x3FB6];
	_ =	sdelay $0x3  }
0x37: {  	[smem:$0x3FB6] =	sst s10  }
0x38: {  	s10 =	sld [smem:$0x3FB7]  }
0x39: {  	_ = 	snop;
	(pc) =	sbr.ind lr, $3  }
0x3a: {  	_ = 	snop  }
0x3b: {  	_ = 	snop  }
0x3c: {  	p2 =	seq.s32 s10, $0x1;
	s10 =	sld [smem:$0x3FB6]  }
0x3d: {  	_ =	shalt  }
0x3e: {  	_ =	shalt  }
0x3f: {  	_ =	shalt  }
0x40: {  	_ =	shalt  }
0x41: {  	_ =	shalt  }
0x42: {  	_ =	shalt  }
0x43: {  	_ =	shalt  }
0x44: {  	_ =	shalt  }
0x45: {  	_ =	shalt  }
0x46: {  	_ =	shalt  }
0x47: {  	_ =	shalt  }
0x48: {  	_ =	shalt  }
0x49: {  	_ =	shalt  }
0x4a: {  	_ =	shalt  }
0x4b: {  	_ =	shalt  }
0x4c: {  	_ =	shalt  }
0x4d: {  	_ =	shalt  }
0x4e: {  	_ =	shalt  }
0x4f: {  	_ =	shalt  }
0x50: {  	_ =	shalt  }
0x51: {  	_ =	shalt  }
0x52: {  	_ =	shalt  }
0x53: {  	_ =	shalt  }
0x54: {  	_ =	shalt  }
0x55: {  	_ =	shalt  }
0x56: {  	_ =	shalt  }
0x57: {  	_ =	shalt  }
0x58: {  	_ =	shalt  }
0x59: {  	_ =	shalt  }
0x5a: {  	_ =	shalt  }
0x5b: {  	_ =	shalt  }
0x5c: {  	_ =	shalt  }
0x5d: {  	_ =	shalt  }
0x5e: {  	_ =	shalt  }
0x5f: {  	_ =	shalt  }
0x60: {  	_ =	shalt  }
0x61: {  	_ =	shalt  }
0x62: {  	_ =	shalt  }
0x63: {  	_ =	shalt  }
0x64: {  	_ =	shalt  }
0x65: {  	_ =	shalt  }
0x66: {  	_ =	shalt  }
0x67: {  	_ =	shalt  }
0x68: {  	_ =	shalt  }
0x69: {  	_ =	shalt  }
0x6a: {  	_ =	shalt  }
0x6b: {  	_ =	shalt  }
0x6c: {  	_ =	shalt  }
0x6d: {  	_ =	shalt  }
0x6e: {  	_ =	shalt  }
0x6f: {  	_ =	shalt  }
0x70: {  	_ =	shalt  }
0x71: {  	_ =	shalt  }
0x72: {  	_ =	shalt  }
0x73: {  	_ =	shalt  }
0x74: {  	_ =	shalt  }
0x75: {  	_ =	shalt  }
0x76: {  	_ =	shalt  }
0x77: {  	_ =	shalt  }
0x78: {  	_ =	shalt  }
0x79: {  	_ =	shalt  }
0x7a: {  	_ =	shalt  }
0x7b: {  	_ =	shalt  }
0x7c: {  	_ =	shalt  }
0x7d: {  	_ =	shalt  }
0x7e: {  	_ =	shalt  }
0x7f: {  	_ =	shalt  }
0x80: {  	_ =	shalt  }
0x81: {  	_ =	shalt  }
0x82: {  	_ =	shalt  }
0x83: {  	_ =	shalt  }
0x84: {  	_ =	shalt  }
0x85: {  	_ =	shalt  }
0x86: {  	_ =	shalt  }
0x87: {  	_ =	shalt  }
.Lfunc_end0:
.L_simem_size_0:
called_computation_lowered:
.L_overlay_start_0:
0x88: {  	s2 =	sld [smem:$0x3FD9]  }
0x89: {  	s3 =	sld [smem:$0x3FFE];
	_ =	sdelay $0x1  }
0x8a: {  	s1 =	srdreg.scid  }
0x8b: {  	s0 =	sand.u32 $0x1, s1  }
0x8c: {  	s17 =	sshll.u32 s0, $0xA;
	s2 =	sadd.s32 s3, s2  }
0x8d: {  	s2 =	sadd.s32 s2, s17  }
0x8e: {  	[smem:$0x3FC2] =	sst s2  }
0x8f: {  	_ = 	snop  }
0x90: {  	s2 =	sld [smem:$0x3FD0];
	(tm) =	ssettm $0x1  }
0x91: {  	s18 =	sld [smem:$0x3FFB];
	_ =	sdelay $0x3  }
0x92: {  	_ =	strace s18  }
0x93: {  	s3 =	sld [smem:$0x3FFC];
	_ =	sdelay $0x3  }
0x94: {  	_ =	strace s3  }
0x95: {  	s3 =	sld [smem:$0x3FFD];
	_ =	sdelay $0x3  }
0x96: {  	_ =	strace s3  }
0x97: {  	_ =	strace $0x8FFFFFFF  }
0x98: {  	s19 =	sld [smem:$0x3FDB];
	_ =	sdelay $0x1  }
0x99: {  	s4 =	simm.s32 $_scs_section_size  }
0x9a: {  	s5 =	simm.s32 $_size__tile_overlayer_lowered;
	s6 =	simm.s32 $_tile_overlayer_lowered  }
0x9b: {  	s22 =	simm.s32 $0x1BFF;
	s21 =	sshll.u32 s6, $0x1;
	s3 =	sadd.s32 s4, s19  }
0x9c: {  	s7 =	simm.s32 $0x0;
	s20 =	sshll.u32 s5, $0x1;
	s5 =	sadd.s32 s21, s3  }
0x9d: {  	[timem:s7], [sflag:s22] =	dma.local [hbm:s5], s20  }
0x9e: {  	_ =	swait.ge [sflag:s22], s20  }
0x9f: {  	s4 =	ssub.s32 $0x0, s20;
	[sflag:s22] =	ssyncset.done $0x0  }
0xa0: {  	[sflag:s22] =	ssyncadd.s32 s4;
	_ =	sdelay $0x1  }
0xa1: {  	s23 =	simm.s32 $0x1B8B  }
0xa2: {  	_ =	swait.ge [sflag:s23], $0x1  }
0xa3: {  	[sflag:s23] =	ssyncset.done $0x0  }
0xa4: {  	s25 =	simm.s32 $0x1B8E;
	s24 =	sld [smem:$0x3FFE];
	[sflag:s23] =	ssyncadd.s32 $0xFFFFFFFF  }
0xa5: {  	s26 =	simm.s32 $execute0_lowered;
	[smem:$0x3FD2] =	sst s25  }
0xa6: {  	s5 =	sshll.u32 s26, $0x1;
	_ =	strace $0x80000046;
	[dreg:$0x1] =	wrdreg $0xFFFFFFFF  }
0xa7: {  	s28 =	simm.s32 $_size_execute0_lowered;
	s3 =	sadd.s32 s3, s5;
	[dreg:$0x0] =	wrdreg $0x0  }
0xa8: {  	s5 =	sshll.u32 s28, $0x1;
	[dreg:$0x2] =	wrdreg s3  }
0xa9: {  	[dreg:$0x3] =	wrdreg s5  }
0xaa: {  	[dreg:$0x4] =	wrdreg $0xC0  }
0xab: {  	_ =	task [dreg:s7], $0x5FFFF  }
0xac: {  	[dreg:$0x1] =	wrdreg $0xFFFFFFFF  }
0xad: {  	[dreg:$0x0] =	wrdreg $0x60  }
0xae: {  	[dreg:$0x2] =	wrdreg s2  }
0xaf: {  	[dreg:$0x3] =	wrdreg s24  }
0xb0: {  	[dreg:$0x4] =	wrdreg $0x53000  }
0xb1: {  	[dreg:$0x5] =	wrdreg $0x9  }
0xb2: {  	_ =	task.clear_ibuf [dreg:s7], $0x6FFFF;
	_ =	strace $0x90000046  }
0xb3: {  	s29 =	simm.s32 $0x9;
	_ =	strace $0x80000048  }
0xb4: {  	_ =	swait.ge [sflag:s29], $0x1  }
0xb5: {  	[sflag:s29] =	ssyncadd.s32 $0xFFFFFFFF  }
0xb6: {  	_ =	strace $0x90000048  }
0xb7: {  	_ =	sfence  }
0xb8: {  	s30 =	sld [smem:$0x0];
	_ =	sdelay $0x2  }
0xb9: {  	s31 =	sshll.u32 s1, $0xD;
	s1 =	sshrl.u32 s1, $0x2  }
0xba: {  	s3 =	sand.u32 $0x4000, s31;
	s1 =	sadd.s32 s1, s30  }
0xbb: {  	s0 =	sor.u32 s3, s0;
	s1 =	sshll.u32 s1, $0x11  }
0xbc: {  	s0 =	sor.u32 s1, s0  }
0xbd: {  	s0 =	sadd.s32 $0x8F2B, s0  }
0xbe: {  	[sflag:s0] =	ssyncadd.remote.s32 $0x1  }
0xbf: {  	_ =	sfence.sel $0xFFFF  }
0xc0: {  	[dreg:$0x0] =	wrdreg $0xFFFFFFFF;
	(pc) =	sbr.abs _section_cstart, $3  }
0xc1: {  	[dreg:$0x1] =	wrdreg $0xFFFFFFFF  }
0xc2: {  	_ =	task.clear_ibuf [dreg:s7], $0x2FFFF;
	_ =	strace $0x9FFFFFFF  }
0xc3: {  	(tm) =	ssettm $0x7FFFFFFF  }
tec
execute0_lowered:
.L_overlay_start_1:
0x0: {  	(tag) =	ssettag $0x1  }
0x1: {  	s1 =	rddreg [dreg:$0x0]  }
0x2: {  	s0 =	srdreg.scid;
	s4 =	rddreg [dreg:$0x1]  }
0x3: {  	s19 =	stileid.u32;
	s6 =	rddreg [dreg:$0x2]  }
0x4: {  	s2 =	simm.s32 $0x0;
	s23 =	simm.s32 $0x1;
	s3 =	smul.u32 $0x280, s19  }
0x5: {  	s24 =	simm.s32 $0x80;
	s25 =	simm.s32 $0x0;
	s7 =	smul.u32 $0xA000, s19  }
0x6: {  	s0 =	sand.u32 $0x1, s0;
	[smem:$0x7FF] =	sst s2;
	s22 =	smul.u32 $0x500, s19  }
0x7: {  	s5 =	smul.u32 $0x2800, s0;
	_ =	strace $0x80000047;
	s30 =	ssub.s32 $0x2, s0  }
0x8: {  	s0 =	smul.u32 $0x5000, s0;
	s31 =	sshrl.u32 s30, $0x1;
	s7 =	sshrl.u32 s7, $0x2  }
0x9: {  	s5 =	sadd.s32 s3, s5;
	s3 =	sadd.s32 s3, s6;
	s21 =	ssub.s32 s30, s31  }
0xa: {  	s0 =	sadd.s32 s0, s1;
	s1 =	simm.s32 $0x4E00;
	s5 =	sshrl.u32 s5, $0x3  }
0xb: {  	s8 =	sadd.s32 $0xA000, s3;
	s9 =	sadd.s32 $0xC800, s3;
	s10 =	sadd.s32 $0xF000, s3  }
0xc: {  	s11 =	sadd.s32 $0x11800, s3;
	s12 =	sadd.s32 $0x14000, s3;
	s13 =	sadd.s32 $0x16800, s3  }
0xd: {  	s14 =	sadd.s32 $0x19000, s3;
	s15 =	sadd.s32 $0x1B800, s3;
	s16 =	sadd.s32 $0x1E000, s3  }
0xe: {  	s17 =	sadd.s32 $0x20800, s3;
	s18 =	sadd.s32 $0x23000, s3;
	s19 =	sadd.s32 $0x25800, s3  }
0xf: {  	s21 =	smax.u32 s21, $0x1;
	s22 =	sadd.s32 s22, s0;
	s0 =	simm.s32 $0x5080  }
0x10: {  	s20 =	sadd.s32 s5, s4;
	s4 =	sadd.s32 s7, s6;
	s5 =	sadd.s32 $0x2800, s3  }
0x11: {  	v0 =	vimm.f32 $0.0e+00;
	v1 =	vimm.f32 $1.000000000e+00;
	s6 =	sadd.s32 $0x5000, s3;
	s7 =	sadd.s32 $0x7800, s3;
	s20 =	sadd.s32 $0x2C00, s20  }
.LBB2_1:
0x12: {  	s26 =	simm.s32 $0x0  }
.LBB2_2:
0x13: {  	p0 =	sne.s32 s26, $0x9FC0  }
.Ltmp0:
0x14: {  	_ = 	snop;
	(pc) =	sbr.rel @p0 .LBB2_2-.Ltmp0, $3  }
0x15: {  	_ =	sdelay $0x1  }
0x16: {  	s28 =	sshra.s32 s26, $0x2  }
0x17: {  	s26 =	sadd.s32 $0x40, s26;
	[tilespmem:s28+$0x80] =	vst v0  }
0x18: {  	s26 =	simm.s32 $0x0  }
.LBB2_4:
0x19: {  	s28 =	sadd.s32 s26, s22  }
0x1a: {  	[tilespmem:s2], [sflag:$0x1] =	stream.linear.gather [hbm4b:s28+s2], $0x80, $0x38;
	[tilespmem:$0x7B00] =	vst v63  }
0x1b: {  	_ =	swait.ge [sflag:s23], $0x80  }
0x1c: {  	[sflag:s23] =	ssyncset.done $0x0  }
0x1d: {  	[sflag:s23] =	ssyncadd.s32 $0xFFFFFF80  }
0x1e: {  	v2 =	vld [tilespmem:$0x0];
	_ =	sdelay $0x7  }
0x1f: {  	[tilespmem:v2+s24+$0x0] =	vst.idx.add.f32.msk $0xffff, v1  }
0x20: {  	v2 =	vld [tilespmem:$0x10];
	_ =	sdelay $0x7  }
0x21: {  	[tilespmem:v2+s24+$0x0] =	vst.idx.add.f32.msk $0xffff, v1  }
0x22: {  	v2 =	vld [tilespmem:$0x20];
	_ =	sdelay $0x7  }
0x23: {  	[tilespmem:v2+s24+$0x0] =	vst.idx.add.f32.msk $0xffff, v1  }
0x24: {  	v2 =	vld [tilespmem:$0x30];
	_ =	sdelay $0x7  }
0x25: {  	[tilespmem:v2+s24+$0x0] =	vst.idx.add.f32.msk $0xffff, v1  }
0x26: {  	v2 =	vld [tilespmem:$0x40];
	_ =	sdelay $0x7  }
0x27: {  	[tilespmem:v2+s24+$0x0] =	vst.idx.add.f32.msk $0xffff, v1  }
0x28: {  	v2 =	vld [tilespmem:$0x50];
	_ =	sdelay $0x7  }
0x29: {  	[tilespmem:v2+s24+$0x0] =	vst.idx.add.f32.msk $0xffff, v1  }
0x2a: {  	v2 =	vld [tilespmem:$0x60];
	_ =	sdelay $0x7  }
0x2b: {  	[tilespmem:v2+s24+$0x0] =	vst.idx.add.f32.msk $0xffff, v1  }
0x2c: {  	v2 =	vld [tilespmem:$0x70];
	_ =	sdelay $0x2  }
0x2d: {  	p0 =	sne.s32 s26, $0x4F0  }
.Ltmp1:
0x2e: {  	_ = 	snop;
	(pc) =	sbr.rel @p0 .LBB2_4-.Ltmp1, $2  }
0x2f: {  	_ =	sdelay $0x2  }
0x30: {  	s26 =	sadd.s32 $0x10, s26;
	[tilespmem:v2+s24+$0x0] =	vst.idx.add.f32.msk $0xffff, v1  }
0x31: {  	[spmem:s4] =	stream.linear.scatter [tilespmem:s24], [sflag:$0x1], $0x2800, $0x38;
	[tilespmem:$0x7B00] =	vst v63  }
0x32: {  	_ =	swait.ge [sflag:s23], $0x2800  }
0x33: {  	[sflag:s23] =	ssyncset.done $0x0  }
0x34: {  	[sflag:s23] =	ssyncadd.s32 $0xFFFFD800  }
0x35: {  	s26 =	simm.s32 $0x2880;
	[bflag:$0x0] =	sbarrier.arrive $0xFFFF  }
0x36: {  	[tilespmem:s26], [sflag:$0x1] =	stream.linear.gather [spmem:s3], $0x280, $0x38;
	[tilespmem:$0x7B00] =	vst v63  }
0x37: {  	_ =	swait.ge [sflag:s23], $0x280  }
0x38: {  	[sflag:s23] =	ssyncset.done $0x0  }
0x39: {  	s28 =	simm.s32 $0x2B00;
	[sflag:s23] =	ssyncadd.s32 $0xFFFFFD80  }
0x3a: {  	[tilespmem:s28], [sflag:$0x1] =	stream.linear.gather [spmem:s5], $0x280, $0x38;
	[tilespmem:$0x7B00] =	vst v63  }
0x3b: {  	_ =	swait.ge [sflag:s23], $0x280  }
0x3c: {  	[sflag:s23] =	ssyncset.done $0x0  }
0x3d: {  	s28 =	simm.s32 $0x2D80;
	[sflag:s23] =	ssyncadd.s32 $0xFFFFFD80  }
0x3e: {  	[tilespmem:s28], [sflag:$0x1] =	stream.linear.gather [spmem:s6], $0x280, $0x38;
	[tilespmem:$0x7B00] =	vst v63  }
0x3f: {  	_ =	swait.ge [sflag:s23], $0x280  }
0x40: {  	[sflag:s23] =	ssyncset.done $0x0  }
0x41: {  	s28 =	simm.s32 $0x3000;
	[sflag:s23] =	ssyncadd.s32 $0xFFFFFD80  }
0x42: {  	[tilespmem:s28], [sflag:$0x1] =	stream.linear.gather [spmem:s7], $0x280, $0x38;
	[tilespmem:$0x7B00] =	vst v63  }
0x43: {  	_ =	swait.ge [sflag:s23], $0x280  }
0x44: {  	[sflag:s23] =	ssyncset.done $0x0  }
0x45: {  	s28 =	simm.s32 $0x3280;
	[sflag:s23] =	ssyncadd.s32 $0xFFFFFD80  }
0x46: {  	[tilespmem:s28], [sflag:$0x1] =	stream.linear.gather [spmem:s8], $0x280, $0x38;
	[tilespmem:$0x7B00] =	vst v63  }
0x47: {  	_ =	swait.ge [sflag:s23], $0x280  }
0x48: {  	[sflag:s23] =	ssyncset.done $0x0  }
0x49: {  	s28 =	simm.s32 $0x3500;
	[sflag:s23] =	ssyncadd.s32 $0xFFFFFD80  }
0x4a: {  	[tilespmem:s28], [sflag:$0x1] =	stream.linear.gather [spmem:s9], $0x280, $0x38;
	[tilespmem:$0x7B00] =	vst v63  }
0x4b: {  	_ =	swait.ge [sflag:s23], $0x280  }
0x4c: {  	[sflag:s23] =	ssyncset.done $0x0  }
0x4d: {  	s28 =	simm.s32 $0x3780;
	[sflag:s23] =	ssyncadd.s32 $0xFFFFFD80  }
0x4e: {  	[tilespmem:s28], [sflag:$0x1] =	stream.linear.gather [spmem:s10], $0x280, $0x38;
	[tilespmem:$0x7B00] =	vst v63  }
0x4f: {  	_ =	swait.ge [sflag:s23], $0x280  }
0x50: {  	[sflag:s23] =	ssyncset.done $0x0  }
0x51: {  	s28 =	simm.s32 $0x3A00;
	[sflag:s23] =	ssyncadd.s32 $0xFFFFFD80  }
0x52: {  	[tilespmem:s28], [sflag:$0x1] =	stream.linear.gather [spmem:s11], $0x280, $0x38;
	[tilespmem:$0x7B00] =	vst v63  }
0x53: {  	_ =	swait.ge [sflag:s23], $0x280  }
0x54: {  	[sflag:s23] =	ssyncset.done $0x0  }
0x55: {  	s28 =	simm.s32 $0x3C80;
	[sflag:s23] =	ssyncadd.s32 $0xFFFFFD80  }
0x56: {  	[tilespmem:s28], [sflag:$0x1] =	stream.linear.gather [spmem:s12], $0x280, $0x38;
	[tilespmem:$0x7B00] =	vst v63  }
0x57: {  	_ =	swait.ge [sflag:s23], $0x280  }
0x58: {  	[sflag:s23] =	ssyncset.done $0x0  }
0x59: {  	s28 =	simm.s32 $0x3F00;
	[sflag:s23] =	ssyncadd.s32 $0xFFFFFD80  }
0x5a: {  	[tilespmem:s28], [sflag:$0x1] =	stream.linear.gather [spmem:s13], $0x280, $0x38;
	[tilespmem:$0x7B00] =	vst v63  }
0x5b: {  	_ =	swait.ge [sflag:s23], $0x280  }
0x5c: {  	[sflag:s23] =	ssyncset.done $0x0  }
0x5d: {  	s28 =	simm.s32 $0x4180;
	[sflag:s23] =	ssyncadd.s32 $0xFFFFFD80  }
0x5e: {  	[tilespmem:s28], [sflag:$0x1] =	stream.linear.gather [spmem:s14], $0x280, $0x38;
	[tilespmem:$0x7B00] =	vst v63  }
0x5f: {  	_ =	swait.ge [sflag:s23], $0x280  }
0x60: {  	[sflag:s23] =	ssyncset.done $0x0  }
0x61: {  	s28 =	simm.s32 $0x4400;
	[sflag:s23] =	ssyncadd.s32 $0xFFFFFD80  }
0x62: {  	[tilespmem:s28], [sflag:$0x1] =	stream.linear.gather [spmem:s15], $0x280, $0x38;
	[tilespmem:$0x7B00] =	vst v63  }
0x63: {  	_ =	swait.ge [sflag:s23], $0x280  }
0x64: {  	[sflag:s23] =	ssyncset.done $0x0  }
0x65: {  	s28 =	simm.s32 $0x4680;
	[sflag:s23] =	ssyncadd.s32 $0xFFFFFD80  }
0x66: {  	[tilespmem:s28], [sflag:$0x1] =	stream.linear.gather [spmem:s16], $0x280, $0x38;
	[tilespmem:$0x7B00] =	vst v63  }
0x67: {  	_ =	swait.ge [sflag:s23], $0x280  }
0x68: {  	[sflag:s23] =	ssyncset.done $0x0  }
0x69: {  	s28 =	simm.s32 $0x4900;
	[sflag:s23] =	ssyncadd.s32 $0xFFFFFD80  }
0x6a: {  	[tilespmem:s28], [sflag:$0x1] =	stream.linear.gather [spmem:s17], $0x280, $0x38;
	[tilespmem:$0x7B00] =	vst v63  }
0x6b: {  	_ =	swait.ge [sflag:s23], $0x280  }
0x6c: {  	[sflag:s23] =	ssyncset.done $0x0  }
0x6d: {  	s28 =	simm.s32 $0x4B80;
	[sflag:s23] =	ssyncadd.s32 $0xFFFFFD80  }
0x6e: {  	[tilespmem:s28], [sflag:$0x1] =	stream.linear.gather [spmem:s18], $0x280, $0x38;
	[tilespmem:$0x7B00] =	vst v63  }
0x6f: {  	_ =	swait.ge [sflag:s23], $0x280  }
0x70: {  	[sflag:s23] =	ssyncset.done $0x0  }
0x71: {  	[sflag:s23] =	ssyncadd.s32 $0xFFFFFD80  }
0x72: {  	[tilespmem:s1], [sflag:$0x1] =	stream.linear.gather [spmem:s19], $0x280, $0x38;
	[tilespmem:$0x7B00] =	vst v63  }
0x73: {  	_ =	swait.ge [sflag:s23], $0x280  }
0x74: {  	[sflag:s23] =	ssyncset.done $0x0  }
0x75: {  	[sflag:s23] =	ssyncadd.s32 $0xFFFFFD80  }
0x76: {  	s28 =	simm.s32 $0x0;
	v2 =	vld [tilespmem:s26+$0x0]  }
0x77: {  	s31 =	sand.u32 $0x3F0, s28  }
0x78: {  	v3 =	vld [tilespmem:s31+$0x2B00];
	_ =	sdelay $0x1  }
0x79: {  	v4 =	vld [tilespmem:s31+$0x2D80]  }
0x7a: {  	v2 =	vadd.f32 $0.0e+00, v2  }
0x7b: {  	v5 =	vld [tilespmem:s31+$0x3000]  }
0x7c: {  	v2 =	vadd.f32 v3, v2  }
0x7d: {  	v3 =	vld [tilespmem:s31+$0x3280]  }
0x7e: {  	v2 =	vadd.f32 v4, v2  }
0x7f: {  	v56 =	vld [tilespmem:s31+$0x3500]  }
0x80: {  	v2 =	vadd.f32 v5, v2  }
0x81: {  	v57 =	vld [tilespmem:s31+$0x3780]  }
0x82: {  	v2 =	vadd.f32 v3, v2  }
0x83: {  	v3 =	vld [tilespmem:s31+$0x3A00]  }
0x84: {  	v2 =	vadd.f32 v56, v2  }
0x85: {  	v58 =	vld [tilespmem:s31+$0x3C80]  }
0x86: {  	v2 =	vadd.f32 v57, v2  }
0x87: {  	v59 =	vld [tilespmem:s31+$0x3F00]  }
0x88: {  	v2 =	vadd.f32 v3, v2  }
0x89: {  	v3 =	vld [tilespmem:s31+$0x4180]  }
0x8a: {  	v2 =	vadd.f32 v58, v2  }
0x8b: {  	v60 =	vld [tilespmem:s31+$0x4400]  }
0x8c: {  	v2 =	vadd.f32 v59, v2  }
0x8d: {  	v61 =	vld [tilespmem:s31+$0x4680]  }
0x8e: {  	v2 =	vadd.f32 v3, v2  }
0x8f: {  	v3 =	vld [tilespmem:s31+$0x4900]  }
0x90: {  	v2 =	vadd.f32 v60, v2  }
0x91: {  	v62 =	vld [tilespmem:s31+$0x4B80]  }
0x92: {  	v2 =	vadd.f32 v61, v2  }
0x93: {  	v63 =	vld [tilespmem:s31+$0x4E00]  }
0x94: {  	v2 =	vadd.f32 v3, v2;
	_ =	sdelay $0x1  }
0x95: {  	v2 =	vadd.f32 v62, v2;
	_ =	sdelay $0x1  }
0x96: {  	v2 =	vadd.f32 v63, v2  }
0x97: {  	s26 =	simm.s32 $0x5080  }
0x98: {  	s28 =	simm.s32 $0x2890;
	[tilespmem:s26+$0x0] =	vst v2  }
0x99: {  	s29 =	simm.s32 $0x10;
	s30 =	simm.s32 $0x20;
	v2 =	vld [tilespmem:s28+$0x0]  }
.LBB2_6:
0x9a: {  	p0 =	sne.s32 s30, $0x270;
	s31 =	sand.u32 $0x3F0, s29;
	s29 =	smov.u32 s30  }
0x9b: {  	v3 =	vld [tilespmem:s31+$0x2B00];
	_ =	sdelay $0x1  }
0x9c: {  	v4 =	vld [tilespmem:s31+$0x2D80]  }
0x9d: {  	v2 =	vadd.f32 $0.0e+00, v2  }
0x9e: {  	v5 =	vld [tilespmem:s31+$0x3000]  }
0x9f: {  	v2 =	vadd.f32 v3, v2  }
0xa0: {  	v3 =	vld [tilespmem:s31+$0x3280]  }
0xa1: {  	v2 =	vadd.f32 v4, v2  }
0xa2: {  	v4 =	vld [tilespmem:s31+$0x3500]  }
0xa3: {  	v2 =	vadd.f32 v5, v2  }
0xa4: {  	v5 =	vld [tilespmem:s31+$0x3780]  }
0xa5: {  	v2 =	vadd.f32 v3, v2  }
0xa6: {  	v3 =	vld [tilespmem:s31+$0x3A00]  }
0xa7: {  	v2 =	vadd.f32 v4, v2  }
0xa8: {  	v4 =	vld [tilespmem:s31+$0x3C80]  }
0xa9: {  	v2 =	vadd.f32 v5, v2  }
0xaa: {  	v5 =	vld [tilespmem:s31+$0x3F00]  }
0xab: {  	v2 =	vadd.f32 v3, v2  }
0xac: {  	v3 =	vld [tilespmem:s31+$0x4180]  }
0xad: {  	v2 =	vadd.f32 v4, v2  }
0xae: {  	v4 =	vld [tilespmem:s31+$0x4400]  }
0xaf: {  	v2 =	vadd.f32 v5, v2  }
0xb0: {  	v5 =	vld [tilespmem:s31+$0x4680]  }
0xb1: {  	v2 =	vadd.f32 v3, v2  }
0xb2: {  	v3 =	vld [tilespmem:s31+$0x4900]  }
0xb3: {  	v2 =	vadd.f32 v4, v2  }
0xb4: {  	v4 =	vld [tilespmem:s31+$0x4B80]  }
0xb5: {  	v2 =	vadd.f32 v5, v2  }
0xb6: {  	v5 =	vld [tilespmem:s31+$0x4E00]  }
0xb7: {  	v2 =	vadd.f32 v3, v2;
	_ =	sdelay $0x1  }
0xb8: {  	v2 =	vadd.f32 v4, v2  }
.Ltmp2:
0xb9: {  	(pc) =	sbr.rel @p0 .LBB2_6-.Ltmp2, $4  }
0xba: {  	v2 =	vadd.f32 v5, v2  }
0xbb: {  	s26 =	sadd.s32 $0x10, s26  }
0xbc: {  	s28 =	sadd.s32 $0x10, s28;
	[tilespmem:s26+$0x0] =	vst v2  }
0xbd: {  	s30 =	sadd.s32 $0x10, s30;
	v2 =	vld [tilespmem:s28+$0x0]  }
0xbe: {  	s28 =	sand.u32 $0x3F0, s29  }
0xbf: {  	v3 =	vld [tilespmem:s28+$0x2B00];
	_ =	sdelay $0x1  }
0xc0: {  	v4 =	vld [tilespmem:s28+$0x2D80]  }
0xc1: {  	v2 =	vadd.f32 $0.0e+00, v2  }
0xc2: {  	v5 =	vld [tilespmem:s28+$0x3000]  }
0xc3: {  	v2 =	vadd.f32 v3, v2  }
0xc4: {  	v3 =	vld [tilespmem:s28+$0x3280]  }
0xc5: {  	v2 =	vadd.f32 v4, v2  }
0xc6: {  	v56 =	vld [tilespmem:s28+$0x3500]  }
0xc7: {  	v2 =	vadd.f32 v5, v2  }
0xc8: {  	v57 =	vld [tilespmem:s28+$0x3780]  }
0xc9: {  	v2 =	vadd.f32 v3, v2  }
0xca: {  	v3 =	vld [tilespmem:s28+$0x3A00]  }
0xcb: {  	v2 =	vadd.f32 v56, v2  }
0xcc: {  	v58 =	vld [tilespmem:s28+$0x3C80]  }
0xcd: {  	v2 =	vadd.f32 v57, v2  }
0xce: {  	v59 =	vld [tilespmem:s28+$0x3F00]  }
0xcf: {  	v2 =	vadd.f32 v3, v2  }
0xd0: {  	v3 =	vld [tilespmem:s28+$0x4180]  }
0xd1: {  	v2 =	vadd.f32 v58, v2  }
0xd2: {  	v60 =	vld [tilespmem:s28+$0x4400]  }
0xd3: {  	v2 =	vadd.f32 v59, v2  }
0xd4: {  	v61 =	vld [tilespmem:s28+$0x4680]  }
0xd5: {  	v2 =	vadd.f32 v3, v2  }
0xd6: {  	v3 =	vld [tilespmem:s28+$0x4900]  }
0xd7: {  	v2 =	vadd.f32 v60, v2  }
0xd8: {  	v62 =	vld [tilespmem:s28+$0x4B80]  }
0xd9: {  	v2 =	vadd.f32 v61, v2  }
0xda: {  	v63 =	vld [tilespmem:s28+$0x4E00]  }
0xdb: {  	v2 =	vadd.f32 v3, v2;
	_ =	sdelay $0x1  }
0xdc: {  	v2 =	vadd.f32 v62, v2;
	_ =	sdelay $0x1  }
0xdd: {  	s25 =	sadd.s32 $0x1, s25;
	v2 =	vadd.f32 v63, v2  }
0xde: {  	s26 =	sadd.s32 $0x10, s26;
	p0 =	sne.s32 s25, s21  }
.Ltmp3:
0xdf: {  	[tilespmem:s26+$0x0] =	vst v2;
	(pc) =	sbr.rel @p0 .LBB2_1-.Ltmp3, $4  }
0xe0: {  	[hbm4b:s20+s2] =	stream.linear.scatter [tilespmem:s0], [sflag:$0x1], $0x280, $0x38;
	[tilespmem:$0x7B00] =	vst v63  }
0xe1: {  	_ =	swait.ge [sflag:s23], $0x280  }
0xe2: {  	[sflag:s23] =	ssyncset.done $0x0  }
0xe3: {  	[sflag:s23] =	ssyncadd.s32 $0xFFFFFD80  }
0xe4: {  	_ =	sfence.sel $0x180000  }
0xe5: {  	[bflag:$0x0] =	sbarrier.arrive $0xFFFF  }
0xe6: {  	_ =	strace $0x90000047  }
0xe7: {  	s0 =	stileid.u32;
	[bflag:$0x2] =	sbarrier.arrive $0xFFFF  }
0xe8: {  	p0 =	sne.s32 s0, $0x0;
	s0 =	rddreg [dreg:$0x3]  }
0xe9: {  	s0 =	sadd.s32 @!p0 $0x100000, s0  }
0xea: {  	[sflag:s0] =	ssyncadd.tile.s32 @!p0 $0x1;
	_ =	shalt  }
.Lfunc_end2:
_tile_overlayer_lowered:
.L_overlay_start_2:
0xeb: {  	(tag) =	ssettag $0x2  }
0xec: {  	s0 =	rddreg [dreg:$0x0];
	s2 =	stileid.u32  }
0xed: {  	s1 =	rddreg [dreg:$0x1];
	p0 =	sne.s32 s2, $0x0  }
0xee: {  	s3 =	rddreg [dreg:$0x2];
	[bflag:$0x3] =	sbarrier.arrive $0xFFFF;
	s2 =	simm.s32 @!p0 $0x1C01  }
0xef: {  	[timem:s3], [sflag:s2] =	dma.local @!p0 [hbm:s0], s1  }
0xf0: {  	s0 =	simm.s32 @!p0 $0x1  }
0xf1: {  	_ =	swait.ge @!p0 [sflag:s0], s1  }
0xf2: {  	s1 =	ssub.s32 @!p0 $0x0, s1;
	[sflag:s0] =	ssyncset.done @!p0 $0x0  }
0xf3: {  	[sflag:s0] =	ssyncadd.s32 @!p0 s1  }
0xf4: {  	[bflag:$0x3] =	sbarrier.arrive $0xFFFF  }
0xf5: {  	_ =	shalt  }

</sc_bundles>
